<compile_context>
chip_gen: v7x
topology: tpu7x:2x2x1
jax: 0.10.2.dev20260603
libtpu: 0.0.44.dev20260713+nightly
codegen_flags: <defaults>
</compile_context>

<pallas_src>
import functools

import jax
import jax.numpy as jnp
from jax import lax
from jax.experimental import pallas as pl
from jax.experimental.pallas import tpu as pltpu
from jax.experimental.pallas import tpu_sc as plsc

B, L, D, V = 16384, 200, 32, 100000
NC, NS = 2, 16
NW = NC * NS
TOK = B * L
PER_W = TOK // NW
IDXW = 100
GPC = 16
CTOK = IDXW * GPC
NCH = PER_W // CTOK
NBUF = 2
LANES = 16

_mesh = plsc.VectorSubcoreMesh(
    core_axis_name="c", subcore_axis_name="s", num_cores=NC, num_subcores=NS
)


@functools.partial(
    pl.kernel,
    out_type=jax.ShapeDtypeStruct((TOK, D), jnp.float32),
    mesh=_mesh,
    compiler_params=pltpu.CompilerParams(use_tc_tiling_on_sc=False),
    scratch_types=[
        pltpu.VMEM((NBUF, GPC, IDXW), jnp.int32),
        pltpu.VMEM((NBUF, CTOK, D), jnp.float32),
        pltpu.VMEM((L * D,), jnp.float32),
        pltpu.SemaphoreType.DMA,
        pltpu.SemaphoreType.DMA,
        pltpu.SemaphoreType.DMA,
        pltpu.SemaphoreType.DMA,
    ],
)
def _emb_kernel(x2, tab, posf, out, idx_v, rows_v, pos_v, g0, g1, o0, o1):
    gsem = (g0, g1)
    osem = (o0, o1)
    wid = lax.axis_index("s") * NC + lax.axis_index("c")
    base_tok = wid * PER_W
    base_row = wid * (PER_W // IDXW)

    pltpu.sync_copy(posf, pos_v)

    def issue_gathers(c, b):
        pltpu.sync_copy(x2.at[pl.ds(base_row + c * GPC, GPC)], idx_v.at[b])
        for j in range(GPC):
            pltpu.make_async_copy(
                tab.at[idx_v.at[b].at[j]],
                rows_v.at[b].at[pl.ds(j * IDXW, IDXW)],
                gsem[b],
            ).start()

    def drain_gathers(b):
        pltpu.make_async_copy(tab.at[pl.ds(0, CTOK)], rows_v.at[b], gsem[b]).wait()

    def add_pos(b):
        rv = rows_v.at[b]

        def body_fn(r, carry):
            p0 = pos_v[pl.ds(r * D, LANES)]
            p1 = pos_v[pl.ds(r * D + LANES, LANES)]
            for rep in range(CTOK // L):
                row = rep * L + r
                rv[row, pl.ds(0, LANES)] = rv[row, pl.ds(0, LANES)] + p0
                rv[row, pl.ds(LANES, LANES)] = rv[row, pl.ds(LANES, LANES)] + p1
            return carry

        lax.fori_loop(0, L, body_fn, 0)

    def issue_store(c, b):
        pltpu.make_async_copy(
            rows_v.at[b], out.at[pl.ds(base_tok + c * CTOK, CTOK)], osem[b]
        ).start()

    def drain_store(c, b):
        pltpu.make_async_copy(
            rows_v.at[b], out.at[pl.ds(base_tok + c * CTOK, CTOK)], osem[b]
        ).wait()

    for b in range(NBUF):
        issue_gathers(b, b)

    def chunk_body(cc, carry):
        for b in range(NBUF):
            c = cc * NBUF + b
            drain_gathers(b)
            add_pos(b)
            issue_store(c, b)

            @pl.when(c + NBUF < NCH)
            def _prefetch():
                drain_store(c, b)
                issue_gathers(c + NBUF, b)

        return carry

    lax.fori_loop(0, NCH // NBUF, chunk_body, 0)

    for b in range(NBUF):
        drain_store(NCH - NBUF + b, b)


def kernel(x, token_table, pos_table):
    xf = x.reshape(-1).astype(jnp.int32).reshape(TOK // IDXW, IDXW)
    posf = pos_table.reshape(-1)
    out = _emb_kernel(xf, token_table, posf)
    return out.reshape(B, L, D)

# --- scband reference (transcript-rebuilt; emitter-appended) ---
"""Pipeline reference for scband-token-and-position-embedding-43336220016892 (READ-ONLY COPY).

The authoritative reference and input builder live on the scoring server;
editing this copy changes nothing except your own understanding.
"""

import jax, jax.numpy as jnp
import numpy as np

MAXLEN = 200
VOCAB = 100000
EMBED = 32
BATCH = 16384
SEQ = 200

def setup_inputs(seed: int = 0) -> dict:
    key = jax.random.key(seed)
    k1, k2, k3 = jax.random.split(key, 3)
    x = jax.random.randint(k1, (BATCH, SEQ), 0, VOCAB, dtype=jnp.int64 if jax.config.jax_enable_x64 else jnp.int32)
    token_table = jax.random.normal(k2, (VOCAB, EMBED), dtype=jnp.float32) * 0.02
    pos_table = jax.random.normal(k3, (MAXLEN, EMBED), dtype=jnp.float32) * 0.02
    return {"x": x, "token_table": token_table, "pos_table": pos_table}

def reference(x, token_table, pos_table):
    seqlen = x.shape[-1]
    positions = jnp.arange(0, seqlen)
    pos_emb = jnp.take(pos_table, positions, axis=0)  # [L, D]
    tok_emb = jnp.take(token_table, x, axis=0)        # [B, L, D]
    return tok_emb + pos_emb

if __name__ == "__main__":
    import jax
    _d = setup_inputs()
    print(jax.jit(kernel)(*tuple(_d.values())))

</pallas_src>

<mosaic_0001>
#map = affine_map<(d0, d1) -> (0, 0)>
#map1 = affine_map<(d0, d1) -> (0)>
module attributes {stable_mosaic.version = 14 : i64} {
  func.func @_emb_kernel(%arg0: i32, %arg1: i32, %arg2: memref<32768x100xi32, #tpu.memory_space<hbm>>, %arg3: memref<100000x32xf32, #tpu.memory_space<hbm>>, %arg4: memref<6400xf32, #tpu.memory_space<hbm>>, %arg5: memref<3276800x32xf32, #tpu.memory_space<hbm>>, %arg6: memref<2x16x100xi32, #tpu.memory_space<vmem>>, %arg7: memref<2x1600x32xf32, #tpu.memory_space<vmem>>, %arg8: memref<6400xf32, #tpu.memory_space<vmem>>, %arg9: memref<!tpu.dma_semaphore, #tpu.memory_space<semaphore_mem>>, %arg10: memref<!tpu.dma_semaphore, #tpu.memory_space<semaphore_mem>>, %arg11: memref<!tpu.dma_semaphore, #tpu.memory_space<semaphore_mem>>, %arg12: memref<!tpu.dma_semaphore, #tpu.memory_space<semaphore_mem>>) attributes {dimension_semantics = [#tpu.dimension_semantics<core_parallel>, #tpu.dimension_semantics<subcore_parallel>], iteration_bounds = array<i64: 2, 16>, scalar_prefetch = 0 : i64, scratch_operands = 7 : i64, tpu.core_type = #tpu.core_type<sc_vector_subcore>, window_params = [{transform_indices = #map}, {transform_indices = #map}, {transform_indices = #map1}, {transform_indices = #map}]} {
    %mul3A = arith.constant 2 : i32
    %mul3A_0 = arith.muli %arg1, %mul3A : i32
    %add3A = arith.addi %mul3A_0, %arg0 : i32
    %mul3A_1 = arith.constant 102400 : i32
    %mul3A_2 = arith.muli %add3A, %mul3A_1 : i32
    %mul3A_3 = arith.constant 1024 : i32
    %mul3A_4 = arith.muli %add3A, %mul3A_3 : i32
    "tpu.region"() ({
      %run_scoped3A_683 = tpu.sem_alloc : memref<!tpu.dma_semaphore, #tpu.memory_space<semaphore_mem>>
      tpu.enqueue_dma source(%arg4 : memref<6400xf32, #tpu.memory_space<hbm>>) target(%arg8 : memref<6400xf32, #tpu.memory_space<vmem>>) target_semaphore(%run_scoped3A_683 : memref<!tpu.dma_semaphore, #tpu.memory_space<semaphore_mem>>)
      tpu.wait_dma2 semaphore(%run_scoped3A_683 : memref<!tpu.dma_semaphore, #tpu.memory_space<semaphore_mem>>) src(%arg4 : memref<6400xf32, #tpu.memory_space<hbm>>) dst(%arg8 : memref<6400xf32, #tpu.memory_space<vmem>>)
      tpu.yield
    }) : () -> ()
    %add3A_5 = arith.constant 0 : i32
    %add3A_6 = arith.addi %mul3A_4, %add3A_5 : i32
    %run_scoped3A = arith.constant 0 : i32
    "tpu.region"() ({
      %run_scoped3A_683 = tpu.sem_alloc : memref<!tpu.dma_semaphore, #tpu.memory_space<semaphore_mem>>
      %dma_start3A_684 = arith.constant 0 : i32
      %dma_start3A_685 = arith.constant 0 : i32
      %dma_start3A_686 = tpu.memref_slice %arg6[%run_scoped3A, %dma_start3A_684, %dma_start3A_685] : memref<2x16x100xi32, #tpu.memory_space<vmem>> -> memref<1x16x100xi32, #tpu.memory_space<vmem>>
      %dma_start3A_687 = tpu.memref_squeeze %dma_start3A_686 : memref<1x16x100xi32, #tpu.memory_space<vmem>> -> memref<16x100xi32, #tpu.memory_space<vmem>>
      %dma_start3A_688 = arith.constant 0 : i32
      %dma_start3A_689 = tpu.memref_slice %arg2[%add3A_6, %dma_start3A_688] : memref<32768x100xi32, #tpu.memory_space<hbm>> -> memref<16x100xi32, #tpu.memory_space<hbm>>
      %dma_start3A_690 = arith.constant 0 : i32
      %dma_start3A_691 = arith.constant 0 : i32
      %dma_start3A_692 = tpu.memref_slice %arg6[%run_scoped3A, %dma_start3A_690, %dma_start3A_691] : memref<2x16x100xi32, #tpu.memory_space<vmem>> -> memref<1x16x100xi32, #tpu.memory_space<vmem>>
      %dma_start3A_693 = tpu.memref_squeeze %dma_start3A_692 : memref<1x16x100xi32, #tpu.memory_space<vmem>> -> memref<16x100xi32, #tpu.memory_space<vmem>>
      %dma_start3A_694 = arith.constant 0 : i32
      %dma_start3A_695 = tpu.memref_slice %arg2[%add3A_6, %dma_start3A_694] : memref<32768x100xi32, #tpu.memory_space<hbm>> -> memref<16x100xi32, #tpu.memory_space<hbm>>
      tpu.enqueue_dma source(%dma_start3A_695 : memref<16x100xi32, #tpu.memory_space<hbm>>) target(%dma_start3A_693 : memref<16x100xi32, #tpu.memory_space<vmem>>) target_semaphore(%run_scoped3A_683 : memref<!tpu.dma_semaphore, #tpu.memory_space<semaphore_mem>>)
      %dma_wait3A_696 = arith.constant 0 : i32
      %dma_wait3A_697 = arith.constant 0 : i32
      %dma_wait3A_698 = tpu.memref_slice %arg6[%run_scoped3A, %dma_wait3A_696, %dma_wait3A_697] : memref<2x16x100xi32, #tpu.memory_space<vmem>> -> memref<1x16x100xi32, #tpu.memory_space<vmem>>
      %dma_wait3A_699 = tpu.memref_squeeze %dma_wait3A_698 : memref<1x16x100xi32, #tpu.memory_space<vmem>> -> memref<16x100xi32, #tpu.memory_space<vmem>>
      %dma_wait3A_700 = arith.constant 0 : i32
      %dma_wait3A_701 = tpu.memref_slice %arg2[%add3A_6, %dma_wait3A_700] : memref<32768x100xi32, #tpu.memory_space<hbm>> -> memref<16x100xi32, #tpu.memory_space<hbm>>
      %dma_wait3A_702 = arith.constant 0 : i32
      %dma_wait3A_703 = arith.constant 0 : i32
      %dma_wait3A_704 = tpu.memref_slice %arg6[%run_scoped3A, %dma_wait3A_702, %dma_wait3A_703] : memref<2x16x100xi32, #tpu.memory_space<vmem>> -> memref<1x16x100xi32, #tpu.memory_space<vmem>>
      %dma_wait3A_705 = tpu.memref_squeeze %dma_wait3A_704 : memref<1x16x100xi32, #tpu.memory_space<vmem>> -> memref<16x100xi32, #tpu.memory_space<vmem>>
      %dma_wait3A_706 = arith.constant 0 : i32
      %dma_wait3A_707 = tpu.memref_slice %arg2[%add3A_6, %dma_wait3A_706] : memref<32768x100xi32, #tpu.memory_space<hbm>> -> memref<16x100xi32, #tpu.memory_space<hbm>>
      tpu.wait_dma2 semaphore(%run_scoped3A_683 : memref<!tpu.dma_semaphore, #tpu.memory_space<semaphore_mem>>) src(%dma_wait3A_707 : memref<16x100xi32, #tpu.memory_space<hbm>>) dst(%dma_wait3A_705 : memref<16x100xi32, #tpu.memory_space<vmem>>)
      tpu.yield
    }) : () -> ()
    %dma_start3A = arith.constant 0 : i32
    %dma_start3A_7 = arith.constant 0 : i32
    %dma_start3A_8 = arith.constant 0 : i32
    %dma_start3A_9 = arith.constant 0 : i32
    %dma_start3A_10 = arith.constant 0 : i32
    %dma_start3A_11 = tpu.memref_slice %arg7[%dma_start3A_8, %dma_start3A_9, %dma_start3A_10] : memref<2x1600x32xf32, #tpu.memory_space<vmem>> -> memref<1x1600x32xf32, #tpu.memory_space<vmem>>
    %dma_start3A_12 = tpu.memref_squeeze %dma_start3A_11 : memref<1x1600x32xf32, #tpu.memory_space<vmem>> -> memref<1600x32xf32, #tpu.memory_space<vmem>>
    %dma_start3A_13 = arith.constant 0 : i32
    %dma_start3A_14 = arith.constant 0 : i32
    %dma_start3A_15 = tpu.memref_slice %dma_start3A_12[%dma_start3A_13, %dma_start3A_14] : memref<1600x32xf32, #tpu.memory_space<vmem>> -> memref<100x32xf32, #tpu.memory_space<vmem>>
    %dma_start3A_16 = arith.constant 0 : i32
    %dma_start3A_17 = arith.constant 0 : i32
    %dma_start3A_18 = tpu.memref_slice %arg6[%dma_start3A, %dma_start3A_16, %dma_start3A_17] : memref<2x16x100xi32, #tpu.memory_space<vmem>> -> memref<1x16x100xi32, #tpu.memory_space<vmem>>
    %dma_start3A_19 = tpu.memref_squeeze %dma_start3A_18 : memref<1x16x100xi32, #tpu.memory_space<vmem>> -> memref<16x100xi32, #tpu.memory_space<vmem>>
    %dma_start3A_20 = arith.constant 0 : i32
    %dma_start3A_21 = tpu.memref_slice %dma_start3A_19[%dma_start3A_7, %dma_start3A_20] : memref<16x100xi32, #tpu.memory_space<vmem>> -> memref<1x100xi32, #tpu.memory_space<vmem>>
    %dma_start3A_22 = tpu.memref_squeeze %dma_start3A_21 : memref<1x100xi32, #tpu.memory_space<vmem>> -> memref<100xi32, #tpu.memory_space<vmem>>
    %dma_start3A_23 = arith.constant 0 : i32
    %dma_start3A_24 = arith.constant 0 : i32
    %dma_start3A_25 = tpu.memref_slice %arg3[%dma_start3A_23, %dma_start3A_24] : memref<100000x32xf32, #tpu.memory_space<hbm>> -> memref<100000x32xf32, #tpu.memory_space<hbm>>
    tpu.enqueue_indirect_dma source(%dma_start3A_25 : memref<100000x32xf32, #tpu.memory_space<hbm>>) target(%dma_start3A_15 : memref<100x32xf32, #tpu.memory_space<vmem>>) offsets(%dma_start3A_22 : memref<100xi32, #tpu.memory_space<vmem>>) semaphore(%arg9 : memref<!tpu.dma_semaphore, #tpu.memory_space<semaphore_mem>>)
    %dma_start3A_26 = arith.constant 0 : i32
    %dma_start3A_27 = arith.constant 1 : i32
    %dma_start3A_28 = arith.constant 0 : i32
    %dma_start3A_29 = arith.constant 0 : i32
    %dma_start3A_30 = arith.constant 0 : i32
    %dma_start3A_31 = tpu.memref_slice %arg7[%dma_start3A_28, %dma_start3A_29, %dma_start3A_30] : memref<2x1600x32xf32, #tpu.memory_space<vmem>> -> memref<1x1600x32xf32, #tpu.memory_space<vmem>>
    %dma_start3A_32 = tpu.memref_squeeze %dma_start3A_31 : memref<1x1600x32xf32, #tpu.memory_space<vmem>> -> memref<1600x32xf32, #tpu.memory_space<vmem>>
    %dma_start3A_33 = arith.constant 100 : i32
    %dma_start3A_34 = arith.constant 0 : i32
    %dma_start3A_35 = tpu.memref_slice %dma_start3A_32[%dma_start3A_33, %dma_start3A_34] : memref<1600x32xf32, #tpu.memory_space<vmem>> -> memref<100x32xf32, #tpu.memory_space<vmem>>
    %dma_start3A_36 = arith.constant 0 : i32
    %dma_start3A_37 = arith.constant 0 : i32
    %dma_start3A_38 = tpu.memref_slice %arg6[%dma_start3A_26, %dma_start3A_36, %dma_start3A_37] : memref<2x16x100xi32, #tpu.memory_space<vmem>> -> memref<1x16x100xi32, #tpu.memory_space<vmem>>
    %dma_start3A_39 = tpu.memref_squeeze %dma_start3A_38 : memref<1x16x100xi32, #tpu.memory_space<vmem>> -> memref<16x100xi32, #tpu.memory_space<vmem>>
    %dma_start3A_40 = arith.constant 0 : i32
    %dma_start3A_41 = tpu.memref_slice %dma_start3A_39[%dma_start3A_27, %dma_start3A_40] : memref<16x100xi32, #tpu.memory_space<vmem>> -> memref<1x100xi32, #tpu.memory_space<vmem>>
    %dma_start3A_42 = tpu.memref_squeeze %dma_start3A_41 : memref<1x100xi32, #tpu.memory_space<vmem>> -> memref<100xi32, #tpu.memory_space<vmem>>
    %dma_start3A_43 = arith.constant 0 : i32
    %dma_start3A_44 = arith.constant 0 : i32
    %dma_start3A_45 = tpu.memref_slice %arg3[%dma_start3A_43, %dma_start3A_44] : memref<100000x32xf32, #tpu.memory_space<hbm>> -> memref<100000x32xf32, #tpu.memory_space<hbm>>
    tpu.enqueue_indirect_dma source(%dma_start3A_45 : memref<100000x32xf32, #tpu.memory_space<hbm>>) target(%dma_start3A_35 : memref<100x32xf32, #tpu.memory_space<vmem>>) offsets(%dma_start3A_42 : memref<100xi32, #tpu.memory_space<vmem>>) semaphore(%arg9 : memref<!tpu.dma_semaphore, #tpu.memory_space<semaphore_mem>>)
    %dma_start3A_46 = arith.constant 0 : i32
    %dma_start3A_47 = arith.constant 2 : i32
    %dma_start3A_48 = arith.constant 0 : i32
    %dma_start3A_49 = arith.constant 0 : i32
    %dma_start3A_50 = arith.constant 0 : i32
    %dma_start3A_51 = tpu.memref_slice %arg7[%dma_start3A_48, %dma_start3A_49, %dma_start3A_50] : memref<2x1600x32xf32, #tpu.memory_space<vmem>> -> memref<1x1600x32xf32, #tpu.memory_space<vmem>>
    %dma_start3A_52 = tpu.memref_squeeze %dma_start3A_51 : memref<1x1600x32xf32, #tpu.memory_space<vmem>> -> memref<1600x32xf32, #tpu.memory_space<vmem>>
    %dma_start3A_53 = arith.constant 200 : i32
    %dma_start3A_54 = arith.constant 0 : i32
    %dma_start3A_55 = tpu.memref_slice %dma_start3A_52[%dma_start3A_53, %dma_start3A_54] : memref<1600x32xf32, #tpu.memory_space<vmem>> -> memref<100x32xf32, #tpu.memory_space<vmem>>
    %dma_start3A_56 = arith.constant 0 : i32
    %dma_start3A_57 = arith.constant 0 : i32
    %dma_start3A_58 = tpu.memref_slice %arg6[%dma_start3A_46, %dma_start3A_56, %dma_start3A_57] : memref<2x16x100xi32, #tpu.memory_space<vmem>> -> memref<1x16x100xi32, #tpu.memory_space<vmem>>
    %dma_start3A_59 = tpu.memref_squeeze %dma_start3A_58 : memref<1x16x100xi32, #tpu.memory_space<vmem>> -> memref<16x100xi32, #tpu.memory_space<vmem>>
    %dma_start3A_60 = arith.constant 0 : i32
    %dma_start3A_61 = tpu.memref_slice %dma_start3A_59[%dma_start3A_47, %dma_start3A_60] : memref<16x100xi32, #tpu.memory_space<vmem>> -> memref<1x100xi32, #tpu.memory_space<vmem>>
    %dma_start3A_62 = tpu.memref_squeeze %dma_start3A_61 : memref<1x100xi32, #tpu.memory_space<vmem>> -> memref<100xi32, #tpu.memory_space<vmem>>
    %dma_start3A_63 = arith.constant 0 : i32
    %dma_start3A_64 = arith.constant 0 : i32
    %dma_start3A_65 = tpu.memref_slice %arg3[%dma_start3A_63, %dma_start3A_64] : memref<100000x32xf32, #tpu.memory_space<hbm>> -> memref<100000x32xf32, #tpu.memory_space<hbm>>
    tpu.enqueue_indirect_dma source(%dma_start3A_65 : memref<100000x32xf32, #tpu.memory_space<hbm>>) target(%dma_start3A_55 : memref<100x32xf32, #tpu.memory_space<vmem>>) offsets(%dma_start3A_62 : memref<100xi32, #tpu.memory_space<vmem>>) semaphore(%arg9 : memref<!tpu.dma_semaphore, #tpu.memory_space<semaphore_mem>>)
    %dma_start3A_66 = arith.constant 0 : i32
    %dma_start3A_67 = arith.constant 3 : i32
    %dma_start3A_68 = arith.constant 0 : i32
    %dma_start3A_69 = arith.constant 0 : i32
    %dma_start3A_70 = arith.constant 0 : i32
    %dma_start3A_71 = tpu.memref_slice %arg7[%dma_start3A_68, %dma_start3A_69, %dma_start3A_70] : memref<2x1600x32xf32, #tpu.memory_space<vmem>> -> memref<1x1600x32xf32, #tpu.memory_space<vmem>>
    %dma_start3A_72 = tpu.memref_squeeze %dma_start3A_71 : memref<1x1600x32xf32, #tpu.memory_space<vmem>> -> memref<1600x32xf32, #tpu.memory_space<vmem>>
    %dma_start3A_73 = arith.constant 300 : i32
    %dma_start3A_74 = arith.constant 0 : i32
    %dma_start3A_75 = tpu.memref_slice %dma_start3A_72[%dma_start3A_73, %dma_start3A_74] : memref<1600x32xf32, #tpu.memory_space<vmem>> -> memref<100x32xf32, #tpu.memory_space<vmem>>
    %dma_start3A_76 = arith.constant 0 : i32
    %dma_start3A_77 = arith.constant 0 : i32
    %dma_start3A_78 = tpu.memref_slice %arg6[%dma_start3A_66, %dma_start3A_76, %dma_start3A_77] : memref<2x16x100xi32, #tpu.memory_space<vmem>> -> memref<1x16x100xi32, #tpu.memory_space<vmem>>
    %dma_start3A_79 = tpu.memref_squeeze %dma_start3A_78 : memref<1x16x100xi32, #tpu.memory_space<vmem>> -> memref<16x100xi32, #tpu.memory_space<vmem>>
    %dma_start3A_80 = arith.constant 0 : i32
    %dma_start3A_81 = tpu.memref_slice %dma_start3A_79[%dma_start3A_67, %dma_start3A_80] : memref<16x100xi32, #tpu.memory_space<vmem>> -> memref<1x100xi32, #tpu.memory_space<vmem>>
    %dma_start3A_82 = tpu.memref_squeeze %dma_start3A_81 : memref<1x100xi32, #tpu.memory_space<vmem>> -> memref<100xi32, #tpu.memory_space<vmem>>
    %dma_start3A_83 = arith.constant 0 : i32
    %dma_start3A_84 = arith.constant 0 : i32
    %dma_start3A_85 = tpu.memref_slice %arg3[%dma_start3A_83, %dma_start3A_84] : memref<100000x32xf32, #tpu.memory_space<hbm>> -> memref<100000x32xf32, #tpu.memory_space<hbm>>
    tpu.enqueue_indirect_dma source(%dma_start3A_85 : memref<100000x32xf32, #tpu.memory_space<hbm>>) target(%dma_start3A_75 : memref<100x32xf32, #tpu.memory_space<vmem>>) offsets(%dma_start3A_82 : memref<100xi32, #tpu.memory_space<vmem>>) semaphore(%arg9 : memref<!tpu.dma_semaphore, #tpu.memory_space<semaphore_mem>>)
    %dma_start3A_86 = arith.constant 0 : i32
    %dma_start3A_87 = arith.constant 4 : i32
    %dma_start3A_88 = arith.constant 0 : i32
    %dma_start3A_89 = arith.constant 0 : i32
    %dma_start3A_90 = arith.constant 0 : i32
    %dma_start3A_91 = tpu.memref_slice %arg7[%dma_start3A_88, %dma_start3A_89, %dma_start3A_90] : memref<2x1600x32xf32, #tpu.memory_space<vmem>> -> memref<1x1600x32xf32, #tpu.memory_space<vmem>>
    %dma_start3A_92 = tpu.memref_squeeze %dma_start3A_91 : memref<1x1600x32xf32, #tpu.memory_space<vmem>> -> memref<1600x32xf32, #tpu.memory_space<vmem>>
    %dma_start3A_93 = arith.constant 400 : i32
    %dma_start3A_94 = arith.constant 0 : i32
    %dma_start3A_95 = tpu.memref_slice %dma_start3A_92[%dma_start3A_93, %dma_start3A_94] : memref<1600x32xf32, #tpu.memory_space<vmem>> -> memref<100x32xf32, #tpu.memory_space<vmem>>
    %dma_start3A_96 = arith.constant 0 : i32
    %dma_start3A_97 = arith.constant 0 : i32
    %dma_start3A_98 = tpu.memref_slice %arg6[%dma_start3A_86, %dma_start3A_96, %dma_start3A_97] : memref<2x16x100xi32, #tpu.memory_space<vmem>> -> memref<1x16x100xi32, #tpu.memory_space<vmem>>
    %dma_start3A_99 = tpu.memref_squeeze %dma_start3A_98 : memref<1x16x100xi32, #tpu.memory_space<vmem>> -> memref<16x100xi32, #tpu.memory_space<vmem>>
    %dma_start3A_100 = arith.constant 0 : i32
    %dma_start3A_101 = tpu.memref_slice %dma_start3A_99[%dma_start3A_87, %dma_start3A_100] : memref<16x100xi32, #tpu.memory_space<vmem>> -> memref<1x100xi32, #tpu.memory_space<vmem>>
    %dma_start3A_102 = tpu.memref_squeeze %dma_start3A_101 : memref<1x100xi32, #tpu.memory_space<vmem>> -> memref<100xi32, #tpu.memory_space<vmem>>
    %dma_start3A_103 = arith.constant 0 : i32
    %dma_start3A_104 = arith.constant 0 : i32
    %dma_start3A_105 = tpu.memref_slice %arg3[%dma_start3A_103, %dma_start3A_104] : memref<100000x32xf32, #tpu.memory_space<hbm>> -> memref<100000x32xf32, #tpu.memory_space<hbm>>
    tpu.enqueue_indirect_dma source(%dma_start3A_105 : memref<100000x32xf32, #tpu.memory_space<hbm>>) target(%dma_start3A_95 : memref<100x32xf32, #tpu.memory_space<vmem>>) offsets(%dma_start3A_102 : memref<100xi32, #tpu.memory_space<vmem>>) semaphore(%arg9 : memref<!tpu.dma_semaphore, #tpu.memory_space<semaphore_mem>>)
    %dma_start3A_106 = arith.constant 0 : i32
    %dma_start3A_107 = arith.constant 5 : i32
    %dma_start3A_108 = arith.constant 0 : i32
    %dma_start3A_109 = arith.constant 0 : i32
    %dma_start3A_110 = arith.constant 0 : i32
    %dma_start3A_111 = tpu.memref_slice %arg7[%dma_start3A_108, %dma_start3A_109, %dma_start3A_110] : memref<2x1600x32xf32, #tpu.memory_space<vmem>> -> memref<1x1600x32xf32, #tpu.memory_space<vmem>>
    %dma_start3A_112 = tpu.memref_squeeze %dma_start3A_111 : memref<1x1600x32xf32, #tpu.memory_space<vmem>> -> memref<1600x32xf32, #tpu.memory_space<vmem>>
    %dma_start3A_113 = arith.constant 500 : i32
    %dma_start3A_114 = arith.constant 0 : i32
    %dma_start3A_115 = tpu.memref_slice %dma_start3A_112[%dma_start3A_113, %dma_start3A_114] : memref<1600x32xf32, #tpu.memory_space<vmem>> -> memref<100x32xf32, #tpu.memory_space<vmem>>
    %dma_start3A_116 = arith.constant 0 : i32
    %dma_start3A_117 = arith.constant 0 : i32
    %dma_start3A_118 = tpu.memref_slice %arg6[%dma_start3A_106, %dma_start3A_116, %dma_start3A_117] : memref<2x16x100xi32, #tpu.memory_space<vmem>> -> memref<1x16x100xi32, #tpu.memory_space<vmem>>
    %dma_start3A_119 = tpu.memref_squeeze %dma_start3A_118 : memref<1x16x100xi32, #tpu.memory_space<vmem>> -> memref<16x100xi32, #tpu.memory_space<vmem>>
    %dma_start3A_120 = arith.constant 0 : i32
    %dma_start3A_121 = tpu.memref_slice %dma_start3A_119[%dma_start3A_107, %dma_start3A_120] : memref<16x100xi32, #tpu.memory_space<vmem>> -> memref<1x100xi32, #tpu.memory_space<vmem>>
    %dma_start3A_122 = tpu.memref_squeeze %dma_start3A_121 : memref<1x100xi32, #tpu.memory_space<vmem>> -> memref<100xi32, #tpu.memory_space<vmem>>
    %dma_start3A_123 = arith.constant 0 : i32
    %dma_start3A_124 = arith.constant 0 : i32
    %dma_start3A_125 = tpu.memref_slice %arg3[%dma_start3A_123, %dma_start3A_124] : memref<100000x32xf32, #tpu.memory_space<hbm>> -> memref<100000x32xf32, #tpu.memory_space<hbm>>
    tpu.enqueue_indirect_dma source(%dma_start3A_125 : memref<100000x32xf32, #tpu.memory_space<hbm>>) target(%dma_start3A_115 : memref<100x32xf32, #tpu.memory_space<vmem>>) offsets(%dma_start3A_122 : memref<100xi32, #tpu.memory_space<vmem>>) semaphore(%arg9 : memref<!tpu.dma_semaphore, #tpu.memory_space<semaphore_mem>>)
    %dma_start3A_126 = arith.constant 0 : i32
    %dma_start3A_127 = arith.constant 6 : i32
    %dma_start3A_128 = arith.constant 0 : i32
    %dma_start3A_129 = arith.constant 0 : i32
    %dma_start3A_130 = arith.constant 0 : i32
    %dma_start3A_131 = tpu.memref_slice %arg7[%dma_start3A_128, %dma_start3A_129, %dma_start3A_130] : memref<2x1600x32xf32, #tpu.memory_space<vmem>> -> memref<1x1600x32xf32, #tpu.memory_space<vmem>>
    %dma_start3A_132 = tpu.memref_squeeze %dma_start3A_131 : memref<1x1600x32xf32, #tpu.memory_space<vmem>> -> memref<1600x32xf32, #tpu.memory_space<vmem>>
    %dma_start3A_133 = arith.constant 600 : i32
    %dma_start3A_134 = arith.constant 0 : i32
    %dma_start3A_135 = tpu.memref_slice %dma_start3A_132[%dma_start3A_133, %dma_start3A_134] : memref<1600x32xf32, #tpu.memory_space<vmem>> -> memref<100x32xf32, #tpu.memory_space<vmem>>
    %dma_start3A_136 = arith.constant 0 : i32
    %dma_start3A_137 = arith.constant 0 : i32
    %dma_start3A_138 = tpu.memref_slice %arg6[%dma_start3A_126, %dma_start3A_136, %dma_start3A_137] : memref<2x16x100xi32, #tpu.memory_space<vmem>> -> memref<1x16x100xi32, #tpu.memory_space<vmem>>
    %dma_start3A_139 = tpu.memref_squeeze %dma_start3A_138 : memref<1x16x100xi32, #tpu.memory_space<vmem>> -> memref<16x100xi32, #tpu.memory_space<vmem>>
    %dma_start3A_140 = arith.constant 0 : i32
    %dma_start3A_141 = tpu.memref_slice %dma_start3A_139[%dma_start3A_127, %dma_start3A_140] : memref<16x100xi32, #tpu.memory_space<vmem>> -> memref<1x100xi32, #tpu.memory_space<vmem>>
    %dma_start3A_142 = tpu.memref_squeeze %dma_start3A_141 : memref<1x100xi32, #tpu.memory_space<vmem>> -> memref<100xi32, #tpu.memory_space<vmem>>
    %dma_start3A_143 = arith.constant 0 : i32
    %dma_start3A_144 = arith.constant 0 : i32
    %dma_start3A_145 = tpu.memref_slice %arg3[%dma_start3A_143, %dma_start3A_144] : memref<100000x32xf32, #tpu.memory_space<hbm>> -> memref<100000x32xf32, #tpu.memory_space<hbm>>
    tpu.enqueue_indirect_dma source(%dma_start3A_145 : memref<100000x32xf32, #tpu.memory_space<hbm>>) target(%dma_start3A_135 : memref<100x32xf32, #tpu.memory_space<vmem>>) offsets(%dma_start3A_142 : memref<100xi32, #tpu.memory_space<vmem>>) semaphore(%arg9 : memref<!tpu.dma_semaphore, #tpu.memory_space<semaphore_mem>>)
    %dma_start3A_146 = arith.constant 0 : i32
    %dma_start3A_147 = arith.constant 7 : i32
    %dma_start3A_148 = arith.constant 0 : i32
    %dma_start3A_149 = arith.constant 0 : i32
    %dma_start3A_150 = arith.constant 0 : i32
    %dma_start3A_151 = tpu.memref_slice %arg7[%dma_start3A_148, %dma_start3A_149, %dma_start3A_150] : memref<2x1600x32xf32, #tpu.memory_space<vmem>> -> memref<1x1600x32xf32, #tpu.memory_space<vmem>>
    %dma_start3A_152 = tpu.memref_squeeze %dma_start3A_151 : memref<1x1600x32xf32, #tpu.memory_space<vmem>> -> memref<1600x32xf32, #tpu.memory_space<vmem>>
    %dma_start3A_153 = arith.constant 700 : i32
    %dma_start3A_154 = arith.constant 0 : i32
    %dma_start3A_155 = tpu.memref_slice %dma_start3A_152[%dma_start3A_153, %dma_start3A_154] : memref<1600x32xf32, #tpu.memory_space<vmem>> -> memref<100x32xf32, #tpu.memory_space<vmem>>
    %dma_start3A_156 = arith.constant 0 : i32
    %dma_start3A_157 = arith.constant 0 : i32
    %dma_start3A_158 = tpu.memref_slice %arg6[%dma_start3A_146, %dma_start3A_156, %dma_start3A_157] : memref<2x16x100xi32, #tpu.memory_space<vmem>> -> memref<1x16x100xi32, #tpu.memory_space<vmem>>
    %dma_start3A_159 = tpu.memref_squeeze %dma_start3A_158 : memref<1x16x100xi32, #tpu.memory_space<vmem>> -> memref<16x100xi32, #tpu.memory_space<vmem>>
    %dma_start3A_160 = arith.constant 0 : i32
    %dma_start3A_161 = tpu.memref_slice %dma_start3A_159[%dma_start3A_147, %dma_start3A_160] : memref<16x100xi32, #tpu.memory_space<vmem>> -> memref<1x100xi32, #tpu.memory_space<vmem>>
    %dma_start3A_162 = tpu.memref_squeeze %dma_start3A_161 : memref<1x100xi32, #tpu.memory_space<vmem>> -> memref<100xi32, #tpu.memory_space<vmem>>
    %dma_start3A_163 = arith.constant 0 : i32
    %dma_start3A_164 = arith.constant 0 : i32
    %dma_start3A_165 = tpu.memref_slice %arg3[%dma_start3A_163, %dma_start3A_164] : memref<100000x32xf32, #tpu.memory_space<hbm>> -> memref<100000x32xf32, #tpu.memory_space<hbm>>
    tpu.enqueue_indirect_dma source(%dma_start3A_165 : memref<100000x32xf32, #tpu.memory_space<hbm>>) target(%dma_start3A_155 : memref<100x32xf32, #tpu.memory_space<vmem>>) offsets(%dma_start3A_162 : memref<100xi32, #tpu.memory_space<vmem>>) semaphore(%arg9 : memref<!tpu.dma_semaphore, #tpu.memory_space<semaphore_mem>>)
    %dma_start3A_166 = arith.constant 0 : i32
    %dma_start3A_167 = arith.constant 8 : i32
    %dma_start3A_168 = arith.constant 0 : i32
    %dma_start3A_169 = arith.constant 0 : i32
    %dma_start3A_170 = arith.constant 0 : i32
    %dma_start3A_171 = tpu.memref_slice %arg7[%dma_start3A_168, %dma_start3A_169, %dma_start3A_170] : memref<2x1600x32xf32, #tpu.memory_space<vmem>> -> memref<1x1600x32xf32, #tpu.memory_space<vmem>>
    %dma_start3A_172 = tpu.memref_squeeze %dma_start3A_171 : memref<1x1600x32xf32, #tpu.memory_space<vmem>> -> memref<1600x32xf32, #tpu.memory_space<vmem>>
    %dma_start3A_173 = arith.constant 800 : i32
    %dma_start3A_174 = arith.constant 0 : i32
    %dma_start3A_175 = tpu.memref_slice %dma_start3A_172[%dma_start3A_173, %dma_start3A_174] : memref<1600x32xf32, #tpu.memory_space<vmem>> -> memref<100x32xf32, #tpu.memory_space<vmem>>
    %dma_start3A_176 = arith.constant 0 : i32
    %dma_start3A_177 = arith.constant 0 : i32
    %dma_start3A_178 = tpu.memref_slice %arg6[%dma_start3A_166, %dma_start3A_176, %dma_start3A_177] : memref<2x16x100xi32, #tpu.memory_space<vmem>> -> memref<1x16x100xi32, #tpu.memory_space<vmem>>
    %dma_start3A_179 = tpu.memref_squeeze %dma_start3A_178 : memref<1x16x100xi32, #tpu.memory_space<vmem>> -> memref<16x100xi32, #tpu.memory_space<vmem>>
    %dma_start3A_180 = arith.constant 0 : i32
    %dma_start3A_181 = tpu.memref_slice %dma_start3A_179[%dma_start3A_167, %dma_start3A_180] : memref<16x100xi32, #tpu.memory_space<vmem>> -> memref<1x100xi32, #tpu.memory_space<vmem>>
    %dma_start3A_182 = tpu.memref_squeeze %dma_start3A_181 : memref<1x100xi32, #tpu.memory_space<vmem>> -> memref<100xi32, #tpu.memory_space<vmem>>
    %dma_start3A_183 = arith.constant 0 : i32
    %dma_start3A_184 = arith.constant 0 : i32
    %dma_start3A_185 = tpu.memref_slice %arg3[%dma_start3A_183, %dma_start3A_184] : memref<100000x32xf32, #tpu.memory_space<hbm>> -> memref<100000x32xf32, #tpu.memory_space<hbm>>
    tpu.enqueue_indirect_dma source(%dma_start3A_185 : memref<100000x32xf32, #tpu.memory_space<hbm>>) target(%dma_start3A_175 : memref<100x32xf32, #tpu.memory_space<vmem>>) offsets(%dma_start3A_182 : memref<100xi32, #tpu.memory_space<vmem>>) semaphore(%arg9 : memref<!tpu.dma_semaphore, #tpu.memory_space<semaphore_mem>>)
    %dma_start3A_186 = arith.constant 0 : i32
    %dma_start3A_187 = arith.constant 9 : i32
    %dma_start3A_188 = arith.constant 0 : i32
    %dma_start3A_189 = arith.constant 0 : i32
    %dma_start3A_190 = arith.constant 0 : i32
    %dma_start3A_191 = tpu.memref_slice %arg7[%dma_start3A_188, %dma_start3A_189, %dma_start3A_190] : memref<2x1600x32xf32, #tpu.memory_space<vmem>> -> memref<1x1600x32xf32, #tpu.memory_space<vmem>>
    %dma_start3A_192 = tpu.memref_squeeze %dma_start3A_191 : memref<1x1600x32xf32, #tpu.memory_space<vmem>> -> memref<1600x32xf32, #tpu.memory_space<vmem>>
    %dma_start3A_193 = arith.constant 900 : i32
    %dma_start3A_194 = arith.constant 0 : i32
    %dma_start3A_195 = tpu.memref_slice %dma_start3A_192[%dma_start3A_193, %dma_start3A_194] : memref<1600x32xf32, #tpu.memory_space<vmem>> -> memref<100x32xf32, #tpu.memory_space<vmem>>
    %dma_start3A_196 = arith.constant 0 : i32
    %dma_start3A_197 = arith.constant 0 : i32
    %dma_start3A_198 = tpu.memref_slice %arg6[%dma_start3A_186, %dma_start3A_196, %dma_start3A_197] : memref<2x16x100xi32, #tpu.memory_space<vmem>> -> memref<1x16x100xi32, #tpu.memory_space<vmem>>
    %dma_start3A_199 = tpu.memref_squeeze %dma_start3A_198 : memref<1x16x100xi32, #tpu.memory_space<vmem>> -> memref<16x100xi32, #tpu.memory_space<vmem>>
    %dma_start3A_200 = arith.constant 0 : i32
    %dma_start3A_201 = tpu.memref_slice %dma_start3A_199[%dma_start3A_187, %dma_start3A_200] : memref<16x100xi32, #tpu.memory_space<vmem>> -> memref<1x100xi32, #tpu.memory_space<vmem>>
    %dma_start3A_202 = tpu.memref_squeeze %dma_start3A_201 : memref<1x100xi32, #tpu.memory_space<vmem>> -> memref<100xi32, #tpu.memory_space<vmem>>
    %dma_start3A_203 = arith.constant 0 : i32
    %dma_start3A_204 = arith.constant 0 : i32
    %dma_start3A_205 = tpu.memref_slice %arg3[%dma_start3A_203, %dma_start3A_204] : memref<100000x32xf32, #tpu.memory_space<hbm>> -> memref<100000x32xf32, #tpu.memory_space<hbm>>
    tpu.enqueue_indirect_dma source(%dma_start3A_205 : memref<100000x32xf32, #tpu.memory_space<hbm>>) target(%dma_start3A_195 : memref<100x32xf32, #tpu.memory_space<vmem>>) offsets(%dma_start3A_202 : memref<100xi32, #tpu.memory_space<vmem>>) semaphore(%arg9 : memref<!tpu.dma_semaphore, #tpu.memory_space<semaphore_mem>>)
    %dma_start3A_206 = arith.constant 0 : i32
    %dma_start3A_207 = arith.constant 10 : i32
    %dma_start3A_208 = arith.constant 0 : i32
    %dma_start3A_209 = arith.constant 0 : i32
    %dma_start3A_210 = arith.constant 0 : i32
    %dma_start3A_211 = tpu.memref_slice %arg7[%dma_start3A_208, %dma_start3A_209, %dma_start3A_210] : memref<2x1600x32xf32, #tpu.memory_space<vmem>> -> memref<1x1600x32xf32, #tpu.memory_space<vmem>>
    %dma_start3A_212 = tpu.memref_squeeze %dma_start3A_211 : memref<1x1600x32xf32, #tpu.memory_space<vmem>> -> memref<1600x32xf32, #tpu.memory_space<vmem>>
    %dma_start3A_213 = arith.constant 1000 : i32
    %dma_start3A_214 = arith.constant 0 : i32
    %dma_start3A_215 = tpu.memref_slice %dma_start3A_212[%dma_start3A_213, %dma_start3A_214] : memref<1600x32xf32, #tpu.memory_space<vmem>> -> memref<100x32xf32, #tpu.memory_space<vmem>>
    %dma_start3A_216 = arith.constant 0 : i32
    %dma_start3A_217 = arith.constant 0 : i32
    %dma_start3A_218 = tpu.memref_slice %arg6[%dma_start3A_206, %dma_start3A_216, %dma_start3A_217] : memref<2x16x100xi32, #tpu.memory_space<vmem>> -> memref<1x16x100xi32, #tpu.memory_space<vmem>>
    %dma_start3A_219 = tpu.memref_squeeze %dma_start3A_218 : memref<1x16x100xi32, #tpu.memory_space<vmem>> -> memref<16x100xi32, #tpu.memory_space<vmem>>
    %dma_start3A_220 = arith.constant 0 : i32
    %dma_start3A_221 = tpu.memref_slice %dma_start3A_219[%dma_start3A_207, %dma_start3A_220] : memref<16x100xi32, #tpu.memory_space<vmem>> -> memref<1x100xi32, #tpu.memory_space<vmem>>
    %dma_start3A_222 = tpu.memref_squeeze %dma_start3A_221 : memref<1x100xi32, #tpu.memory_space<vmem>> -> memref<100xi32, #tpu.memory_space<vmem>>
    %dma_start3A_223 = arith.constant 0 : i32
    %dma_start3A_224 = arith.constant 0 : i32
    %dma_start3A_225 = tpu.memref_slice %arg3[%dma_start3A_223, %dma_start3A_224] : memref<100000x32xf32, #tpu.memory_space<hbm>> -> memref<100000x32xf32, #tpu.memory_space<hbm>>
    tpu.enqueue_indirect_dma source(%dma_start3A_225 : memref<100000x32xf32, #tpu.memory_space<hbm>>) target(%dma_start3A_215 : memref<100x32xf32, #tpu.memory_space<vmem>>) offsets(%dma_start3A_222 : memref<100xi32, #tpu.memory_space<vmem>>) semaphore(%arg9 : memref<!tpu.dma_semaphore, #tpu.memory_space<semaphore_mem>>)
    %dma_start3A_226 = arith.constant 0 : i32
    %dma_start3A_227 = arith.constant 11 : i32
    %dma_start3A_228 = arith.constant 0 : i32
    %dma_start3A_229 = arith.constant 0 : i32
    %dma_start3A_230 = arith.constant 0 : i32
    %dma_start3A_231 = tpu.memref_slice %arg7[%dma_start3A_228, %dma_start3A_229, %dma_start3A_230] : memref<2x1600x32xf32, #tpu.memory_space<vmem>> -> memref<1x1600x32xf32, #tpu.memory_space<vmem>>
    %dma_start3A_232 = tpu.memref_squeeze %dma_start3A_231 : memref<1x1600x32xf32, #tpu.memory_space<vmem>> -> memref<1600x32xf32, #tpu.memory_space<vmem>>
    %dma_start3A_233 = arith.constant 1100 : i32
    %dma_start3A_234 = arith.constant 0 : i32
    %dma_start3A_235 = tpu.memref_slice %dma_start3A_232[%dma_start3A_233, %dma_start3A_234] : memref<1600x32xf32, #tpu.memory_space<vmem>> -> memref<100x32xf32, #tpu.memory_space<vmem>>
    %dma_start3A_236 = arith.constant 0 : i32
    %dma_start3A_237 = arith.constant 0 : i32
    %dma_start3A_238 = tpu.memref_slice %arg6[%dma_start3A_226, %dma_start3A_236, %dma_start3A_237] : memref<2x16x100xi32, #tpu.memory_space<vmem>> -> memref<1x16x100xi32, #tpu.memory_space<vmem>>
    %dma_start3A_239 = tpu.memref_squeeze %dma_start3A_238 : memref<1x16x100xi32, #tpu.memory_space<vmem>> -> memref<16x100xi32, #tpu.memory_space<vmem>>
    %dma_start3A_240 = arith.constant 0 : i32
    %dma_start3A_241 = tpu.memref_slice %dma_start3A_239[%dma_start3A_227, %dma_start3A_240] : memref<16x100xi32, #tpu.memory_space<vmem>> -> memref<1x100xi32, #tpu.memory_space<vmem>>
    %dma_start3A_242 = tpu.memref_squeeze %dma_start3A_241 : memref<1x100xi32, #tpu.memory_space<vmem>> -> memref<100xi32, #tpu.memory_space<vmem>>
    %dma_start3A_243 = arith.constant 0 : i32
    %dma_start3A_244 = arith.constant 0 : i32
    %dma_start3A_245 = tpu.memref_slice %arg3[%dma_start3A_243, %dma_start3A_244] : memref<100000x32xf32, #tpu.memory_space<hbm>> -> memref<100000x32xf32, #tpu.memory_space<hbm>>
    tpu.enqueue_indirect_dma source(%dma_start3A_245 : memref<100000x32xf32, #tpu.memory_space<hbm>>) target(%dma_start3A_235 : memref<100x32xf32, #tpu.memory_space<vmem>>) offsets(%dma_start3A_242 : memref<100xi32, #tpu.memory_space<vmem>>) semaphore(%arg9 : memref<!tpu.dma_semaphore, #tpu.memory_space<semaphore_mem>>)
    %dma_start3A_246 = arith.constant 0 : i32
    %dma_start3A_247 = arith.constant 12 : i32
    %dma_start3A_248 = arith.constant 0 : i32
    %dma_start3A_249 = arith.constant 0 : i32
    %dma_start3A_250 = arith.constant 0 : i32
    %dma_start3A_251 = tpu.memref_slice %arg7[%dma_start3A_248, %dma_start3A_249, %dma_start3A_250] : memref<2x1600x32xf32, #tpu.memory_space<vmem>> -> memref<1x1600x32xf32, #tpu.memory_space<vmem>>
    %dma_start3A_252 = tpu.memref_squeeze %dma_start3A_251 : memref<1x1600x32xf32, #tpu.memory_space<vmem>> -> memref<1600x32xf32, #tpu.memory_space<vmem>>
    %dma_start3A_253 = arith.constant 1200 : i32
    %dma_start3A_254 = arith.constant 0 : i32
    %dma_start3A_255 = tpu.memref_slice %dma_start3A_252[%dma_start3A_253, %dma_start3A_254] : memref<1600x32xf32, #tpu.memory_space<vmem>> -> memref<100x32xf32, #tpu.memory_space<vmem>>
    %dma_start3A_256 = arith.constant 0 : i32
    %dma_start3A_257 = arith.constant 0 : i32
    %dma_start3A_258 = tpu.memref_slice %arg6[%dma_start3A_246, %dma_start3A_256, %dma_start3A_257] : memref<2x16x100xi32, #tpu.memory_space<vmem>> -> memref<1x16x100xi32, #tpu.memory_space<vmem>>
    %dma_start3A_259 = tpu.memref_squeeze %dma_start3A_258 : memref<1x16x100xi32, #tpu.memory_space<vmem>> -> memref<16x100xi32, #tpu.memory_space<vmem>>
    %dma_start3A_260 = arith.constant 0 : i32
    %dma_start3A_261 = tpu.memref_slice %dma_start3A_259[%dma_start3A_247, %dma_start3A_260] : memref<16x100xi32, #tpu.memory_space<vmem>> -> memref<1x100xi32, #tpu.memory_space<vmem>>
    %dma_start3A_262 = tpu.memref_squeeze %dma_start3A_261 : memref<1x100xi32, #tpu.memory_space<vmem>> -> memref<100xi32, #tpu.memory_space<vmem>>
    %dma_start3A_263 = arith.constant 0 : i32
    %dma_start3A_264 = arith.constant 0 : i32
    %dma_start3A_265 = tpu.memref_slice %arg3[%dma_start3A_263, %dma_start3A_264] : memref<100000x32xf32, #tpu.memory_space<hbm>> -> memref<100000x32xf32, #tpu.memory_space<hbm>>
    tpu.enqueue_indirect_dma source(%dma_start3A_265 : memref<100000x32xf32, #tpu.memory_space<hbm>>) target(%dma_start3A_255 : memref<100x32xf32, #tpu.memory_space<vmem>>) offsets(%dma_start3A_262 : memref<100xi32, #tpu.memory_space<vmem>>) semaphore(%arg9 : memref<!tpu.dma_semaphore, #tpu.memory_space<semaphore_mem>>)
    %dma_start3A_266 = arith.constant 0 : i32
    %dma_start3A_267 = arith.constant 13 : i32
    %dma_start3A_268 = arith.constant 0 : i32
    %dma_start3A_269 = arith.constant 0 : i32
    %dma_start3A_270 = arith.constant 0 : i32
    %dma_start3A_271 = tpu.memref_slice %arg7[%dma_start3A_268, %dma_start3A_269, %dma_start3A_270] : memref<2x1600x32xf32, #tpu.memory_space<vmem>> -> memref<1x1600x32xf32, #tpu.memory_space<vmem>>
    %dma_start3A_272 = tpu.memref_squeeze %dma_start3A_271 : memref<1x1600x32xf32, #tpu.memory_space<vmem>> -> memref<1600x32xf32, #tpu.memory_space<vmem>>
    %dma_start3A_273 = arith.constant 1300 : i32
    %dma_start3A_274 = arith.constant 0 : i32
    %dma_start3A_275 = tpu.memref_slice %dma_start3A_272[%dma_start3A_273, %dma_start3A_274] : memref<1600x32xf32, #tpu.memory_space<vmem>> -> memref<100x32xf32, #tpu.memory_space<vmem>>
    %dma_start3A_276 = arith.constant 0 : i32
    %dma_start3A_277 = arith.constant 0 : i32
    %dma_start3A_278 = tpu.memref_slice %arg6[%dma_start3A_266, %dma_start3A_276, %dma_start3A_277] : memref<2x16x100xi32, #tpu.memory_space<vmem>> -> memref<1x16x100xi32, #tpu.memory_space<vmem>>
    %dma_start3A_279 = tpu.memref_squeeze %dma_start3A_278 : memref<1x16x100xi32, #tpu.memory_space<vmem>> -> memref<16x100xi32, #tpu.memory_space<vmem>>
    %dma_start3A_280 = arith.constant 0 : i32
    %dma_start3A_281 = tpu.memref_slice %dma_start3A_279[%dma_start3A_267, %dma_start3A_280] : memref<16x100xi32, #tpu.memory_space<vmem>> -> memref<1x100xi32, #tpu.memory_space<vmem>>
    %dma_start3A_282 = tpu.memref_squeeze %dma_start3A_281 : memref<1x100xi32, #tpu.memory_space<vmem>> -> memref<100xi32, #tpu.memory_space<vmem>>
    %dma_start3A_283 = arith.constant 0 : i32
    %dma_start3A_284 = arith.constant 0 : i32
    %dma_start3A_285 = tpu.memref_slice %arg3[%dma_start3A_283, %dma_start3A_284] : memref<100000x32xf32, #tpu.memory_space<hbm>> -> memref<100000x32xf32, #tpu.memory_space<hbm>>
    tpu.enqueue_indirect_dma source(%dma_start3A_285 : memref<100000x32xf32, #tpu.memory_space<hbm>>) target(%dma_start3A_275 : memref<100x32xf32, #tpu.memory_space<vmem>>) offsets(%dma_start3A_282 : memref<100xi32, #tpu.memory_space<vmem>>) semaphore(%arg9 : memref<!tpu.dma_semaphore, #tpu.memory_space<semaphore_mem>>)
    %dma_start3A_286 = arith.constant 0 : i32
    %dma_start3A_287 = arith.constant 14 : i32
    %dma_start3A_288 = arith.constant 0 : i32
    %dma_start3A_289 = arith.constant 0 : i32
    %dma_start3A_290 = arith.constant 0 : i32
    %dma_start3A_291 = tpu.memref_slice %arg7[%dma_start3A_288, %dma_start3A_289, %dma_start3A_290] : memref<2x1600x32xf32, #tpu.memory_space<vmem>> -> memref<1x1600x32xf32, #tpu.memory_space<vmem>>
    %dma_start3A_292 = tpu.memref_squeeze %dma_start3A_291 : memref<1x1600x32xf32, #tpu.memory_space<vmem>> -> memref<1600x32xf32, #tpu.memory_space<vmem>>
    %dma_start3A_293 = arith.constant 1400 : i32
    %dma_start3A_294 = arith.constant 0 : i32
    %dma_start3A_295 = tpu.memref_slice %dma_start3A_292[%dma_start3A_293, %dma_start3A_294] : memref<1600x32xf32, #tpu.memory_space<vmem>> -> memref<100x32xf32, #tpu.memory_space<vmem>>
    %dma_start3A_296 = arith.constant 0 : i32
    %dma_start3A_297 = arith.constant 0 : i32
    %dma_start3A_298 = tpu.memref_slice %arg6[%dma_start3A_286, %dma_start3A_296, %dma_start3A_297] : memref<2x16x100xi32, #tpu.memory_space<vmem>> -> memref<1x16x100xi32, #tpu.memory_space<vmem>>
    %dma_start3A_299 = tpu.memref_squeeze %dma_start3A_298 : memref<1x16x100xi32, #tpu.memory_space<vmem>> -> memref<16x100xi32, #tpu.memory_space<vmem>>
    %dma_start3A_300 = arith.constant 0 : i32
    %dma_start3A_301 = tpu.memref_slice %dma_start3A_299[%dma_start3A_287, %dma_start3A_300] : memref<16x100xi32, #tpu.memory_space<vmem>> -> memref<1x100xi32, #tpu.memory_space<vmem>>
    %dma_start3A_302 = tpu.memref_squeeze %dma_start3A_301 : memref<1x100xi32, #tpu.memory_space<vmem>> -> memref<100xi32, #tpu.memory_space<vmem>>
    %dma_start3A_303 = arith.constant 0 : i32
    %dma_start3A_304 = arith.constant 0 : i32
    %dma_start3A_305 = tpu.memref_slice %arg3[%dma_start3A_303, %dma_start3A_304] : memref<100000x32xf32, #tpu.memory_space<hbm>> -> memref<100000x32xf32, #tpu.memory_space<hbm>>
    tpu.enqueue_indirect_dma source(%dma_start3A_305 : memref<100000x32xf32, #tpu.memory_space<hbm>>) target(%dma_start3A_295 : memref<100x32xf32, #tpu.memory_space<vmem>>) offsets(%dma_start3A_302 : memref<100xi32, #tpu.memory_space<vmem>>) semaphore(%arg9 : memref<!tpu.dma_semaphore, #tpu.memory_space<semaphore_mem>>)
    %dma_start3A_306 = arith.constant 0 : i32
    %dma_start3A_307 = arith.constant 15 : i32
    %dma_start3A_308 = arith.constant 0 : i32
    %dma_start3A_309 = arith.constant 0 : i32
    %dma_start3A_310 = arith.constant 0 : i32
    %dma_start3A_311 = tpu.memref_slice %arg7[%dma_start3A_308, %dma_start3A_309, %dma_start3A_310] : memref<2x1600x32xf32, #tpu.memory_space<vmem>> -> memref<1x1600x32xf32, #tpu.memory_space<vmem>>
    %dma_start3A_312 = tpu.memref_squeeze %dma_start3A_311 : memref<1x1600x32xf32, #tpu.memory_space<vmem>> -> memref<1600x32xf32, #tpu.memory_space<vmem>>
    %dma_start3A_313 = arith.constant 1500 : i32
    %dma_start3A_314 = arith.constant 0 : i32
    %dma_start3A_315 = tpu.memref_slice %dma_start3A_312[%dma_start3A_313, %dma_start3A_314] : memref<1600x32xf32, #tpu.memory_space<vmem>> -> memref<100x32xf32, #tpu.memory_space<vmem>>
    %dma_start3A_316 = arith.constant 0 : i32
    %dma_start3A_317 = arith.constant 0 : i32
    %dma_start3A_318 = tpu.memref_slice %arg6[%dma_start3A_306, %dma_start3A_316, %dma_start3A_317] : memref<2x16x100xi32, #tpu.memory_space<vmem>> -> memref<1x16x100xi32, #tpu.memory_space<vmem>>
    %dma_start3A_319 = tpu.memref_squeeze %dma_start3A_318 : memref<1x16x100xi32, #tpu.memory_space<vmem>> -> memref<16x100xi32, #tpu.memory_space<vmem>>
    %dma_start3A_320 = arith.constant 0 : i32
    %dma_start3A_321 = tpu.memref_slice %dma_start3A_319[%dma_start3A_307, %dma_start3A_320] : memref<16x100xi32, #tpu.memory_space<vmem>> -> memref<1x100xi32, #tpu.memory_space<vmem>>
    %dma_start3A_322 = tpu.memref_squeeze %dma_start3A_321 : memref<1x100xi32, #tpu.memory_space<vmem>> -> memref<100xi32, #tpu.memory_space<vmem>>
    %dma_start3A_323 = arith.constant 0 : i32
    %dma_start3A_324 = arith.constant 0 : i32
    %dma_start3A_325 = tpu.memref_slice %arg3[%dma_start3A_323, %dma_start3A_324] : memref<100000x32xf32, #tpu.memory_space<hbm>> -> memref<100000x32xf32, #tpu.memory_space<hbm>>
    tpu.enqueue_indirect_dma source(%dma_start3A_325 : memref<100000x32xf32, #tpu.memory_space<hbm>>) target(%dma_start3A_315 : memref<100x32xf32, #tpu.memory_space<vmem>>) offsets(%dma_start3A_322 : memref<100xi32, #tpu.memory_space<vmem>>) semaphore(%arg9 : memref<!tpu.dma_semaphore, #tpu.memory_space<semaphore_mem>>)
    %add3A_326 = arith.constant 16 : i32
    %add3A_327 = arith.addi %mul3A_4, %add3A_326 : i32
    %run_scoped3A_328 = arith.constant 1 : i32
    "tpu.region"() ({
      %run_scoped3A_683 = tpu.sem_alloc : memref<!tpu.dma_semaphore, #tpu.memory_space<semaphore_mem>>
      %dma_start3A_684 = arith.constant 0 : i32
      %dma_start3A_685 = arith.constant 0 : i32
      %dma_start3A_686 = tpu.memref_slice %arg6[%run_scoped3A_328, %dma_start3A_684, %dma_start3A_685] : memref<2x16x100xi32, #tpu.memory_space<vmem>> -> memref<1x16x100xi32, #tpu.memory_space<vmem>>
      %dma_start3A_687 = tpu.memref_squeeze %dma_start3A_686 : memref<1x16x100xi32, #tpu.memory_space<vmem>> -> memref<16x100xi32, #tpu.memory_space<vmem>>
      %dma_start3A_688 = arith.constant 0 : i32
      %dma_start3A_689 = tpu.memref_slice %arg2[%add3A_327, %dma_start3A_688] : memref<32768x100xi32, #tpu.memory_space<hbm>> -> memref<16x100xi32, #tpu.memory_space<hbm>>
      %dma_start3A_690 = arith.constant 0 : i32
      %dma_start3A_691 = arith.constant 0 : i32
      %dma_start3A_692 = tpu.memref_slice %arg6[%run_scoped3A_328, %dma_start3A_690, %dma_start3A_691] : memref<2x16x100xi32, #tpu.memory_space<vmem>> -> memref<1x16x100xi32, #tpu.memory_space<vmem>>
      %dma_start3A_693 = tpu.memref_squeeze %dma_start3A_692 : memref<1x16x100xi32, #tpu.memory_space<vmem>> -> memref<16x100xi32, #tpu.memory_space<vmem>>
      %dma_start3A_694 = arith.constant 0 : i32
      %dma_start3A_695 = tpu.memref_slice %arg2[%add3A_327, %dma_start3A_694] : memref<32768x100xi32, #tpu.memory_space<hbm>> -> memref<16x100xi32, #tpu.memory_space<hbm>>
      tpu.enqueue_dma source(%dma_start3A_695 : memref<16x100xi32, #tpu.memory_space<hbm>>) target(%dma_start3A_693 : memref<16x100xi32, #tpu.memory_space<vmem>>) target_semaphore(%run_scoped3A_683 : memref<!tpu.dma_semaphore, #tpu.memory_space<semaphore_mem>>)
      %dma_wait3A_696 = arith.constant 0 : i32
      %dma_wait3A_697 = arith.constant 0 : i32
      %dma_wait3A_698 = tpu.memref_slice %arg6[%run_scoped3A_328, %dma_wait3A_696, %dma_wait3A_697] : memref<2x16x100xi32, #tpu.memory_space<vmem>> -> memref<1x16x100xi32, #tpu.memory_space<vmem>>
      %dma_wait3A_699 = tpu.memref_squeeze %dma_wait3A_698 : memref<1x16x100xi32, #tpu.memory_space<vmem>> -> memref<16x100xi32, #tpu.memory_space<vmem>>
      %dma_wait3A_700 = arith.constant 0 : i32
      %dma_wait3A_701 = tpu.memref_slice %arg2[%add3A_327, %dma_wait3A_700] : memref<32768x100xi32, #tpu.memory_space<hbm>> -> memref<16x100xi32, #tpu.memory_space<hbm>>
      %dma_wait3A_702 = arith.constant 0 : i32
      %dma_wait3A_703 = arith.constant 0 : i32
      %dma_wait3A_704 = tpu.memref_slice %arg6[%run_scoped3A_328, %dma_wait3A_702, %dma_wait3A_703] : memref<2x16x100xi32, #tpu.memory_space<vmem>> -> memref<1x16x100xi32, #tpu.memory_space<vmem>>
      %dma_wait3A_705 = tpu.memref_squeeze %dma_wait3A_704 : memref<1x16x100xi32, #tpu.memory_space<vmem>> -> memref<16x100xi32, #tpu.memory_space<vmem>>
      %dma_wait3A_706 = arith.constant 0 : i32
      %dma_wait3A_707 = tpu.memref_slice %arg2[%add3A_327, %dma_wait3A_706] : memref<32768x100xi32, #tpu.memory_space<hbm>> -> memref<16x100xi32, #tpu.memory_space<hbm>>
      tpu.wait_dma2 semaphore(%run_scoped3A_683 : memref<!tpu.dma_semaphore, #tpu.memory_space<semaphore_mem>>) src(%dma_wait3A_707 : memref<16x100xi32, #tpu.memory_space<hbm>>) dst(%dma_wait3A_705 : memref<16x100xi32, #tpu.memory_space<vmem>>)
      tpu.yield
    }) : () -> ()
    %dma_start3A_329 = arith.constant 1 : i32
    %dma_start3A_330 = arith.constant 0 : i32
    %dma_start3A_331 = arith.constant 1 : i32
    %dma_start3A_332 = arith.constant 0 : i32
    %dma_start3A_333 = arith.constant 0 : i32
    %dma_start3A_334 = tpu.memref_slice %arg7[%dma_start3A_331, %dma_start3A_332, %dma_start3A_333] : memref<2x1600x32xf32, #tpu.memory_space<vmem>> -> memref<1x1600x32xf32, #tpu.memory_space<vmem>>
    %dma_start3A_335 = tpu.memref_squeeze %dma_start3A_334 : memref<1x1600x32xf32, #tpu.memory_space<vmem>> -> memref<1600x32xf32, #tpu.memory_space<vmem>>
    %dma_start3A_336 = arith.constant 0 : i32
    %dma_start3A_337 = arith.constant 0 : i32
    %dma_start3A_338 = tpu.memref_slice %dma_start3A_335[%dma_start3A_336, %dma_start3A_337] : memref<1600x32xf32, #tpu.memory_space<vmem>> -> memref<100x32xf32, #tpu.memory_space<vmem>>
    %dma_start3A_339 = arith.constant 0 : i32
    %dma_start3A_340 = arith.constant 0 : i32
    %dma_start3A_341 = tpu.memref_slice %arg6[%dma_start3A_329, %dma_start3A_339, %dma_start3A_340] : memref<2x16x100xi32, #tpu.memory_space<vmem>> -> memref<1x16x100xi32, #tpu.memory_space<vmem>>
    %dma_start3A_342 = tpu.memref_squeeze %dma_start3A_341 : memref<1x16x100xi32, #tpu.memory_space<vmem>> -> memref<16x100xi32, #tpu.memory_space<vmem>>
    %dma_start3A_343 = arith.constant 0 : i32
    %dma_start3A_344 = tpu.memref_slice %dma_start3A_342[%dma_start3A_330, %dma_start3A_343] : memref<16x100xi32, #tpu.memory_space<vmem>> -> memref<1x100xi32, #tpu.memory_space<vmem>>
    %dma_start3A_345 = tpu.memref_squeeze %dma_start3A_344 : memref<1x100xi32, #tpu.memory_space<vmem>> -> memref<100xi32, #tpu.memory_space<vmem>>
    %dma_start3A_346 = arith.constant 0 : i32
    %dma_start3A_347 = arith.constant 0 : i32
    %dma_start3A_348 = tpu.memref_slice %arg3[%dma_start3A_346, %dma_start3A_347] : memref<100000x32xf32, #tpu.memory_space<hbm>> -> memref<100000x32xf32, #tpu.memory_space<hbm>>
    tpu.enqueue_indirect_dma source(%dma_start3A_348 : memref<100000x32xf32, #tpu.memory_space<hbm>>) target(%dma_start3A_338 : memref<100x32xf32, #tpu.memory_space<vmem>>) offsets(%dma_start3A_345 : memref<100xi32, #tpu.memory_space<vmem>>) semaphore(%arg10 : memref<!tpu.dma_semaphore, #tpu.memory_space<semaphore_mem>>)
    %dma_start3A_349 = arith.constant 1 : i32
    %dma_start3A_350 = arith.constant 1 : i32
    %dma_start3A_351 = arith.constant 1 : i32
    %dma_start3A_352 = arith.constant 0 : i32
    %dma_start3A_353 = arith.constant 0 : i32
    %dma_start3A_354 = tpu.memref_slice %arg7[%dma_start3A_351, %dma_start3A_352, %dma_start3A_353] : memref<2x1600x32xf32, #tpu.memory_space<vmem>> -> memref<1x1600x32xf32, #tpu.memory_space<vmem>>
    %dma_start3A_355 = tpu.memref_squeeze %dma_start3A_354 : memref<1x1600x32xf32, #tpu.memory_space<vmem>> -> memref<1600x32xf32, #tpu.memory_space<vmem>>
    %dma_start3A_356 = arith.constant 100 : i32
    %dma_start3A_357 = arith.constant 0 : i32
    %dma_start3A_358 = tpu.memref_slice %dma_start3A_355[%dma_start3A_356, %dma_start3A_357] : memref<1600x32xf32, #tpu.memory_space<vmem>> -> memref<100x32xf32, #tpu.memory_space<vmem>>
    %dma_start3A_359 = arith.constant 0 : i32
    %dma_start3A_360 = arith.constant 0 : i32
    %dma_start3A_361 = tpu.memref_slice %arg6[%dma_start3A_349, %dma_start3A_359, %dma_start3A_360] : memref<2x16x100xi32, #tpu.memory_space<vmem>> -> memref<1x16x100xi32, #tpu.memory_space<vmem>>
    %dma_start3A_362 = tpu.memref_squeeze %dma_start3A_361 : memref<1x16x100xi32, #tpu.memory_space<vmem>> -> memref<16x100xi32, #tpu.memory_space<vmem>>
    %dma_start3A_363 = arith.constant 0 : i32
    %dma_start3A_364 = tpu.memref_slice %dma_start3A_362[%dma_start3A_350, %dma_start3A_363] : memref<16x100xi32, #tpu.memory_space<vmem>> -> memref<1x100xi32, #tpu.memory_space<vmem>>
    %dma_start3A_365 = tpu.memref_squeeze %dma_start3A_364 : memref<1x100xi32, #tpu.memory_space<vmem>> -> memref<100xi32, #tpu.memory_space<vmem>>
    %dma_start3A_366 = arith.constant 0 : i32
    %dma_start3A_367 = arith.constant 0 : i32
    %dma_start3A_368 = tpu.memref_slice %arg3[%dma_start3A_366, %dma_start3A_367] : memref<100000x32xf32, #tpu.memory_space<hbm>> -> memref<100000x32xf32, #tpu.memory_space<hbm>>
    tpu.enqueue_indirect_dma source(%dma_start3A_368 : memref<100000x32xf32, #tpu.memory_space<hbm>>) target(%dma_start3A_358 : memref<100x32xf32, #tpu.memory_space<vmem>>) offsets(%dma_start3A_365 : memref<100xi32, #tpu.memory_space<vmem>>) semaphore(%arg10 : memref<!tpu.dma_semaphore, #tpu.memory_space<semaphore_mem>>)
    %dma_start3A_369 = arith.constant 1 : i32
    %dma_start3A_370 = arith.constant 2 : i32
    %dma_start3A_371 = arith.constant 1 : i32
    %dma_start3A_372 = arith.constant 0 : i32
    %dma_start3A_373 = arith.constant 0 : i32
    %dma_start3A_374 = tpu.memref_slice %arg7[%dma_start3A_371, %dma_start3A_372, %dma_start3A_373] : memref<2x1600x32xf32, #tpu.memory_space<vmem>> -> memref<1x1600x32xf32, #tpu.memory_space<vmem>>
    %dma_start3A_375 = tpu.memref_squeeze %dma_start3A_374 : memref<1x1600x32xf32, #tpu.memory_space<vmem>> -> memref<1600x32xf32, #tpu.memory_space<vmem>>
    %dma_start3A_376 = arith.constant 200 : i32
    %dma_start3A_377 = arith.constant 0 : i32
    %dma_start3A_378 = tpu.memref_slice %dma_start3A_375[%dma_start3A_376, %dma_start3A_377] : memref<1600x32xf32, #tpu.memory_space<vmem>> -> memref<100x32xf32, #tpu.memory_space<vmem>>
    %dma_start3A_379 = arith.constant 0 : i32
    %dma_start3A_380 = arith.constant 0 : i32
    %dma_start3A_381 = tpu.memref_slice %arg6[%dma_start3A_369, %dma_start3A_379, %dma_start3A_380] : memref<2x16x100xi32, #tpu.memory_space<vmem>> -> memref<1x16x100xi32, #tpu.memory_space<vmem>>
    %dma_start3A_382 = tpu.memref_squeeze %dma_start3A_381 : memref<1x16x100xi32, #tpu.memory_space<vmem>> -> memref<16x100xi32, #tpu.memory_space<vmem>>
    %dma_start3A_383 = arith.constant 0 : i32
    %dma_start3A_384 = tpu.memref_slice %dma_start3A_382[%dma_start3A_370, %dma_start3A_383] : memref<16x100xi32, #tpu.memory_space<vmem>> -> memref<1x100xi32, #tpu.memory_space<vmem>>
    %dma_start3A_385 = tpu.memref_squeeze %dma_start3A_384 : memref<1x100xi32, #tpu.memory_space<vmem>> -> memref<100xi32, #tpu.memory_space<vmem>>
    %dma_start3A_386 = arith.constant 0 : i32
    %dma_start3A_387 = arith.constant 0 : i32
    %dma_start3A_388 = tpu.memref_slice %arg3[%dma_start3A_386, %dma_start3A_387] : memref<100000x32xf32, #tpu.memory_space<hbm>> -> memref<100000x32xf32, #tpu.memory_space<hbm>>
    tpu.enqueue_indirect_dma source(%dma_start3A_388 : memref<100000x32xf32, #tpu.memory_space<hbm>>) target(%dma_start3A_378 : memref<100x32xf32, #tpu.memory_space<vmem>>) offsets(%dma_start3A_385 : memref<100xi32, #tpu.memory_space<vmem>>) semaphore(%arg10 : memref<!tpu.dma_semaphore, #tpu.memory_space<semaphore_mem>>)
    %dma_start3A_389 = arith.constant 1 : i32
    %dma_start3A_390 = arith.constant 3 : i32
    %dma_start3A_391 = arith.constant 1 : i32
    %dma_start3A_392 = arith.constant 0 : i32
    %dma_start3A_393 = arith.constant 0 : i32
    %dma_start3A_394 = tpu.memref_slice %arg7[%dma_start3A_391, %dma_start3A_392, %dma_start3A_393] : memref<2x1600x32xf32, #tpu.memory_space<vmem>> -> memref<1x1600x32xf32, #tpu.memory_space<vmem>>
    %dma_start3A_395 = tpu.memref_squeeze %dma_start3A_394 : memref<1x1600x32xf32, #tpu.memory_space<vmem>> -> memref<1600x32xf32, #tpu.memory_space<vmem>>
    %dma_start3A_396 = arith.constant 300 : i32
    %dma_start3A_397 = arith.constant 0 : i32
    %dma_start3A_398 = tpu.memref_slice %dma_start3A_395[%dma_start3A_396, %dma_start3A_397] : memref<1600x32xf32, #tpu.memory_space<vmem>> -> memref<100x32xf32, #tpu.memory_space<vmem>>
    %dma_start3A_399 = arith.constant 0 : i32
    %dma_start3A_400 = arith.constant 0 : i32
    %dma_start3A_401 = tpu.memref_slice %arg6[%dma_start3A_389, %dma_start3A_399, %dma_start3A_400] : memref<2x16x100xi32, #tpu.memory_space<vmem>> -> memref<1x16x100xi32, #tpu.memory_space<vmem>>
    %dma_start3A_402 = tpu.memref_squeeze %dma_start3A_401 : memref<1x16x100xi32, #tpu.memory_space<vmem>> -> memref<16x100xi32, #tpu.memory_space<vmem>>
    %dma_start3A_403 = arith.constant 0 : i32
    %dma_start3A_404 = tpu.memref_slice %dma_start3A_402[%dma_start3A_390, %dma_start3A_403] : memref<16x100xi32, #tpu.memory_space<vmem>> -> memref<1x100xi32, #tpu.memory_space<vmem>>
    %dma_start3A_405 = tpu.memref_squeeze %dma_start3A_404 : memref<1x100xi32, #tpu.memory_space<vmem>> -> memref<100xi32, #tpu.memory_space<vmem>>
    %dma_start3A_406 = arith.constant 0 : i32
    %dma_start3A_407 = arith.constant 0 : i32
    %dma_start3A_408 = tpu.memref_slice %arg3[%dma_start3A_406, %dma_start3A_407] : memref<100000x32xf32, #tpu.memory_space<hbm>> -> memref<100000x32xf32, #tpu.memory_space<hbm>>
    tpu.enqueue_indirect_dma source(%dma_start3A_408 : memref<100000x32xf32, #tpu.memory_space<hbm>>) target(%dma_start3A_398 : memref<100x32xf32, #tpu.memory_space<vmem>>) offsets(%dma_start3A_405 : memref<100xi32, #tpu.memory_space<vmem>>) semaphore(%arg10 : memref<!tpu.dma_semaphore, #tpu.memory_space<semaphore_mem>>)
    %dma_start3A_409 = arith.constant 1 : i32
    %dma_start3A_410 = arith.constant 4 : i32
    %dma_start3A_411 = arith.constant 1 : i32
    %dma_start3A_412 = arith.constant 0 : i32
    %dma_start3A_413 = arith.constant 0 : i32
    %dma_start3A_414 = tpu.memref_slice %arg7[%dma_start3A_411, %dma_start3A_412, %dma_start3A_413] : memref<2x1600x32xf32, #tpu.memory_space<vmem>> -> memref<1x1600x32xf32, #tpu.memory_space<vmem>>
    %dma_start3A_415 = tpu.memref_squeeze %dma_start3A_414 : memref<1x1600x32xf32, #tpu.memory_space<vmem>> -> memref<1600x32xf32, #tpu.memory_space<vmem>>
    %dma_start3A_416 = arith.constant 400 : i32
    %dma_start3A_417 = arith.constant 0 : i32
    %dma_start3A_418 = tpu.memref_slice %dma_start3A_415[%dma_start3A_416, %dma_start3A_417] : memref<1600x32xf32, #tpu.memory_space<vmem>> -> memref<100x32xf32, #tpu.memory_space<vmem>>
    %dma_start3A_419 = arith.constant 0 : i32
    %dma_start3A_420 = arith.constant 0 : i32
    %dma_start3A_421 = tpu.memref_slice %arg6[%dma_start3A_409, %dma_start3A_419, %dma_start3A_420] : memref<2x16x100xi32, #tpu.memory_space<vmem>> -> memref<1x16x100xi32, #tpu.memory_space<vmem>>
    %dma_start3A_422 = tpu.memref_squeeze %dma_start3A_421 : memref<1x16x100xi32, #tpu.memory_space<vmem>> -> memref<16x100xi32, #tpu.memory_space<vmem>>
    %dma_start3A_423 = arith.constant 0 : i32
    %dma_start3A_424 = tpu.memref_slice %dma_start3A_422[%dma_start3A_410, %dma_start3A_423] : memref<16x100xi32, #tpu.memory_space<vmem>> -> memref<1x100xi32, #tpu.memory_space<vmem>>
    %dma_start3A_425 = tpu.memref_squeeze %dma_start3A_424 : memref<1x100xi32, #tpu.memory_space<vmem>> -> memref<100xi32, #tpu.memory_space<vmem>>
    %dma_start3A_426 = arith.constant 0 : i32
    %dma_start3A_427 = arith.constant 0 : i32
    %dma_start3A_428 = tpu.memref_slice %arg3[%dma_start3A_426, %dma_start3A_427] : memref<100000x32xf32, #tpu.memory_space<hbm>> -> memref<100000x32xf32, #tpu.memory_space<hbm>>
    tpu.enqueue_indirect_dma source(%dma_start3A_428 : memref<100000x32xf32, #tpu.memory_space<hbm>>) target(%dma_start3A_418 : memref<100x32xf32, #tpu.memory_space<vmem>>) offsets(%dma_start3A_425 : memref<100xi32, #tpu.memory_space<vmem>>) semaphore(%arg10 : memref<!tpu.dma_semaphore, #tpu.memory_space<semaphore_mem>>)
    %dma_start3A_429 = arith.constant 1 : i32
    %dma_start3A_430 = arith.constant 5 : i32
    %dma_start3A_431 = arith.constant 1 : i32
    %dma_start3A_432 = arith.constant 0 : i32
    %dma_start3A_433 = arith.constant 0 : i32
    %dma_start3A_434 = tpu.memref_slice %arg7[%dma_start3A_431, %dma_start3A_432, %dma_start3A_433] : memref<2x1600x32xf32, #tpu.memory_space<vmem>> -> memref<1x1600x32xf32, #tpu.memory_space<vmem>>
    %dma_start3A_435 = tpu.memref_squeeze %dma_start3A_434 : memref<1x1600x32xf32, #tpu.memory_space<vmem>> -> memref<1600x32xf32, #tpu.memory_space<vmem>>
    %dma_start3A_436 = arith.constant 500 : i32
    %dma_start3A_437 = arith.constant 0 : i32
    %dma_start3A_438 = tpu.memref_slice %dma_start3A_435[%dma_start3A_436, %dma_start3A_437] : memref<1600x32xf32, #tpu.memory_space<vmem>> -> memref<100x32xf32, #tpu.memory_space<vmem>>
    %dma_start3A_439 = arith.constant 0 : i32
    %dma_start3A_440 = arith.constant 0 : i32
    %dma_start3A_441 = tpu.memref_slice %arg6[%dma_start3A_429, %dma_start3A_439, %dma_start3A_440] : memref<2x16x100xi32, #tpu.memory_space<vmem>> -> memref<1x16x100xi32, #tpu.memory_space<vmem>>
    %dma_start3A_442 = tpu.memref_squeeze %dma_start3A_441 : memref<1x16x100xi32, #tpu.memory_space<vmem>> -> memref<16x100xi32, #tpu.memory_space<vmem>>
    %dma_start3A_443 = arith.constant 0 : i32
    %dma_start3A_444 = tpu.memref_slice %dma_start3A_442[%dma_start3A_430, %dma_start3A_443] : memref<16x100xi32, #tpu.memory_space<vmem>> -> memref<1x100xi32, #tpu.memory_space<vmem>>
    %dma_start3A_445 = tpu.memref_squeeze %dma_start3A_444 : memref<1x100xi32, #tpu.memory_space<vmem>> -> memref<100xi32, #tpu.memory_space<vmem>>
    %dma_start3A_446 = arith.constant 0 : i32
    %dma_start3A_447 = arith.constant 0 : i32
    %dma_start3A_448 = tpu.memref_slice %arg3[%dma_start3A_446, %dma_start3A_447] : memref<100000x32xf32, #tpu.memory_space<hbm>> -> memref<100000x32xf32, #tpu.memory_space<hbm>>
    tpu.enqueue_indirect_dma source(%dma_start3A_448 : memref<100000x32xf32, #tpu.memory_space<hbm>>) target(%dma_start3A_438 : memref<100x32xf32, #tpu.memory_space<vmem>>) offsets(%dma_start3A_445 : memref<100xi32, #tpu.memory_space<vmem>>) semaphore(%arg10 : memref<!tpu.dma_semaphore, #tpu.memory_space<semaphore_mem>>)
    %dma_start3A_449 = arith.constant 1 : i32
    %dma_start3A_450 = arith.constant 6 : i32
    %dma_start3A_451 = arith.constant 1 : i32
    %dma_start3A_452 = arith.constant 0 : i32
    %dma_start3A_453 = arith.constant 0 : i32
    %dma_start3A_454 = tpu.memref_slice %arg7[%dma_start3A_451, %dma_start3A_452, %dma_start3A_453] : memref<2x1600x32xf32, #tpu.memory_space<vmem>> -> memref<1x1600x32xf32, #tpu.memory_space<vmem>>
    %dma_start3A_455 = tpu.memref_squeeze %dma_start3A_454 : memref<1x1600x32xf32, #tpu.memory_space<vmem>> -> memref<1600x32xf32, #tpu.memory_space<vmem>>
    %dma_start3A_456 = arith.constant 600 : i32
    %dma_start3A_457 = arith.constant 0 : i32
    %dma_start3A_458 = tpu.memref_slice %dma_start3A_455[%dma_start3A_456, %dma_start3A_457] : memref<1600x32xf32, #tpu.memory_space<vmem>> -> memref<100x32xf32, #tpu.memory_space<vmem>>
    %dma_start3A_459 = arith.constant 0 : i32
    %dma_start3A_460 = arith.constant 0 : i32
    %dma_start3A_461 = tpu.memref_slice %arg6[%dma_start3A_449, %dma_start3A_459, %dma_start3A_460] : memref<2x16x100xi32, #tpu.memory_space<vmem>> -> memref<1x16x100xi32, #tpu.memory_space<vmem>>
    %dma_start3A_462 = tpu.memref_squeeze %dma_start3A_461 : memref<1x16x100xi32, #tpu.memory_space<vmem>> -> memref<16x100xi32, #tpu.memory_space<vmem>>
    %dma_start3A_463 = arith.constant 0 : i32
    %dma_start3A_464 = tpu.memref_slice %dma_start3A_462[%dma_start3A_450, %dma_start3A_463] : memref<16x100xi32, #tpu.memory_space<vmem>> -> memref<1x100xi32, #tpu.memory_space<vmem>>
    %dma_start3A_465 = tpu.memref_squeeze %dma_start3A_464 : memref<1x100xi32, #tpu.memory_space<vmem>> -> memref<100xi32, #tpu.memory_space<vmem>>
    %dma_start3A_466 = arith.constant 0 : i32
    %dma_start3A_467 = arith.constant 0 : i32
    %dma_start3A_468 = tpu.memref_slice %arg3[%dma_start3A_466, %dma_start3A_467] : memref<100000x32xf32, #tpu.memory_space<hbm>> -> memref<100000x32xf32, #tpu.memory_space<hbm>>
    tpu.enqueue_indirect_dma source(%dma_start3A_468 : memref<100000x32xf32, #tpu.memory_space<hbm>>) target(%dma_start3A_458 : memref<100x32xf32, #tpu.memory_space<vmem>>) offsets(%dma_start3A_465 : memref<100xi32, #tpu.memory_space<vmem>>) semaphore(%arg10 : memref<!tpu.dma_semaphore, #tpu.memory_space<semaphore_mem>>)
    %dma_start3A_469 = arith.constant 1 : i32
    %dma_start3A_470 = arith.constant 7 : i32
    %dma_start3A_471 = arith.constant 1 : i32
    %dma_start3A_472 = arith.constant 0 : i32
    %dma_start3A_473 = arith.constant 0 : i32
    %dma_start3A_474 = tpu.memref_slice %arg7[%dma_start3A_471, %dma_start3A_472, %dma_start3A_473] : memref<2x1600x32xf32, #tpu.memory_space<vmem>> -> memref<1x1600x32xf32, #tpu.memory_space<vmem>>
    %dma_start3A_475 = tpu.memref_squeeze %dma_start3A_474 : memref<1x1600x32xf32, #tpu.memory_space<vmem>> -> memref<1600x32xf32, #tpu.memory_space<vmem>>
    %dma_start3A_476 = arith.constant 700 : i32
    %dma_start3A_477 = arith.constant 0 : i32
    %dma_start3A_478 = tpu.memref_slice %dma_start3A_475[%dma_start3A_476, %dma_start3A_477] : memref<1600x32xf32, #tpu.memory_space<vmem>> -> memref<100x32xf32, #tpu.memory_space<vmem>>
    %dma_start3A_479 = arith.constant 0 : i32
    %dma_start3A_480 = arith.constant 0 : i32
    %dma_start3A_481 = tpu.memref_slice %arg6[%dma_start3A_469, %dma_start3A_479, %dma_start3A_480] : memref<2x16x100xi32, #tpu.memory_space<vmem>> -> memref<1x16x100xi32, #tpu.memory_space<vmem>>
    %dma_start3A_482 = tpu.memref_squeeze %dma_start3A_481 : memref<1x16x100xi32, #tpu.memory_space<vmem>> -> memref<16x100xi32, #tpu.memory_space<vmem>>
    %dma_start3A_483 = arith.constant 0 : i32
    %dma_start3A_484 = tpu.memref_slice %dma_start3A_482[%dma_start3A_470, %dma_start3A_483] : memref<16x100xi32, #tpu.memory_space<vmem>> -> memref<1x100xi32, #tpu.memory_space<vmem>>
    %dma_start3A_485 = tpu.memref_squeeze %dma_start3A_484 : memref<1x100xi32, #tpu.memory_space<vmem>> -> memref<100xi32, #tpu.memory_space<vmem>>
    %dma_start3A_486 = arith.constant 0 : i32
    %dma_start3A_487 = arith.constant 0 : i32
    %dma_start3A_488 = tpu.memref_slice %arg3[%dma_start3A_486, %dma_start3A_487] : memref<100000x32xf32, #tpu.memory_space<hbm>> -> memref<100000x32xf32, #tpu.memory_space<hbm>>
    tpu.enqueue_indirect_dma source(%dma_start3A_488 : memref<100000x32xf32, #tpu.memory_space<hbm>>) target(%dma_start3A_478 : memref<100x32xf32, #tpu.memory_space<vmem>>) offsets(%dma_start3A_485 : memref<100xi32, #tpu.memory_space<vmem>>) semaphore(%arg10 : memref<!tpu.dma_semaphore, #tpu.memory_space<semaphore_mem>>)
    %dma_start3A_489 = arith.constant 1 : i32
    %dma_start3A_490 = arith.constant 8 : i32
    %dma_start3A_491 = arith.constant 1 : i32
    %dma_start3A_492 = arith.constant 0 : i32
    %dma_start3A_493 = arith.constant 0 : i32
    %dma_start3A_494 = tpu.memref_slice %arg7[%dma_start3A_491, %dma_start3A_492, %dma_start3A_493] : memref<2x1600x32xf32, #tpu.memory_space<vmem>> -> memref<1x1600x32xf32, #tpu.memory_space<vmem>>
    %dma_start3A_495 = tpu.memref_squeeze %dma_start3A_494 : memref<1x1600x32xf32, #tpu.memory_space<vmem>> -> memref<1600x32xf32, #tpu.memory_space<vmem>>
    %dma_start3A_496 = arith.constant 800 : i32
    %dma_start3A_497 = arith.constant 0 : i32
    %dma_start3A_498 = tpu.memref_slice %dma_start3A_495[%dma_start3A_496, %dma_start3A_497] : memref<1600x32xf32, #tpu.memory_space<vmem>> -> memref<100x32xf32, #tpu.memory_space<vmem>>
    %dma_start3A_499 = arith.constant 0 : i32
    %dma_start3A_500 = arith.constant 0 : i32
    %dma_start3A_501 = tpu.memref_slice %arg6[%dma_start3A_489, %dma_start3A_499, %dma_start3A_500] : memref<2x16x100xi32, #tpu.memory_space<vmem>> -> memref<1x16x100xi32, #tpu.memory_space<vmem>>
    %dma_start3A_502 = tpu.memref_squeeze %dma_start3A_501 : memref<1x16x100xi32, #tpu.memory_space<vmem>> -> memref<16x100xi32, #tpu.memory_space<vmem>>
    %dma_start3A_503 = arith.constant 0 : i32
    %dma_start3A_504 = tpu.memref_slice %dma_start3A_502[%dma_start3A_490, %dma_start3A_503] : memref<16x100xi32, #tpu.memory_space<vmem>> -> memref<1x100xi32, #tpu.memory_space<vmem>>
    %dma_start3A_505 = tpu.memref_squeeze %dma_start3A_504 : memref<1x100xi32, #tpu.memory_space<vmem>> -> memref<100xi32, #tpu.memory_space<vmem>>
    %dma_start3A_506 = arith.constant 0 : i32
    %dma_start3A_507 = arith.constant 0 : i32
    %dma_start3A_508 = tpu.memref_slice %arg3[%dma_start3A_506, %dma_start3A_507] : memref<100000x32xf32, #tpu.memory_space<hbm>> -> memref<100000x32xf32, #tpu.memory_space<hbm>>
    tpu.enqueue_indirect_dma source(%dma_start3A_508 : memref<100000x32xf32, #tpu.memory_space<hbm>>) target(%dma_start3A_498 : memref<100x32xf32, #tpu.memory_space<vmem>>) offsets(%dma_start3A_505 : memref<100xi32, #tpu.memory_space<vmem>>) semaphore(%arg10 : memref<!tpu.dma_semaphore, #tpu.memory_space<semaphore_mem>>)
    %dma_start3A_509 = arith.constant 1 : i32
    %dma_start3A_510 = arith.constant 9 : i32
    %dma_start3A_511 = arith.constant 1 : i32
    %dma_start3A_512 = arith.constant 0 : i32
    %dma_start3A_513 = arith.constant 0 : i32
    %dma_start3A_514 = tpu.memref_slice %arg7[%dma_start3A_511, %dma_start3A_512, %dma_start3A_513] : memref<2x1600x32xf32, #tpu.memory_space<vmem>> -> memref<1x1600x32xf32, #tpu.memory_space<vmem>>
    %dma_start3A_515 = tpu.memref_squeeze %dma_start3A_514 : memref<1x1600x32xf32, #tpu.memory_space<vmem>> -> memref<1600x32xf32, #tpu.memory_space<vmem>>
    %dma_start3A_516 = arith.constant 900 : i32
    %dma_start3A_517 = arith.constant 0 : i32
    %dma_start3A_518 = tpu.memref_slice %dma_start3A_515[%dma_start3A_516, %dma_start3A_517] : memref<1600x32xf32, #tpu.memory_space<vmem>> -> memref<100x32xf32, #tpu.memory_space<vmem>>
    %dma_start3A_519 = arith.constant 0 : i32
    %dma_start3A_520 = arith.constant 0 : i32
    %dma_start3A_521 = tpu.memref_slice %arg6[%dma_start3A_509, %dma_start3A_519, %dma_start3A_520] : memref<2x16x100xi32, #tpu.memory_space<vmem>> -> memref<1x16x100xi32, #tpu.memory_space<vmem>>
    %dma_start3A_522 = tpu.memref_squeeze %dma_start3A_521 : memref<1x16x100xi32, #tpu.memory_space<vmem>> -> memref<16x100xi32, #tpu.memory_space<vmem>>
    %dma_start3A_523 = arith.constant 0 : i32
    %dma_start3A_524 = tpu.memref_slice %dma_start3A_522[%dma_start3A_510, %dma_start3A_523] : memref<16x100xi32, #tpu.memory_space<vmem>> -> memref<1x100xi32, #tpu.memory_space<vmem>>
    %dma_start3A_525 = tpu.memref_squeeze %dma_start3A_524 : memref<1x100xi32, #tpu.memory_space<vmem>> -> memref<100xi32, #tpu.memory_space<vmem>>
    %dma_start3A_526 = arith.constant 0 : i32
    %dma_start3A_527 = arith.constant 0 : i32
    %dma_start3A_528 = tpu.memref_slice %arg3[%dma_start3A_526, %dma_start3A_527] : memref<100000x32xf32, #tpu.memory_space<hbm>> -> memref<100000x32xf32, #tpu.memory_space<hbm>>
    tpu.enqueue_indirect_dma source(%dma_start3A_528 : memref<100000x32xf32, #tpu.memory_space<hbm>>) target(%dma_start3A_518 : memref<100x32xf32, #tpu.memory_space<vmem>>) offsets(%dma_start3A_525 : memref<100xi32, #tpu.memory_space<vmem>>) semaphore(%arg10 : memref<!tpu.dma_semaphore, #tpu.memory_space<semaphore_mem>>)
    %dma_start3A_529 = arith.constant 1 : i32
    %dma_start3A_530 = arith.constant 10 : i32
    %dma_start3A_531 = arith.constant 1 : i32
    %dma_start3A_532 = arith.constant 0 : i32
    %dma_start3A_533 = arith.constant 0 : i32
    %dma_start3A_534 = tpu.memref_slice %arg7[%dma_start3A_531, %dma_start3A_532, %dma_start3A_533] : memref<2x1600x32xf32, #tpu.memory_space<vmem>> -> memref<1x1600x32xf32, #tpu.memory_space<vmem>>
    %dma_start3A_535 = tpu.memref_squeeze %dma_start3A_534 : memref<1x1600x32xf32, #tpu.memory_space<vmem>> -> memref<1600x32xf32, #tpu.memory_space<vmem>>
    %dma_start3A_536 = arith.constant 1000 : i32
    %dma_start3A_537 = arith.constant 0 : i32
    %dma_start3A_538 = tpu.memref_slice %dma_start3A_535[%dma_start3A_536, %dma_start3A_537] : memref<1600x32xf32, #tpu.memory_space<vmem>> -> memref<100x32xf32, #tpu.memory_space<vmem>>
    %dma_start3A_539 = arith.constant 0 : i32
    %dma_start3A_540 = arith.constant 0 : i32
    %dma_start3A_541 = tpu.memref_slice %arg6[%dma_start3A_529, %dma_start3A_539, %dma_start3A_540] : memref<2x16x100xi32, #tpu.memory_space<vmem>> -> memref<1x16x100xi32, #tpu.memory_space<vmem>>
    %dma_start3A_542 = tpu.memref_squeeze %dma_start3A_541 : memref<1x16x100xi32, #tpu.memory_space<vmem>> -> memref<16x100xi32, #tpu.memory_space<vmem>>
    %dma_start3A_543 = arith.constant 0 : i32
    %dma_start3A_544 = tpu.memref_slice %dma_start3A_542[%dma_start3A_530, %dma_start3A_543] : memref<16x100xi32, #tpu.memory_space<vmem>> -> memref<1x100xi32, #tpu.memory_space<vmem>>
    %dma_start3A_545 = tpu.memref_squeeze %dma_start3A_544 : memref<1x100xi32, #tpu.memory_space<vmem>> -> memref<100xi32, #tpu.memory_space<vmem>>
    %dma_start3A_546 = arith.constant 0 : i32
    %dma_start3A_547 = arith.constant 0 : i32
    %dma_start3A_548 = tpu.memref_slice %arg3[%dma_start3A_546, %dma_start3A_547] : memref<100000x32xf32, #tpu.memory_space<hbm>> -> memref<100000x32xf32, #tpu.memory_space<hbm>>
    tpu.enqueue_indirect_dma source(%dma_start3A_548 : memref<100000x32xf32, #tpu.memory_space<hbm>>) target(%dma_start3A_538 : memref<100x32xf32, #tpu.memory_space<vmem>>) offsets(%dma_start3A_545 : memref<100xi32, #tpu.memory_space<vmem>>) semaphore(%arg10 : memref<!tpu.dma_semaphore, #tpu.memory_space<semaphore_mem>>)
    %dma_start3A_549 = arith.constant 1 : i32
    %dma_start3A_550 = arith.constant 11 : i32
    %dma_start3A_551 = arith.constant 1 : i32
    %dma_start3A_552 = arith.constant 0 : i32
    %dma_start3A_553 = arith.constant 0 : i32
    %dma_start3A_554 = tpu.memref_slice %arg7[%dma_start3A_551, %dma_start3A_552, %dma_start3A_553] : memref<2x1600x32xf32, #tpu.memory_space<vmem>> -> memref<1x1600x32xf32, #tpu.memory_space<vmem>>
    %dma_start3A_555 = tpu.memref_squeeze %dma_start3A_554 : memref<1x1600x32xf32, #tpu.memory_space<vmem>> -> memref<1600x32xf32, #tpu.memory_space<vmem>>
    %dma_start3A_556 = arith.constant 1100 : i32
    %dma_start3A_557 = arith.constant 0 : i32
    %dma_start3A_558 = tpu.memref_slice %dma_start3A_555[%dma_start3A_556, %dma_start3A_557] : memref<1600x32xf32, #tpu.memory_space<vmem>> -> memref<100x32xf32, #tpu.memory_space<vmem>>
    %dma_start3A_559 = arith.constant 0 : i32
    %dma_start3A_560 = arith.constant 0 : i32
    %dma_start3A_561 = tpu.memref_slice %arg6[%dma_start3A_549, %dma_start3A_559, %dma_start3A_560] : memref<2x16x100xi32, #tpu.memory_space<vmem>> -> memref<1x16x100xi32, #tpu.memory_space<vmem>>
    %dma_start3A_562 = tpu.memref_squeeze %dma_start3A_561 : memref<1x16x100xi32, #tpu.memory_space<vmem>> -> memref<16x100xi32, #tpu.memory_space<vmem>>
    %dma_start3A_563 = arith.constant 0 : i32
    %dma_start3A_564 = tpu.memref_slice %dma_start3A_562[%dma_start3A_550, %dma_start3A_563] : memref<16x100xi32, #tpu.memory_space<vmem>> -> memref<1x100xi32, #tpu.memory_space<vmem>>
    %dma_start3A_565 = tpu.memref_squeeze %dma_start3A_564 : memref<1x100xi32, #tpu.memory_space<vmem>> -> memref<100xi32, #tpu.memory_space<vmem>>
    %dma_start3A_566 = arith.constant 0 : i32
    %dma_start3A_567 = arith.constant 0 : i32
    %dma_start3A_568 = tpu.memref_slice %arg3[%dma_start3A_566, %dma_start3A_567] : memref<100000x32xf32, #tpu.memory_space<hbm>> -> memref<100000x32xf32, #tpu.memory_space<hbm>>
    tpu.enqueue_indirect_dma source(%dma_start3A_568 : memref<100000x32xf32, #tpu.memory_space<hbm>>) target(%dma_start3A_558 : memref<100x32xf32, #tpu.memory_space<vmem>>) offsets(%dma_start3A_565 : memref<100xi32, #tpu.memory_space<vmem>>) semaphore(%arg10 : memref<!tpu.dma_semaphore, #tpu.memory_space<semaphore_mem>>)
    %dma_start3A_569 = arith.constant 1 : i32
    %dma_start3A_570 = arith.constant 12 : i32
    %dma_start3A_571 = arith.constant 1 : i32
    %dma_start3A_572 = arith.constant 0 : i32
    %dma_start3A_573 = arith.constant 0 : i32
    %dma_start3A_574 = tpu.memref_slice %arg7[%dma_start3A_571, %dma_start3A_572, %dma_start3A_573] : memref<2x1600x32xf32, #tpu.memory_space<vmem>> -> memref<1x1600x32xf32, #tpu.memory_space<vmem>>
    %dma_start3A_575 = tpu.memref_squeeze %dma_start3A_574 : memref<1x1600x32xf32, #tpu.memory_space<vmem>> -> memref<1600x32xf32, #tpu.memory_space<vmem>>
    %dma_start3A_576 = arith.constant 1200 : i32
    %dma_start3A_577 = arith.constant 0 : i32
    %dma_start3A_578 = tpu.memref_slice %dma_start3A_575[%dma_start3A_576, %dma_start3A_577] : memref<1600x32xf32, #tpu.memory_space<vmem>> -> memref<100x32xf32, #tpu.memory_space<vmem>>
    %dma_start3A_579 = arith.constant 0 : i32
    %dma_start3A_580 = arith.constant 0 : i32
    %dma_start3A_581 = tpu.memref_slice %arg6[%dma_start3A_569, %dma_start3A_579, %dma_start3A_580] : memref<2x16x100xi32, #tpu.memory_space<vmem>> -> memref<1x16x100xi32, #tpu.memory_space<vmem>>
    %dma_start3A_582 = tpu.memref_squeeze %dma_start3A_581 : memref<1x16x100xi32, #tpu.memory_space<vmem>> -> memref<16x100xi32, #tpu.memory_space<vmem>>
    %dma_start3A_583 = arith.constant 0 : i32
    %dma_start3A_584 = tpu.memref_slice %dma_start3A_582[%dma_start3A_570, %dma_start3A_583] : memref<16x100xi32, #tpu.memory_space<vmem>> -> memref<1x100xi32, #tpu.memory_space<vmem>>
    %dma_start3A_585 = tpu.memref_squeeze %dma_start3A_584 : memref<1x100xi32, #tpu.memory_space<vmem>> -> memref<100xi32, #tpu.memory_space<vmem>>
    %dma_start3A_586 = arith.constant 0 : i32
    %dma_start3A_587 = arith.constant 0 : i32
    %dma_start3A_588 = tpu.memref_slice %arg3[%dma_start3A_586, %dma_start3A_587] : memref<100000x32xf32, #tpu.memory_space<hbm>> -> memref<100000x32xf32, #tpu.memory_space<hbm>>
    tpu.enqueue_indirect_dma source(%dma_start3A_588 : memref<100000x32xf32, #tpu.memory_space<hbm>>) target(%dma_start3A_578 : memref<100x32xf32, #tpu.memory_space<vmem>>) offsets(%dma_start3A_585 : memref<100xi32, #tpu.memory_space<vmem>>) semaphore(%arg10 : memref<!tpu.dma_semaphore, #tpu.memory_space<semaphore_mem>>)
    %dma_start3A_589 = arith.constant 1 : i32
    %dma_start3A_590 = arith.constant 13 : i32
    %dma_start3A_591 = arith.constant 1 : i32
    %dma_start3A_592 = arith.constant 0 : i32
    %dma_start3A_593 = arith.constant 0 : i32
    %dma_start3A_594 = tpu.memref_slice %arg7[%dma_start3A_591, %dma_start3A_592, %dma_start3A_593] : memref<2x1600x32xf32, #tpu.memory_space<vmem>> -> memref<1x1600x32xf32, #tpu.memory_space<vmem>>
    %dma_start3A_595 = tpu.memref_squeeze %dma_start3A_594 : memref<1x1600x32xf32, #tpu.memory_space<vmem>> -> memref<1600x32xf32, #tpu.memory_space<vmem>>
    %dma_start3A_596 = arith.constant 1300 : i32
    %dma_start3A_597 = arith.constant 0 : i32
    %dma_start3A_598 = tpu.memref_slice %dma_start3A_595[%dma_start3A_596, %dma_start3A_597] : memref<1600x32xf32, #tpu.memory_space<vmem>> -> memref<100x32xf32, #tpu.memory_space<vmem>>
    %dma_start3A_599 = arith.constant 0 : i32
    %dma_start3A_600 = arith.constant 0 : i32
    %dma_start3A_601 = tpu.memref_slice %arg6[%dma_start3A_589, %dma_start3A_599, %dma_start3A_600] : memref<2x16x100xi32, #tpu.memory_space<vmem>> -> memref<1x16x100xi32, #tpu.memory_space<vmem>>
    %dma_start3A_602 = tpu.memref_squeeze %dma_start3A_601 : memref<1x16x100xi32, #tpu.memory_space<vmem>> -> memref<16x100xi32, #tpu.memory_space<vmem>>
    %dma_start3A_603 = arith.constant 0 : i32
    %dma_start3A_604 = tpu.memref_slice %dma_start3A_602[%dma_start3A_590, %dma_start3A_603] : memref<16x100xi32, #tpu.memory_space<vmem>> -> memref<1x100xi32, #tpu.memory_space<vmem>>
    %dma_start3A_605 = tpu.memref_squeeze %dma_start3A_604 : memref<1x100xi32, #tpu.memory_space<vmem>> -> memref<100xi32, #tpu.memory_space<vmem>>
    %dma_start3A_606 = arith.constant 0 : i32
    %dma_start3A_607 = arith.constant 0 : i32
    %dma_start3A_608 = tpu.memref_slice %arg3[%dma_start3A_606, %dma_start3A_607] : memref<100000x32xf32, #tpu.memory_space<hbm>> -> memref<100000x32xf32, #tpu.memory_space<hbm>>
    tpu.enqueue_indirect_dma source(%dma_start3A_608 : memref<100000x32xf32, #tpu.memory_space<hbm>>) target(%dma_start3A_598 : memref<100x32xf32, #tpu.memory_space<vmem>>) offsets(%dma_start3A_605 : memref<100xi32, #tpu.memory_space<vmem>>) semaphore(%arg10 : memref<!tpu.dma_semaphore, #tpu.memory_space<semaphore_mem>>)
    %dma_start3A_609 = arith.constant 1 : i32
    %dma_start3A_610 = arith.constant 14 : i32
    %dma_start3A_611 = arith.constant 1 : i32
    %dma_start3A_612 = arith.constant 0 : i32
    %dma_start3A_613 = arith.constant 0 : i32
    %dma_start3A_614 = tpu.memref_slice %arg7[%dma_start3A_611, %dma_start3A_612, %dma_start3A_613] : memref<2x1600x32xf32, #tpu.memory_space<vmem>> -> memref<1x1600x32xf32, #tpu.memory_space<vmem>>
    %dma_start3A_615 = tpu.memref_squeeze %dma_start3A_614 : memref<1x1600x32xf32, #tpu.memory_space<vmem>> -> memref<1600x32xf32, #tpu.memory_space<vmem>>
    %dma_start3A_616 = arith.constant 1400 : i32
    %dma_start3A_617 = arith.constant 0 : i32
    %dma_start3A_618 = tpu.memref_slice %dma_start3A_615[%dma_start3A_616, %dma_start3A_617] : memref<1600x32xf32, #tpu.memory_space<vmem>> -> memref<100x32xf32, #tpu.memory_space<vmem>>
    %dma_start3A_619 = arith.constant 0 : i32
    %dma_start3A_620 = arith.constant 0 : i32
    %dma_start3A_621 = tpu.memref_slice %arg6[%dma_start3A_609, %dma_start3A_619, %dma_start3A_620] : memref<2x16x100xi32, #tpu.memory_space<vmem>> -> memref<1x16x100xi32, #tpu.memory_space<vmem>>
    %dma_start3A_622 = tpu.memref_squeeze %dma_start3A_621 : memref<1x16x100xi32, #tpu.memory_space<vmem>> -> memref<16x100xi32, #tpu.memory_space<vmem>>
    %dma_start3A_623 = arith.constant 0 : i32
    %dma_start3A_624 = tpu.memref_slice %dma_start3A_622[%dma_start3A_610, %dma_start3A_623] : memref<16x100xi32, #tpu.memory_space<vmem>> -> memref<1x100xi32, #tpu.memory_space<vmem>>
    %dma_start3A_625 = tpu.memref_squeeze %dma_start3A_624 : memref<1x100xi32, #tpu.memory_space<vmem>> -> memref<100xi32, #tpu.memory_space<vmem>>
    %dma_start3A_626 = arith.constant 0 : i32
    %dma_start3A_627 = arith.constant 0 : i32
    %dma_start3A_628 = tpu.memref_slice %arg3[%dma_start3A_626, %dma_start3A_627] : memref<100000x32xf32, #tpu.memory_space<hbm>> -> memref<100000x32xf32, #tpu.memory_space<hbm>>
    tpu.enqueue_indirect_dma source(%dma_start3A_628 : memref<100000x32xf32, #tpu.memory_space<hbm>>) target(%dma_start3A_618 : memref<100x32xf32, #tpu.memory_space<vmem>>) offsets(%dma_start3A_625 : memref<100xi32, #tpu.memory_space<vmem>>) semaphore(%arg10 : memref<!tpu.dma_semaphore, #tpu.memory_space<semaphore_mem>>)
    %dma_start3A_629 = arith.constant 1 : i32
    %dma_start3A_630 = arith.constant 15 : i32
    %dma_start3A_631 = arith.constant 1 : i32
    %dma_start3A_632 = arith.constant 0 : i32
    %dma_start3A_633 = arith.constant 0 : i32
    %dma_start3A_634 = tpu.memref_slice %arg7[%dma_start3A_631, %dma_start3A_632, %dma_start3A_633] : memref<2x1600x32xf32, #tpu.memory_space<vmem>> -> memref<1x1600x32xf32, #tpu.memory_space<vmem>>
    %dma_start3A_635 = tpu.memref_squeeze %dma_start3A_634 : memref<1x1600x32xf32, #tpu.memory_space<vmem>> -> memref<1600x32xf32, #tpu.memory_space<vmem>>
    %dma_start3A_636 = arith.constant 1500 : i32
    %dma_start3A_637 = arith.constant 0 : i32
    %dma_start3A_638 = tpu.memref_slice %dma_start3A_635[%dma_start3A_636, %dma_start3A_637] : memref<1600x32xf32, #tpu.memory_space<vmem>> -> memref<100x32xf32, #tpu.memory_space<vmem>>
    %dma_start3A_639 = arith.constant 0 : i32
    %dma_start3A_640 = arith.constant 0 : i32
    %dma_start3A_641 = tpu.memref_slice %arg6[%dma_start3A_629, %dma_start3A_639, %dma_start3A_640] : memref<2x16x100xi32, #tpu.memory_space<vmem>> -> memref<1x16x100xi32, #tpu.memory_space<vmem>>
    %dma_start3A_642 = tpu.memref_squeeze %dma_start3A_641 : memref<1x16x100xi32, #tpu.memory_space<vmem>> -> memref<16x100xi32, #tpu.memory_space<vmem>>
    %dma_start3A_643 = arith.constant 0 : i32
    %dma_start3A_644 = tpu.memref_slice %dma_start3A_642[%dma_start3A_630, %dma_start3A_643] : memref<16x100xi32, #tpu.memory_space<vmem>> -> memref<1x100xi32, #tpu.memory_space<vmem>>
    %dma_start3A_645 = tpu.memref_squeeze %dma_start3A_644 : memref<1x100xi32, #tpu.memory_space<vmem>> -> memref<100xi32, #tpu.memory_space<vmem>>
    %dma_start3A_646 = arith.constant 0 : i32
    %dma_start3A_647 = arith.constant 0 : i32
    %dma_start3A_648 = tpu.memref_slice %arg3[%dma_start3A_646, %dma_start3A_647] : memref<100000x32xf32, #tpu.memory_space<hbm>> -> memref<100000x32xf32, #tpu.memory_space<hbm>>
    tpu.enqueue_indirect_dma source(%dma_start3A_648 : memref<100000x32xf32, #tpu.memory_space<hbm>>) target(%dma_start3A_638 : memref<100x32xf32, #tpu.memory_space<vmem>>) offsets(%dma_start3A_645 : memref<100xi32, #tpu.memory_space<vmem>>) semaphore(%arg10 : memref<!tpu.dma_semaphore, #tpu.memory_space<semaphore_mem>>)
    %scan3A = arith.constant 0 : i32
    %scan3A_649 = arith.constant 0 : i32
    %scan3A_650 = arith.constant 32 : i32
    %scan3A_651 = arith.addi %scan3A_649, %scan3A_650 : i32
    %scan3A_652 = arith.constant 1 : i32
    scf.for %scan3A_683 = %scan3A_649 to %scan3A_651 step %scan3A_652  : i32 {
      %mul3A_684 = arith.constant 2 : i32
      %mul3A_685 = arith.muli %scan3A_683, %mul3A_684 : i32
      %add3A_686 = arith.constant 0 : i32
      %add3A_687 = arith.addi %mul3A_685, %add3A_686 : i32
      %dma_wait3A_688 = arith.constant 0 : i32
      %dma_wait3A_689 = arith.constant 0 : i32
      %dma_wait3A_690 = arith.constant 0 : i32
      %dma_wait3A_691 = tpu.memref_slice %arg7[%dma_wait3A_688, %dma_wait3A_689, %dma_wait3A_690] : memref<2x1600x32xf32, #tpu.memory_space<vmem>> -> memref<1x1600x32xf32, #tpu.memory_space<vmem>>
      %dma_wait3A_692 = tpu.memref_squeeze %dma_wait3A_691 : memref<1x1600x32xf32, #tpu.memory_space<vmem>> -> memref<1600x32xf32, #tpu.memory_space<vmem>>
      %dma_wait3A_693 = arith.constant 0 : i32
      %dma_wait3A_694 = arith.constant 0 : i32
      %dma_wait3A_695 = tpu.memref_slice %arg3[%dma_wait3A_693, %dma_wait3A_694] : memref<100000x32xf32, #tpu.memory_space<hbm>> -> memref<1600x32xf32, #tpu.memory_space<hbm>>
      %dma_wait3A_696 = arith.constant 0 : i32
      %dma_wait3A_697 = arith.constant 0 : i32
      %dma_wait3A_698 = tpu.memref_slice %arg7[%dma_wait3A_688, %dma_wait3A_696, %dma_wait3A_697] : memref<2x1600x32xf32, #tpu.memory_space<vmem>> -> memref<1x1600x32xf32, #tpu.memory_space<vmem>>
      %dma_wait3A_699 = tpu.memref_squeeze %dma_wait3A_698 : memref<1x1600x32xf32, #tpu.memory_space<vmem>> -> memref<1600x32xf32, #tpu.memory_space<vmem>>
      %dma_wait3A_700 = arith.constant 0 : i32
      %dma_wait3A_701 = arith.constant 0 : i32
      %dma_wait3A_702 = tpu.memref_slice %arg3[%dma_wait3A_700, %dma_wait3A_701] : memref<100000x32xf32, #tpu.memory_space<hbm>> -> memref<1600x32xf32, #tpu.memory_space<hbm>>
      tpu.wait_dma2 semaphore(%arg9 : memref<!tpu.dma_semaphore, #tpu.memory_space<semaphore_mem>>) src(%dma_wait3A_702 : memref<1600x32xf32, #tpu.memory_space<hbm>>) dst(%dma_wait3A_699 : memref<1600x32xf32, #tpu.memory_space<vmem>>)
      %scan3A_703 = arith.constant 0 : i32
      %scan3A_704 = arith.constant 0 : i32
      %scan3A_705 = arith.constant 0 : i32
      %scan3A_706 = arith.constant 200 : i32
      %scan3A_707 = arith.addi %scan3A_705, %scan3A_706 : i32
      %scan3A_708 = arith.constant 1 : i32
      scf.for %scan3A_779 = %scan3A_705 to %scan3A_707 step %scan3A_708  : i32 {
        %mul3A_780 = arith.constant 32 : i32
        %mul3A_781 = arith.muli %scan3A_779, %mul3A_780 : i32
        %get3A = arith.index_cast %mul3A_781 : i32 to index
        %get3A_782 = tpu.vector_load %arg8[%get3A] {strides = array<i32>} : memref<6400xf32, #tpu.memory_space<vmem>>, vector<16xf32>,
        %get3A_783 = vector.shape_cast %get3A_782 : vector<16xf32> to vector<16xf32>
        %mul3A_784 = arith.constant 32 : i32
        %mul3A_785 = arith.muli %scan3A_779, %mul3A_784 : i32
        %add3A_786 = arith.constant 16 : i32
        %add3A_787 = arith.addi %mul3A_785, %add3A_786 : i32
        %get3A_788 = arith.index_cast %add3A_787 : i32 to index
        %get3A_789 = tpu.vector_load %arg8[%get3A_788] {strides = array<i32>} : memref<6400xf32, #tpu.memory_space<vmem>>, vector<16xf32>,
        %get3A_790 = vector.shape_cast %get3A_789 : vector<16xf32> to vector<16xf32>
        %add3A_791 = arith.constant 0 : i32
        %add3A_792 = arith.addi %add3A_791, %scan3A_779 : i32
        %get3A_793 = arith.constant 0 : i32
        %get3A_794 = arith.constant 0 : i32
        %get3A_795 = tpu.memref_slice %arg7[%scan3A_704, %get3A_793, %get3A_794] : memref<2x1600x32xf32, #tpu.memory_space<vmem>> -> memref<1x1600x32xf32, #tpu.memory_space<vmem>>
        %get3A_796 = tpu.memref_squeeze %get3A_795 : memref<1x1600x32xf32, #tpu.memory_space<vmem>> -> memref<1600x32xf32, #tpu.memory_space<vmem>>
        %get3A_797 = arith.index_cast %add3A_792 : i32 to index
        %get3A_798 = arith.constant 0 : index
        %get3A_799 = tpu.vector_load %get3A_796[%get3A_797, %get3A_798] {strides = array<i32>} : memref<1600x32xf32, #tpu.memory_space<vmem>>, vector<1x16xf32>,
        %get3A_800 = vector.shape_cast %get3A_799 : vector<1x16xf32> to vector<16xf32>
        %add3A_801 = arith.addf %get3A_800, %get3A_783 : vector<16xf32>
        %swap3A = arith.constant 0 : i32
        %swap3A_802 = arith.constant 0 : i32
        %swap3A_803 = tpu.memref_slice %arg7[%scan3A_704, %swap3A, %swap3A_802] : memref<2x1600x32xf32, #tpu.memory_space<vmem>> -> memref<1x1600x32xf32, #tpu.memory_space<vmem>>
        %swap3A_804 = tpu.memref_squeeze %swap3A_803 : memref<1x1600x32xf32, #tpu.memory_space<vmem>> -> memref<1600x32xf32, #tpu.memory_space<vmem>>
        %swap3A_805 = arith.index_cast %add3A_792 : i32 to index
        %swap3A_806 = arith.constant 0 : index
        %swap3A_807 = tpu.vector_load %swap3A_804[%swap3A_805, %swap3A_806] {strides = array<i32>} : memref<1600x32xf32, #tpu.memory_space<vmem>>, vector<1x16xf32>,
        %swap3A_808 = vector.shape_cast %swap3A_807 : vector<1x16xf32> to vector<16xf32>
        %swap3A_809 = vector.shape_cast %add3A_801 : vector<16xf32> to vector<1x16xf32>
        tpu.vector_store %swap3A_804[%swap3A_805, %swap3A_806], %swap3A_809 {strides = array<i32>} : memref<1600x32xf32, #tpu.memory_space<vmem>>, vector<1x16xf32>,
        %get3A_810 = arith.constant 0 : i32
        %get3A_811 = arith.constant 0 : i32
        %get3A_812 = tpu.memref_slice %arg7[%scan3A_704, %get3A_810, %get3A_811] : memref<2x1600x32xf32, #tpu.memory_space<vmem>> -> memref<1x1600x32xf32, #tpu.memory_space<vmem>>
        %get3A_813 = tpu.memref_squeeze %get3A_812 : memref<1x1600x32xf32, #tpu.memory_space<vmem>> -> memref<1600x32xf32, #tpu.memory_space<vmem>>
        %get3A_814 = arith.index_cast %add3A_792 : i32 to index
        %get3A_815 = arith.constant 16 : index
        %get3A_816 = tpu.vector_load %get3A_813[%get3A_814, %get3A_815] {strides = array<i32>} : memref<1600x32xf32, #tpu.memory_space<vmem>>, vector<1x16xf32>,
        %get3A_817 = vector.shape_cast %get3A_816 : vector<1x16xf32> to vector<16xf32>
        %add3A_818 = arith.addf %get3A_817, %get3A_790 : vector<16xf32>
        %swap3A_819 = arith.constant 0 : i32
        %swap3A_820 = arith.constant 0 : i32
        %swap3A_821 = tpu.memref_slice %arg7[%scan3A_704, %swap3A_819, %swap3A_820] : memref<2x1600x32xf32, #tpu.memory_space<vmem>> -> memref<1x1600x32xf32, #tpu.memory_space<vmem>>
        %swap3A_822 = tpu.memref_squeeze %swap3A_821 : memref<1x1600x32xf32, #tpu.memory_space<vmem>> -> memref<1600x32xf32, #tpu.memory_space<vmem>>
        %swap3A_823 = arith.index_cast %add3A_792 : i32 to index
        %swap3A_824 = arith.constant 16 : index
        %swap3A_825 = tpu.vector_load %swap3A_822[%swap3A_823, %swap3A_824] {strides = array<i32>} : memref<1600x32xf32, #tpu.memory_space<vmem>>, vector<1x16xf32>,
        %swap3A_826 = vector.shape_cast %swap3A_825 : vector<1x16xf32> to vector<16xf32>
        %swap3A_827 = vector.shape_cast %add3A_818 : vector<16xf32> to vector<1x16xf32>
        tpu.vector_store %swap3A_822[%swap3A_823, %swap3A_824], %swap3A_827 {strides = array<i32>} : memref<1600x32xf32, #tpu.memory_space<vmem>>, vector<1x16xf32>,
        %add3A_828 = arith.constant 200 : i32
        %add3A_829 = arith.addi %add3A_828, %scan3A_779 : i32
        %get3A_830 = arith.constant 0 : i32
        %get3A_831 = arith.constant 0 : i32
        %get3A_832 = tpu.memref_slice %arg7[%scan3A_704, %get3A_830, %get3A_831] : memref<2x1600x32xf32, #tpu.memory_space<vmem>> -> memref<1x1600x32xf32, #tpu.memory_space<vmem>>
        %get3A_833 = tpu.memref_squeeze %get3A_832 : memref<1x1600x32xf32, #tpu.memory_space<vmem>> -> memref<1600x32xf32, #tpu.memory_space<vmem>>
        %get3A_834 = arith.index_cast %add3A_829 : i32 to index
        %get3A_835 = arith.constant 0 : index
        %get3A_836 = tpu.vector_load %get3A_833[%get3A_834, %get3A_835] {strides = array<i32>} : memref<1600x32xf32, #tpu.memory_space<vmem>>, vector<1x16xf32>,
        %get3A_837 = vector.shape_cast %get3A_836 : vector<1x16xf32> to vector<16xf32>
        %add3A_838 = arith.addf %get3A_837, %get3A_783 : vector<16xf32>
        %swap3A_839 = arith.constant 0 : i32
        %swap3A_840 = arith.constant 0 : i32
        %swap3A_841 = tpu.memref_slice %arg7[%scan3A_704, %swap3A_839, %swap3A_840] : memref<2x1600x32xf32, #tpu.memory_space<vmem>> -> memref<1x1600x32xf32, #tpu.memory_space<vmem>>
        %swap3A_842 = tpu.memref_squeeze %swap3A_841 : memref<1x1600x32xf32, #tpu.memory_space<vmem>> -> memref<1600x32xf32, #tpu.memory_space<vmem>>
        %swap3A_843 = arith.index_cast %add3A_829 : i32 to index
        %swap3A_844 = arith.constant 0 : index
        %swap3A_845 = tpu.vector_load %swap3A_842[%swap3A_843, %swap3A_844] {strides = array<i32>} : memref<1600x32xf32, #tpu.memory_space<vmem>>, vector<1x16xf32>,
        %swap3A_846 = vector.shape_cast %swap3A_845 : vector<1x16xf32> to vector<16xf32>
        %swap3A_847 = vector.shape_cast %add3A_838 : vector<16xf32> to vector<1x16xf32>
        tpu.vector_store %swap3A_842[%swap3A_843, %swap3A_844], %swap3A_847 {strides = array<i32>} : memref<1600x32xf32, #tpu.memory_space<vmem>>, vector<1x16xf32>,
        %get3A_848 = arith.constant 0 : i32
        %get3A_849 = arith.constant 0 : i32
        %get3A_850 = tpu.memref_slice %arg7[%scan3A_704, %get3A_848, %get3A_849] : memref<2x1600x32xf32, #tpu.memory_space<vmem>> -> memref<1x1600x32xf32, #tpu.memory_space<vmem>>
        %get3A_851 = tpu.memref_squeeze %get3A_850 : memref<1x1600x32xf32, #tpu.memory_space<vmem>> -> memref<1600x32xf32, #tpu.memory_space<vmem>>
        %get3A_852 = arith.index_cast %add3A_829 : i32 to index
        %get3A_853 = arith.constant 16 : index
        %get3A_854 = tpu.vector_load %get3A_851[%get3A_852, %get3A_853] {strides = array<i32>} : memref<1600x32xf32, #tpu.memory_space<vmem>>, vector<1x16xf32>,
        %get3A_855 = vector.shape_cast %get3A_854 : vector<1x16xf32> to vector<16xf32>
        %add3A_856 = arith.addf %get3A_855, %get3A_790 : vector<16xf32>
        %swap3A_857 = arith.constant 0 : i32
        %swap3A_858 = arith.constant 0 : i32
        %swap3A_859 = tpu.memref_slice %arg7[%scan3A_704, %swap3A_857, %swap3A_858] : memref<2x1600x32xf32, #tpu.memory_space<vmem>> -> memref<1x1600x32xf32, #tpu.memory_space<vmem>>
        %swap3A_860 = tpu.memref_squeeze %swap3A_859 : memref<1x1600x32xf32, #tpu.memory_space<vmem>> -> memref<1600x32xf32, #tpu.memory_space<vmem>>
        %swap3A_861 = arith.index_cast %add3A_829 : i32 to index
        %swap3A_862 = arith.constant 16 : index
        %swap3A_863 = tpu.vector_load %swap3A_860[%swap3A_861, %swap3A_862] {strides = array<i32>} : memref<1600x32xf32, #tpu.memory_space<vmem>>, vector<1x16xf32>,
        %swap3A_864 = vector.shape_cast %swap3A_863 : vector<1x16xf32> to vector<16xf32>
        %swap3A_865 = vector.shape_cast %add3A_856 : vector<16xf32> to vector<1x16xf32>
        tpu.vector_store %swap3A_860[%swap3A_861, %swap3A_862], %swap3A_865 {strides = array<i32>} : memref<1600x32xf32, #tpu.memory_space<vmem>>, vector<1x16xf32>,
        %add3A_866 = arith.constant 400 : i32
        %add3A_867 = arith.addi %add3A_866, %scan3A_779 : i32
        %get3A_868 = arith.constant 0 : i32
        %get3A_869 = arith.constant 0 : i32
        %get3A_870 = tpu.memref_slice %arg7[%scan3A_704, %get3A_868, %get3A_869] : memref<2x1600x32xf32, #tpu.memory_space<vmem>> -> memref<1x1600x32xf32, #tpu.memory_space<vmem>>
        %get3A_871 = tpu.memref_squeeze %get3A_870 : memref<1x1600x32xf32, #tpu.memory_space<vmem>> -> memref<1600x32xf32, #tpu.memory_space<vmem>>
        %get3A_872 = arith.index_cast %add3A_867 : i32 to index
        %get3A_873 = arith.constant 0 : index
        %get3A_874 = tpu.vector_load %get3A_871[%get3A_872, %get3A_873] {strides = array<i32>} : memref<1600x32xf32, #tpu.memory_space<vmem>>, vector<1x16xf32>,
        %get3A_875 = vector.shape_cast %get3A_874 : vector<1x16xf32> to vector<16xf32>
        %add3A_876 = arith.addf %get3A_875, %get3A_783 : vector<16xf32>
        %swap3A_877 = arith.constant 0 : i32
        %swap3A_878 = arith.constant 0 : i32
        %swap3A_879 = tpu.memref_slice %arg7[%scan3A_704, %swap3A_877, %swap3A_878] : memref<2x1600x32xf32, #tpu.memory_space<vmem>> -> memref<1x1600x32xf32, #tpu.memory_space<vmem>>
        %swap3A_880 = tpu.memref_squeeze %swap3A_879 : memref<1x1600x32xf32, #tpu.memory_space<vmem>> -> memref<1600x32xf32, #tpu.memory_space<vmem>>
        %swap3A_881 = arith.index_cast %add3A_867 : i32 to index
        %swap3A_882 = arith.constant 0 : index
        %swap3A_883 = tpu.vector_load %swap3A_880[%swap3A_881, %swap3A_882] {strides = array<i32>} : memref<1600x32xf32, #tpu.memory_space<vmem>>, vector<1x16xf32>,
        %swap3A_884 = vector.shape_cast %swap3A_883 : vector<1x16xf32> to vector<16xf32>
        %swap3A_885 = vector.shape_cast %add3A_876 : vector<16xf32> to vector<1x16xf32>
        tpu.vector_store %swap3A_880[%swap3A_881, %swap3A_882], %swap3A_885 {strides = array<i32>} : memref<1600x32xf32, #tpu.memory_space<vmem>>, vector<1x16xf32>,
        %get3A_886 = arith.constant 0 : i32
        %get3A_887 = arith.constant 0 : i32
        %get3A_888 = tpu.memref_slice %arg7[%scan3A_704, %get3A_886, %get3A_887] : memref<2x1600x32xf32, #tpu.memory_space<vmem>> -> memref<1x1600x32xf32, #tpu.memory_space<vmem>>
        %get3A_889 = tpu.memref_squeeze %get3A_888 : memref<1x1600x32xf32, #tpu.memory_space<vmem>> -> memref<1600x32xf32, #tpu.memory_space<vmem>>
        %get3A_890 = arith.index_cast %add3A_867 : i32 to index
        %get3A_891 = arith.constant 16 : index
        %get3A_892 = tpu.vector_load %get3A_889[%get3A_890, %get3A_891] {strides = array<i32>} : memref<1600x32xf32, #tpu.memory_space<vmem>>, vector<1x16xf32>,
        %get3A_893 = vector.shape_cast %get3A_892 : vector<1x16xf32> to vector<16xf32>
        %add3A_894 = arith.addf %get3A_893, %get3A_790 : vector<16xf32>
        %swap3A_895 = arith.constant 0 : i32
        %swap3A_896 = arith.constant 0 : i32
        %swap3A_897 = tpu.memref_slice %arg7[%scan3A_704, %swap3A_895, %swap3A_896] : memref<2x1600x32xf32, #tpu.memory_space<vmem>> -> memref<1x1600x32xf32, #tpu.memory_space<vmem>>
        %swap3A_898 = tpu.memref_squeeze %swap3A_897 : memref<1x1600x32xf32, #tpu.memory_space<vmem>> -> memref<1600x32xf32, #tpu.memory_space<vmem>>
        %swap3A_899 = arith.index_cast %add3A_867 : i32 to index
        %swap3A_900 = arith.constant 16 : index
        %swap3A_901 = tpu.vector_load %swap3A_898[%swap3A_899, %swap3A_900] {strides = array<i32>} : memref<1600x32xf32, #tpu.memory_space<vmem>>, vector<1x16xf32>,
        %swap3A_902 = vector.shape_cast %swap3A_901 : vector<1x16xf32> to vector<16xf32>
        %swap3A_903 = vector.shape_cast %add3A_894 : vector<16xf32> to vector<1x16xf32>
        tpu.vector_store %swap3A_898[%swap3A_899, %swap3A_900], %swap3A_903 {strides = array<i32>} : memref<1600x32xf32, #tpu.memory_space<vmem>>, vector<1x16xf32>,
        %add3A_904 = arith.constant 600 : i32
        %add3A_905 = arith.addi %add3A_904, %scan3A_779 : i32
        %get3A_906 = arith.constant 0 : i32
        %get3A_907 = arith.constant 0 : i32
        %get3A_908 = tpu.memref_slice %arg7[%scan3A_704, %get3A_906, %get3A_907] : memref<2x1600x32xf32, #tpu.memory_space<vmem>> -> memref<1x1600x32xf32, #tpu.memory_space<vmem>>
        %get3A_909 = tpu.memref_squeeze %get3A_908 : memref<1x1600x32xf32, #tpu.memory_space<vmem>> -> memref<1600x32xf32, #tpu.memory_space<vmem>>
        %get3A_910 = arith.index_cast %add3A_905 : i32 to index
        %get3A_911 = arith.constant 0 : index
        %get3A_912 = tpu.vector_load %get3A_909[%get3A_910, %get3A_911] {strides = array<i32>} : memref<1600x32xf32, #tpu.memory_space<vmem>>, vector<1x16xf32>,
        %get3A_913 = vector.shape_cast %get3A_912 : vector<1x16xf32> to vector<16xf32>
        %add3A_914 = arith.addf %get3A_913, %get3A_783 : vector<16xf32>
        %swap3A_915 = arith.constant 0 : i32
        %swap3A_916 = arith.constant 0 : i32
        %swap3A_917 = tpu.memref_slice %arg7[%scan3A_704, %swap3A_915, %swap3A_916] : memref<2x1600x32xf32, #tpu.memory_space<vmem>> -> memref<1x1600x32xf32, #tpu.memory_space<vmem>>
        %swap3A_918 = tpu.memref_squeeze %swap3A_917 : memref<1x1600x32xf32, #tpu.memory_space<vmem>> -> memref<1600x32xf32, #tpu.memory_space<vmem>>
        %swap3A_919 = arith.index_cast %add3A_905 : i32 to index
        %swap3A_920 = arith.constant 0 : index
        %swap3A_921 = tpu.vector_load %swap3A_918[%swap3A_919, %swap3A_920] {strides = array<i32>} : memref<1600x32xf32, #tpu.memory_space<vmem>>, vector<1x16xf32>,
        %swap3A_922 = vector.shape_cast %swap3A_921 : vector<1x16xf32> to vector<16xf32>
        %swap3A_923 = vector.shape_cast %add3A_914 : vector<16xf32> to vector<1x16xf32>
        tpu.vector_store %swap3A_918[%swap3A_919, %swap3A_920], %swap3A_923 {strides = array<i32>} : memref<1600x32xf32, #tpu.memory_space<vmem>>, vector<1x16xf32>,
        %get3A_924 = arith.constant 0 : i32
        %get3A_925 = arith.constant 0 : i32
        %get3A_926 = tpu.memref_slice %arg7[%scan3A_704, %get3A_924, %get3A_925] : memref<2x1600x32xf32, #tpu.memory_space<vmem>> -> memref<1x1600x32xf32, #tpu.memory_space<vmem>>
        %get3A_927 = tpu.memref_squeeze %get3A_926 : memref<1x1600x32xf32, #tpu.memory_space<vmem>> -> memref<1600x32xf32, #tpu.memory_space<vmem>>
        %get3A_928 = arith.index_cast %add3A_905 : i32 to index
        %get3A_929 = arith.constant 16 : index
        %get3A_930 = tpu.vector_load %get3A_927[%get3A_928, %get3A_929] {strides = array<i32>} : memref<1600x32xf32, #tpu.memory_space<vmem>>, vector<1x16xf32>,
        %get3A_931 = vector.shape_cast %get3A_930 : vector<1x16xf32> to vector<16xf32>
        %add3A_932 = arith.addf %get3A_931, %get3A_790 : vector<16xf32>
        %swap3A_933 = arith.constant 0 : i32
        %swap3A_934 = arith.constant 0 : i32
        %swap3A_935 = tpu.memref_slice %arg7[%scan3A_704, %swap3A_933, %swap3A_934] : memref<2x1600x32xf32, #tpu.memory_space<vmem>> -> memref<1x1600x32xf32, #tpu.memory_space<vmem>>
        %swap3A_936 = tpu.memref_squeeze %swap3A_935 : memref<1x1600x32xf32, #tpu.memory_space<vmem>> -> memref<1600x32xf32, #tpu.memory_space<vmem>>
        %swap3A_937 = arith.index_cast %add3A_905 : i32 to index
        %swap3A_938 = arith.constant 16 : index
        %swap3A_939 = tpu.vector_load %swap3A_936[%swap3A_937, %swap3A_938] {strides = array<i32>} : memref<1600x32xf32, #tpu.memory_space<vmem>>, vector<1x16xf32>,
        %swap3A_940 = vector.shape_cast %swap3A_939 : vector<1x16xf32> to vector<16xf32>
        %swap3A_941 = vector.shape_cast %add3A_932 : vector<16xf32> to vector<1x16xf32>
        tpu.vector_store %swap3A_936[%swap3A_937, %swap3A_938], %swap3A_941 {strides = array<i32>} : memref<1600x32xf32, #tpu.memory_space<vmem>>, vector<1x16xf32>,
        %add3A_942 = arith.constant 800 : i32
        %add3A_943 = arith.addi %add3A_942, %scan3A_779 : i32
        %get3A_944 = arith.constant 0 : i32
        %get3A_945 = arith.constant 0 : i32
        %get3A_946 = tpu.memref_slice %arg7[%scan3A_704, %get3A_944, %get3A_945] : memref<2x1600x32xf32, #tpu.memory_space<vmem>> -> memref<1x1600x32xf32, #tpu.memory_space<vmem>>
        %get3A_947 = tpu.memref_squeeze %get3A_946 : memref<1x1600x32xf32, #tpu.memory_space<vmem>> -> memref<1600x32xf32, #tpu.memory_space<vmem>>
        %get3A_948 = arith.index_cast %add3A_943 : i32 to index
        %get3A_949 = arith.constant 0 : index
        %get3A_950 = tpu.vector_load %get3A_947[%get3A_948, %get3A_949] {strides = array<i32>} : memref<1600x32xf32, #tpu.memory_space<vmem>>, vector<1x16xf32>,
        %get3A_951 = vector.shape_cast %get3A_950 : vector<1x16xf32> to vector<16xf32>
        %add3A_952 = arith.addf %get3A_951, %get3A_783 : vector<16xf32>
        %swap3A_953 = arith.constant 0 : i32
        %swap3A_954 = arith.constant 0 : i32
        %swap3A_955 = tpu.memref_slice %arg7[%scan3A_704, %swap3A_953, %swap3A_954] : memref<2x1600x32xf32, #tpu.memory_space<vmem>> -> memref<1x1600x32xf32, #tpu.memory_space<vmem>>
        %swap3A_956 = tpu.memref_squeeze %swap3A_955 : memref<1x1600x32xf32, #tpu.memory_space<vmem>> -> memref<1600x32xf32, #tpu.memory_space<vmem>>
        %swap3A_957 = arith.index_cast %add3A_943 : i32 to index
        %swap3A_958 = arith.constant 0 : index
        %swap3A_959 = tpu.vector_load %swap3A_956[%swap3A_957, %swap3A_958] {strides = array<i32>} : memref<1600x32xf32, #tpu.memory_space<vmem>>, vector<1x16xf32>,
        %swap3A_960 = vector.shape_cast %swap3A_959 : vector<1x16xf32> to vector<16xf32>
        %swap3A_961 = vector.shape_cast %add3A_952 : vector<16xf32> to vector<1x16xf32>
        tpu.vector_store %swap3A_956[%swap3A_957, %swap3A_958], %swap3A_961 {strides = array<i32>} : memref<1600x32xf32, #tpu.memory_space<vmem>>, vector<1x16xf32>,
        %get3A_962 = arith.constant 0 : i32
        %get3A_963 = arith.constant 0 : i32
        %get3A_964 = tpu.memref_slice %arg7[%scan3A_704, %get3A_962, %get3A_963] : memref<2x1600x32xf32, #tpu.memory_space<vmem>> -> memref<1x1600x32xf32, #tpu.memory_space<vmem>>
        %get3A_965 = tpu.memref_squeeze %get3A_964 : memref<1x1600x32xf32, #tpu.memory_space<vmem>> -> memref<1600x32xf32, #tpu.memory_space<vmem>>
        %get3A_966 = arith.index_cast %add3A_943 : i32 to index
        %get3A_967 = arith.constant 16 : index
        %get3A_968 = tpu.vector_load %get3A_965[%get3A_966, %get3A_967] {strides = array<i32>} : memref<1600x32xf32, #tpu.memory_space<vmem>>, vector<1x16xf32>,
        %get3A_969 = vector.shape_cast %get3A_968 : vector<1x16xf32> to vector<16xf32>
        %add3A_970 = arith.addf %get3A_969, %get3A_790 : vector<16xf32>
        %swap3A_971 = arith.constant 0 : i32
        %swap3A_972 = arith.constant 0 : i32
        %swap3A_973 = tpu.memref_slice %arg7[%scan3A_704, %swap3A_971, %swap3A_972] : memref<2x1600x32xf32, #tpu.memory_space<vmem>> -> memref<1x1600x32xf32, #tpu.memory_space<vmem>>
        %swap3A_974 = tpu.memref_squeeze %swap3A_973 : memref<1x1600x32xf32, #tpu.memory_space<vmem>> -> memref<1600x32xf32, #tpu.memory_space<vmem>>
        %swap3A_975 = arith.index_cast %add3A_943 : i32 to index
        %swap3A_976 = arith.constant 16 : index
        %swap3A_977 = tpu.vector_load %swap3A_974[%swap3A_975, %swap3A_976] {strides = array<i32>} : memref<1600x32xf32, #tpu.memory_space<vmem>>, vector<1x16xf32>,
        %swap3A_978 = vector.shape_cast %swap3A_977 : vector<1x16xf32> to vector<16xf32>
        %swap3A_979 = vector.shape_cast %add3A_970 : vector<16xf32> to vector<1x16xf32>
        tpu.vector_store %swap3A_974[%swap3A_975, %swap3A_976], %swap3A_979 {strides = array<i32>} : memref<1600x32xf32, #tpu.memory_space<vmem>>, vector<1x16xf32>,
        %add3A_980 = arith.constant 1000 : i32
        %add3A_981 = arith.addi %add3A_980, %scan3A_779 : i32
        %get3A_982 = arith.constant 0 : i32
        %get3A_983 = arith.constant 0 : i32
        %get3A_984 = tpu.memref_slice %arg7[%scan3A_704, %get3A_982, %get3A_983] : memref<2x1600x32xf32, #tpu.memory_space<vmem>> -> memref<1x1600x32xf32, #tpu.memory_space<vmem>>
        %get3A_985 = tpu.memref_squeeze %get3A_984 : memref<1x1600x32xf32, #tpu.memory_space<vmem>> -> memref<1600x32xf32, #tpu.memory_space<vmem>>
        %get3A_986 = arith.index_cast %add3A_981 : i32 to index
        %get3A_987 = arith.constant 0 : index
        %get3A_988 = tpu.vector_load %get3A_985[%get3A_986, %get3A_987] {strides = array<i32>} : memref<1600x32xf32, #tpu.memory_space<vmem>>, vector<1x16xf32>,
        %get3A_989 = vector.shape_cast %get3A_988 : vector<1x16xf32> to vector<16xf32>
        %add3A_990 = arith.addf %get3A_989, %get3A_783 : vector<16xf32>
        %swap3A_991 = arith.constant 0 : i32
        %swap3A_992 = arith.constant 0 : i32
        %swap3A_993 = tpu.memref_slice %arg7[%scan3A_704, %swap3A_991, %swap3A_992] : memref<2x1600x32xf32, #tpu.memory_space<vmem>> -> memref<1x1600x32xf32, #tpu.memory_space<vmem>>
        %swap3A_994 = tpu.memref_squeeze %swap3A_993 : memref<1x1600x32xf32, #tpu.memory_space<vmem>> -> memref<1600x32xf32, #tpu.memory_space<vmem>>
        %swap3A_995 = arith.index_cast %add3A_981 : i32 to index
        %swap3A_996 = arith.constant 0 : index
        %swap3A_997 = tpu.vector_load %swap3A_994[%swap3A_995, %swap3A_996] {strides = array<i32>} : memref<1600x32xf32, #tpu.memory_space<vmem>>, vector<1x16xf32>,
        %swap3A_998 = vector.shape_cast %swap3A_997 : vector<1x16xf32> to vector<16xf32>
        %swap3A_999 = vector.shape_cast %add3A_990 : vector<16xf32> to vector<1x16xf32>
        tpu.vector_store %swap3A_994[%swap3A_995, %swap3A_996], %swap3A_999 {strides = array<i32>} : memref<1600x32xf32, #tpu.memory_space<vmem>>, vector<1x16xf32>,
        %get3A_1000 = arith.constant 0 : i32
        %get3A_1001 = arith.constant 0 : i32
        %get3A_1002 = tpu.memref_slice %arg7[%scan3A_704, %get3A_1000, %get3A_1001] : memref<2x1600x32xf32, #tpu.memory_space<vmem>> -> memref<1x1600x32xf32, #tpu.memory_space<vmem>>
        %get3A_1003 = tpu.memref_squeeze %get3A_1002 : memref<1x1600x32xf32, #tpu.memory_space<vmem>> -> memref<1600x32xf32, #tpu.memory_space<vmem>>
        %get3A_1004 = arith.index_cast %add3A_981 : i32 to index
        %get3A_1005 = arith.constant 16 : index
        %get3A_1006 = tpu.vector_load %get3A_1003[%get3A_1004, %get3A_1005] {strides = array<i32>} : memref<1600x32xf32, #tpu.memory_space<vmem>>, vector<1x16xf32>,
        %get3A_1007 = vector.shape_cast %get3A_1006 : vector<1x16xf32> to vector<16xf32>
        %add3A_1008 = arith.addf %get3A_1007, %get3A_790 : vector<16xf32>
        %swap3A_1009 = arith.constant 0 : i32
        %swap3A_1010 = arith.constant 0 : i32
        %swap3A_1011 = tpu.memref_slice %arg7[%scan3A_704, %swap3A_1009, %swap3A_1010] : memref<2x1600x32xf32, #tpu.memory_space<vmem>> -> memref<1x1600x32xf32, #tpu.memory_space<vmem>>
        %swap3A_1012 = tpu.memref_squeeze %swap3A_1011 : memref<1x1600x32xf32, #tpu.memory_space<vmem>> -> memref<1600x32xf32, #tpu.memory_space<vmem>>
        %swap3A_1013 = arith.index_cast %add3A_981 : i32 to index
        %swap3A_1014 = arith.constant 16 : index
        %swap3A_1015 = tpu.vector_load %swap3A_1012[%swap3A_1013, %swap3A_1014] {strides = array<i32>} : memref<1600x32xf32, #tpu.memory_space<vmem>>, vector<1x16xf32>,
        %swap3A_1016 = vector.shape_cast %swap3A_1015 : vector<1x16xf32> to vector<16xf32>
        %swap3A_1017 = vector.shape_cast %add3A_1008 : vector<16xf32> to vector<1x16xf32>
        tpu.vector_store %swap3A_1012[%swap3A_1013, %swap3A_1014], %swap3A_1017 {strides = array<i32>} : memref<1600x32xf32, #tpu.memory_space<vmem>>, vector<1x16xf32>,
        %add3A_1018 = arith.constant 1200 : i32
        %add3A_1019 = arith.addi %add3A_1018, %scan3A_779 : i32
        %get3A_1020 = arith.constant 0 : i32
        %get3A_1021 = arith.constant 0 : i32
        %get3A_1022 = tpu.memref_slice %arg7[%scan3A_704, %get3A_1020, %get3A_1021] : memref<2x1600x32xf32, #tpu.memory_space<vmem>> -> memref<1x1600x32xf32, #tpu.memory_space<vmem>>
        %get3A_1023 = tpu.memref_squeeze %get3A_1022 : memref<1x1600x32xf32, #tpu.memory_space<vmem>> -> memref<1600x32xf32, #tpu.memory_space<vmem>>
        %get3A_1024 = arith.index_cast %add3A_1019 : i32 to index
        %get3A_1025 = arith.constant 0 : index
        %get3A_1026 = tpu.vector_load %get3A_1023[%get3A_1024, %get3A_1025] {strides = array<i32>} : memref<1600x32xf32, #tpu.memory_space<vmem>>, vector<1x16xf32>,
        %get3A_1027 = vector.shape_cast %get3A_1026 : vector<1x16xf32> to vector<16xf32>
        %add3A_1028 = arith.addf %get3A_1027, %get3A_783 : vector<16xf32>
        %swap3A_1029 = arith.constant 0 : i32
        %swap3A_1030 = arith.constant 0 : i32
        %swap3A_1031 = tpu.memref_slice %arg7[%scan3A_704, %swap3A_1029, %swap3A_1030] : memref<2x1600x32xf32, #tpu.memory_space<vmem>> -> memref<1x1600x32xf32, #tpu.memory_space<vmem>>
        %swap3A_1032 = tpu.memref_squeeze %swap3A_1031 : memref<1x1600x32xf32, #tpu.memory_space<vmem>> -> memref<1600x32xf32, #tpu.memory_space<vmem>>
        %swap3A_1033 = arith.index_cast %add3A_1019 : i32 to index
        %swap3A_1034 = arith.constant 0 : index
        %swap3A_1035 = tpu.vector_load %swap3A_1032[%swap3A_1033, %swap3A_1034] {strides = array<i32>} : memref<1600x32xf32, #tpu.memory_space<vmem>>, vector<1x16xf32>,
        %swap3A_1036 = vector.shape_cast %swap3A_1035 : vector<1x16xf32> to vector<16xf32>
        %swap3A_1037 = vector.shape_cast %add3A_1028 : vector<16xf32> to vector<1x16xf32>
        tpu.vector_store %swap3A_1032[%swap3A_1033, %swap3A_1034], %swap3A_1037 {strides = array<i32>} : memref<1600x32xf32, #tpu.memory_space<vmem>>, vector<1x16xf32>,
        %get3A_1038 = arith.constant 0 : i32
        %get3A_1039 = arith.constant 0 : i32
        %get3A_1040 = tpu.memref_slice %arg7[%scan3A_704, %get3A_1038, %get3A_1039] : memref<2x1600x32xf32, #tpu.memory_space<vmem>> -> memref<1x1600x32xf32, #tpu.memory_space<vmem>>
        %get3A_1041 = tpu.memref_squeeze %get3A_1040 : memref<1x1600x32xf32, #tpu.memory_space<vmem>> -> memref<1600x32xf32, #tpu.memory_space<vmem>>
        %get3A_1042 = arith.index_cast %add3A_1019 : i32 to index
        %get3A_1043 = arith.constant 16 : index
        %get3A_1044 = tpu.vector_load %get3A_1041[%get3A_1042, %get3A_1043] {strides = array<i32>} : memref<1600x32xf32, #tpu.memory_space<vmem>>, vector<1x16xf32>,
        %get3A_1045 = vector.shape_cast %get3A_1044 : vector<1x16xf32> to vector<16xf32>
        %add3A_1046 = arith.addf %get3A_1045, %get3A_790 : vector<16xf32>
        %swap3A_1047 = arith.constant 0 : i32
        %swap3A_1048 = arith.constant 0 : i32
        %swap3A_1049 = tpu.memref_slice %arg7[%scan3A_704, %swap3A_1047, %swap3A_1048] : memref<2x1600x32xf32, #tpu.memory_space<vmem>> -> memref<1x1600x32xf32, #tpu.memory_space<vmem>>
        %swap3A_1050 = tpu.memref_squeeze %swap3A_1049 : memref<1x1600x32xf32, #tpu.memory_space<vmem>> -> memref<1600x32xf32, #tpu.memory_space<vmem>>
        %swap3A_1051 = arith.index_cast %add3A_1019 : i32 to index
        %swap3A_1052 = arith.constant 16 : index
        %swap3A_1053 = tpu.vector_load %swap3A_1050[%swap3A_1051, %swap3A_1052] {strides = array<i32>} : memref<1600x32xf32, #tpu.memory_space<vmem>>, vector<1x16xf32>,
        %swap3A_1054 = vector.shape_cast %swap3A_1053 : vector<1x16xf32> to vector<16xf32>
        %swap3A_1055 = vector.shape_cast %add3A_1046 : vector<16xf32> to vector<1x16xf32>
        tpu.vector_store %swap3A_1050[%swap3A_1051, %swap3A_1052], %swap3A_1055 {strides = array<i32>} : memref<1600x32xf32, #tpu.memory_space<vmem>>, vector<1x16xf32>,
        %add3A_1056 = arith.constant 1400 : i32
        %add3A_1057 = arith.addi %add3A_1056, %scan3A_779 : i32
        %get3A_1058 = arith.constant 0 : i32
        %get3A_1059 = arith.constant 0 : i32
        %get3A_1060 = tpu.memref_slice %arg7[%scan3A_704, %get3A_1058, %get3A_1059] : memref<2x1600x32xf32, #tpu.memory_space<vmem>> -> memref<1x1600x32xf32, #tpu.memory_space<vmem>>
        %get3A_1061 = tpu.memref_squeeze %get3A_1060 : memref<1x1600x32xf32, #tpu.memory_space<vmem>> -> memref<1600x32xf32, #tpu.memory_space<vmem>>
        %get3A_1062 = arith.index_cast %add3A_1057 : i32 to index
        %get3A_1063 = arith.constant 0 : index
        %get3A_1064 = tpu.vector_load %get3A_1061[%get3A_1062, %get3A_1063] {strides = array<i32>} : memref<1600x32xf32, #tpu.memory_space<vmem>>, vector<1x16xf32>,
        %get3A_1065 = vector.shape_cast %get3A_1064 : vector<1x16xf32> to vector<16xf32>
        %add3A_1066 = arith.addf %get3A_1065, %get3A_783 : vector<16xf32>
        %swap3A_1067 = arith.constant 0 : i32
        %swap3A_1068 = arith.constant 0 : i32
        %swap3A_1069 = tpu.memref_slice %arg7[%scan3A_704, %swap3A_1067, %swap3A_1068] : memref<2x1600x32xf32, #tpu.memory_space<vmem>> -> memref<1x1600x32xf32, #tpu.memory_space<vmem>>
        %swap3A_1070 = tpu.memref_squeeze %swap3A_1069 : memref<1x1600x32xf32, #tpu.memory_space<vmem>> -> memref<1600x32xf32, #tpu.memory_space<vmem>>
        %swap3A_1071 = arith.index_cast %add3A_1057 : i32 to index
        %swap3A_1072 = arith.constant 0 : index
        %swap3A_1073 = tpu.vector_load %swap3A_1070[%swap3A_1071, %swap3A_1072] {strides = array<i32>} : memref<1600x32xf32, #tpu.memory_space<vmem>>, vector<1x16xf32>,
        %swap3A_1074 = vector.shape_cast %swap3A_1073 : vector<1x16xf32> to vector<16xf32>
        %swap3A_1075 = vector.shape_cast %add3A_1066 : vector<16xf32> to vector<1x16xf32>
        tpu.vector_store %swap3A_1070[%swap3A_1071, %swap3A_1072], %swap3A_1075 {strides = array<i32>} : memref<1600x32xf32, #tpu.memory_space<vmem>>, vector<1x16xf32>,
        %get3A_1076 = arith.constant 0 : i32
        %get3A_1077 = arith.constant 0 : i32
        %get3A_1078 = tpu.memref_slice %arg7[%scan3A_704, %get3A_1076, %get3A_1077] : memref<2x1600x32xf32, #tpu.memory_space<vmem>> -> memref<1x1600x32xf32, #tpu.memory_space<vmem>>
        %get3A_1079 = tpu.memref_squeeze %get3A_1078 : memref<1x1600x32xf32, #tpu.memory_space<vmem>> -> memref<1600x32xf32, #tpu.memory_space<vmem>>
        %get3A_1080 = arith.index_cast %add3A_1057 : i32 to index
        %get3A_1081 = arith.constant 16 : index
        %get3A_1082 = tpu.vector_load %get3A_1079[%get3A_1080, %get3A_1081] {strides = array<i32>} : memref<1600x32xf32, #tpu.memory_space<vmem>>, vector<1x16xf32>,
        %get3A_1083 = vector.shape_cast %get3A_1082 : vector<1x16xf32> to vector<16xf32>
        %add3A_1084 = arith.addf %get3A_1083, %get3A_790 : vector<16xf32>
        %swap3A_1085 = arith.constant 0 : i32
        %swap3A_1086 = arith.constant 0 : i32
        %swap3A_1087 = tpu.memref_slice %arg7[%scan3A_704, %swap3A_1085, %swap3A_1086] : memref<2x1600x32xf32, #tpu.memory_space<vmem>> -> memref<1x1600x32xf32, #tpu.memory_space<vmem>>
        %swap3A_1088 = tpu.memref_squeeze %swap3A_1087 : memref<1x1600x32xf32, #tpu.memory_space<vmem>> -> memref<1600x32xf32, #tpu.memory_space<vmem>>
        %swap3A_1089 = arith.index_cast %add3A_1057 : i32 to index
        %swap3A_1090 = arith.constant 16 : index
        %swap3A_1091 = tpu.vector_load %swap3A_1088[%swap3A_1089, %swap3A_1090] {strides = array<i32>} : memref<1600x32xf32, #tpu.memory_space<vmem>>, vector<1x16xf32>,
        %swap3A_1092 = vector.shape_cast %swap3A_1091 : vector<1x16xf32> to vector<16xf32>
        %swap3A_1093 = vector.shape_cast %add3A_1084 : vector<16xf32> to vector<1x16xf32>
        tpu.vector_store %swap3A_1088[%swap3A_1089, %swap3A_1090], %swap3A_1093 {strides = array<i32>} : memref<1600x32xf32, #tpu.memory_space<vmem>>, vector<1x16xf32>,
      }
      %scan3A_709 = arith.constant 200 : i32
      %mul3A_710 = arith.constant 1600 : i32
      %mul3A_711 = arith.muli %add3A_687, %mul3A_710 : i32
      %add3A_712 = arith.addi %mul3A_2, %mul3A_711 : i32
      %dma_start3A_713 = arith.constant 0 : i32
      %dma_start3A_714 = arith.constant 0 : i32
      %dma_start3A_715 = arith.constant 0 : i32
      %dma_start3A_716 = tpu.memref_slice %arg7[%dma_start3A_713, %dma_start3A_714, %dma_start3A_715] : memref<2x1600x32xf32, #tpu.memory_space<vmem>> -> memref<1x1600x32xf32, #tpu.memory_space<vmem>>
      %dma_start3A_717 = tpu.memref_squeeze %dma_start3A_716 : memref<1x1600x32xf32, #tpu.memory_space<vmem>> -> memref<1600x32xf32, #tpu.memory_space<vmem>>
      %dma_start3A_718 = arith.constant 0 : i32
      %dma_start3A_719 = tpu.memref_slice %arg5[%add3A_712, %dma_start3A_718] : memref<3276800x32xf32, #tpu.memory_space<hbm>> -> memref<1600x32xf32, #tpu.memory_space<hbm>>
      %dma_start3A_720 = arith.constant 0 : i32
      %dma_start3A_721 = tpu.memref_slice %arg5[%add3A_712, %dma_start3A_720] : memref<3276800x32xf32, #tpu.memory_space<hbm>> -> memref<1600x32xf32, #tpu.memory_space<hbm>>
      %dma_start3A_722 = arith.constant 0 : i32
      %dma_start3A_723 = arith.constant 0 : i32
      %dma_start3A_724 = tpu.memref_slice %arg7[%dma_start3A_713, %dma_start3A_722, %dma_start3A_723] : memref<2x1600x32xf32, #tpu.memory_space<vmem>> -> memref<1x1600x32xf32, #tpu.memory_space<vmem>>
      %dma_start3A_725 = tpu.memref_squeeze %dma_start3A_724 : memref<1x1600x32xf32, #tpu.memory_space<vmem>> -> memref<1600x32xf32, #tpu.memory_space<vmem>>
      tpu.enqueue_dma source(%dma_start3A_725 : memref<1600x32xf32, #tpu.memory_space<vmem>>) target(%dma_start3A_721 : memref<1600x32xf32, #tpu.memory_space<hbm>>) target_semaphore(%arg11 : memref<!tpu.dma_semaphore, #tpu.memory_space<semaphore_mem>>)
      %add3A_726 = arith.constant 2 : i32
      %add3A_727 = arith.addi %add3A_687, %add3A_726 : i32
      %lt3A = arith.constant 64 : i32
      %lt3A_728 = arith.cmpi slt, %add3A_727, %lt3A : i32
      %convert_element_type3A = arith.extui %lt3A_728 : i1 to i32
      %cond3A = arith.constant 0 : i32
      %cond3A_729 = arith.cmpi ne, %convert_element_type3A, %cond3A : i32
      scf.if %cond3A_729 {
        %mul3A_779 = arith.constant 1600 : i32
        %mul3A_780 = arith.muli %add3A_687, %mul3A_779 : i32
        %add3A_781 = arith.addi %mul3A_2, %mul3A_780 : i32
        %dma_wait3A_782 = arith.constant 0 : i32
        %dma_wait3A_783 = arith.constant 0 : i32
        %dma_wait3A_784 = arith.constant 0 : i32
        %dma_wait3A_785 = tpu.memref_slice %arg7[%dma_wait3A_782, %dma_wait3A_783, %dma_wait3A_784] : memref<2x1600x32xf32, #tpu.memory_space<vmem>> -> memref<1x1600x32xf32, #tpu.memory_space<vmem>>
        %dma_wait3A_786 = tpu.memref_squeeze %dma_wait3A_785 : memref<1x1600x32xf32, #tpu.memory_space<vmem>> -> memref<1600x32xf32, #tpu.memory_space<vmem>>
        %dma_wait3A_787 = arith.constant 0 : i32
        %dma_wait3A_788 = tpu.memref_slice %arg5[%add3A_781, %dma_wait3A_787] : memref<3276800x32xf32, #tpu.memory_space<hbm>> -> memref<1600x32xf32, #tpu.memory_space<hbm>>
        %dma_wait3A_789 = arith.constant 0 : i32
        %dma_wait3A_790 = tpu.memref_slice %arg5[%add3A_781, %dma_wait3A_789] : memref<3276800x32xf32, #tpu.memory_space<hbm>> -> memref<1600x32xf32, #tpu.memory_space<hbm>>
        %dma_wait3A_791 = arith.constant 0 : i32
        %dma_wait3A_792 = arith.constant 0 : i32
        %dma_wait3A_793 = tpu.memref_slice %arg7[%dma_wait3A_782, %dma_wait3A_791, %dma_wait3A_792] : memref<2x1600x32xf32, #tpu.memory_space<vmem>> -> memref<1x1600x32xf32, #tpu.memory_space<vmem>>
        %dma_wait3A_794 = tpu.memref_squeeze %dma_wait3A_793 : memref<1x1600x32xf32, #tpu.memory_space<vmem>> -> memref<1600x32xf32, #tpu.memory_space<vmem>>
        tpu.wait_dma2 semaphore(%arg11 : memref<!tpu.dma_semaphore, #tpu.memory_space<semaphore_mem>>) src(%dma_wait3A_794 : memref<1600x32xf32, #tpu.memory_space<vmem>>) dst(%dma_wait3A_790 : memref<1600x32xf32, #tpu.memory_space<hbm>>)
        %add3A_795 = arith.constant 2 : i32
        %add3A_796 = arith.addi %add3A_687, %add3A_795 : i32
        %mul3A_797 = arith.constant 16 : i32
        %mul3A_798 = arith.muli %add3A_796, %mul3A_797 : i32
        %add3A_799 = arith.addi %mul3A_4, %mul3A_798 : i32
        %run_scoped3A_800 = arith.constant 0 : i32
        "tpu.region"() ({
          %run_scoped3A_1121 = tpu.sem_alloc : memref<!tpu.dma_semaphore, #tpu.memory_space<semaphore_mem>>
          %dma_start3A_1122 = arith.constant 0 : i32
          %dma_start3A_1123 = arith.constant 0 : i32
          %dma_start3A_1124 = tpu.memref_slice %arg6[%run_scoped3A_800, %dma_start3A_1122, %dma_start3A_1123] : memref<2x16x100xi32, #tpu.memory_space<vmem>> -> memref<1x16x100xi32, #tpu.memory_space<vmem>>
          %dma_start3A_1125 = tpu.memref_squeeze %dma_start3A_1124 : memref<1x16x100xi32, #tpu.memory_space<vmem>> -> memref<16x100xi32, #tpu.memory_space<vmem>>
          %dma_start3A_1126 = arith.constant 0 : i32
          %dma_start3A_1127 = tpu.memref_slice %arg2[%add3A_799, %dma_start3A_1126] : memref<32768x100xi32, #tpu.memory_space<hbm>> -> memref<16x100xi32, #tpu.memory_space<hbm>>
          %dma_start3A_1128 = arith.constant 0 : i32
          %dma_start3A_1129 = arith.constant 0 : i32
          %dma_start3A_1130 = tpu.memref_slice %arg6[%run_scoped3A_800, %dma_start3A_1128, %dma_start3A_1129] : memref<2x16x100xi32, #tpu.memory_space<vmem>> -> memref<1x16x100xi32, #tpu.memory_space<vmem>>
          %dma_start3A_1131 = tpu.memref_squeeze %dma_start3A_1130 : memref<1x16x100xi32, #tpu.memory_space<vmem>> -> memref<16x100xi32, #tpu.memory_space<vmem>>
          %dma_start3A_1132 = arith.constant 0 : i32
          %dma_start3A_1133 = tpu.memref_slice %arg2[%add3A_799, %dma_start3A_1132] : memref<32768x100xi32, #tpu.memory_space<hbm>> -> memref<16x100xi32, #tpu.memory_space<hbm>>
          tpu.enqueue_dma source(%dma_start3A_1133 : memref<16x100xi32, #tpu.memory_space<hbm>>) target(%dma_start3A_1131 : memref<16x100xi32, #tpu.memory_space<vmem>>) target_semaphore(%run_scoped3A_1121 : memref<!tpu.dma_semaphore, #tpu.memory_space<semaphore_mem>>)
          %dma_wait3A_1134 = arith.constant 0 : i32
          %dma_wait3A_1135 = arith.constant 0 : i32
          %dma_wait3A_1136 = tpu.memref_slice %arg6[%run_scoped3A_800, %dma_wait3A_1134, %dma_wait3A_1135] : memref<2x16x100xi32, #tpu.memory_space<vmem>> -> memref<1x16x100xi32, #tpu.memory_space<vmem>>
          %dma_wait3A_1137 = tpu.memref_squeeze %dma_wait3A_1136 : memref<1x16x100xi32, #tpu.memory_space<vmem>> -> memref<16x100xi32, #tpu.memory_space<vmem>>
          %dma_wait3A_1138 = arith.constant 0 : i32
          %dma_wait3A_1139 = tpu.memref_slice %arg2[%add3A_799, %dma_wait3A_1138] : memref<32768x100xi32, #tpu.memory_space<hbm>> -> memref<16x100xi32, #tpu.memory_space<hbm>>
          %dma_wait3A_1140 = arith.constant 0 : i32
          %dma_wait3A_1141 = arith.constant 0 : i32
          %dma_wait3A_1142 = tpu.memref_slice %arg6[%run_scoped3A_800, %dma_wait3A_1140, %dma_wait3A_1141] : memref<2x16x100xi32, #tpu.memory_space<vmem>> -> memref<1x16x100xi32, #tpu.memory_space<vmem>>
          %dma_wait3A_1143 = tpu.memref_squeeze %dma_wait3A_1142 : memref<1x16x100xi32, #tpu.memory_space<vmem>> -> memref<16x100xi32, #tpu.memory_space<vmem>>
          %dma_wait3A_1144 = arith.constant 0 : i32
          %dma_wait3A_1145 = tpu.memref_slice %arg2[%add3A_799, %dma_wait3A_1144] : memref<32768x100xi32, #tpu.memory_space<hbm>> -> memref<16x100xi32, #tpu.memory_space<hbm>>
          tpu.wait_dma2 semaphore(%run_scoped3A_1121 : memref<!tpu.dma_semaphore, #tpu.memory_space<semaphore_mem>>) src(%dma_wait3A_1145 : memref<16x100xi32, #tpu.memory_space<hbm>>) dst(%dma_wait3A_1143 : memref<16x100xi32, #tpu.memory_space<vmem>>)
          tpu.yield
        }) : () -> ()
        %dma_start3A_801 = arith.constant 0 : i32
        %dma_start3A_802 = arith.constant 0 : i32
        %dma_start3A_803 = arith.constant 0 : i32
        %dma_start3A_804 = arith.constant 0 : i32
        %dma_start3A_805 = arith.constant 0 : i32
        %dma_start3A_806 = tpu.memref_slice %arg7[%dma_start3A_803, %dma_start3A_804, %dma_start3A_805] : memref<2x1600x32xf32, #tpu.memory_space<vmem>> -> memref<1x1600x32xf32, #tpu.memory_space<vmem>>
        %dma_start3A_807 = tpu.memref_squeeze %dma_start3A_806 : memref<1x1600x32xf32, #tpu.memory_space<vmem>> -> memref<1600x32xf32, #tpu.memory_space<vmem>>
        %dma_start3A_808 = arith.constant 0 : i32
        %dma_start3A_809 = arith.constant 0 : i32
        %dma_start3A_810 = tpu.memref_slice %dma_start3A_807[%dma_start3A_808, %dma_start3A_809] : memref<1600x32xf32, #tpu.memory_space<vmem>> -> memref<100x32xf32, #tpu.memory_space<vmem>>
        %dma_start3A_811 = arith.constant 0 : i32
        %dma_start3A_812 = arith.constant 0 : i32
        %dma_start3A_813 = tpu.memref_slice %arg6[%dma_start3A_801, %dma_start3A_811, %dma_start3A_812] : memref<2x16x100xi32, #tpu.memory_space<vmem>> -> memref<1x16x100xi32, #tpu.memory_space<vmem>>
        %dma_start3A_814 = tpu.memref_squeeze %dma_start3A_813 : memref<1x16x100xi32, #tpu.memory_space<vmem>> -> memref<16x100xi32, #tpu.memory_space<vmem>>
        %dma_start3A_815 = arith.constant 0 : i32
        %dma_start3A_816 = tpu.memref_slice %dma_start3A_814[%dma_start3A_802, %dma_start3A_815] : memref<16x100xi32, #tpu.memory_space<vmem>> -> memref<1x100xi32, #tpu.memory_space<vmem>>
        %dma_start3A_817 = tpu.memref_squeeze %dma_start3A_816 : memref<1x100xi32, #tpu.memory_space<vmem>> -> memref<100xi32, #tpu.memory_space<vmem>>
        %dma_start3A_818 = arith.constant 0 : i32
        %dma_start3A_819 = arith.constant 0 : i32
        %dma_start3A_820 = tpu.memref_slice %arg3[%dma_start3A_818, %dma_start3A_819] : memref<100000x32xf32, #tpu.memory_space<hbm>> -> memref<100000x32xf32, #tpu.memory_space<hbm>>
        tpu.enqueue_indirect_dma source(%dma_start3A_820 : memref<100000x32xf32, #tpu.memory_space<hbm>>) target(%dma_start3A_810 : memref<100x32xf32, #tpu.memory_space<vmem>>) offsets(%dma_start3A_817 : memref<100xi32, #tpu.memory_space<vmem>>) semaphore(%arg9 : memref<!tpu.dma_semaphore, #tpu.memory_space<semaphore_mem>>)
        %dma_start3A_821 = arith.constant 0 : i32
        %dma_start3A_822 = arith.constant 1 : i32
        %dma_start3A_823 = arith.constant 0 : i32
        %dma_start3A_824 = arith.constant 0 : i32
        %dma_start3A_825 = arith.constant 0 : i32
        %dma_start3A_826 = tpu.memref_slice %arg7[%dma_start3A_823, %dma_start3A_824, %dma_start3A_825] : memref<2x1600x32xf32, #tpu.memory_space<vmem>> -> memref<1x1600x32xf32, #tpu.memory_space<vmem>>
        %dma_start3A_827 = tpu.memref_squeeze %dma_start3A_826 : memref<1x1600x32xf32, #tpu.memory_space<vmem>> -> memref<1600x32xf32, #tpu.memory_space<vmem>>
        %dma_start3A_828 = arith.constant 100 : i32
        %dma_start3A_829 = arith.constant 0 : i32
        %dma_start3A_830 = tpu.memref_slice %dma_start3A_827[%dma_start3A_828, %dma_start3A_829] : memref<1600x32xf32, #tpu.memory_space<vmem>> -> memref<100x32xf32, #tpu.memory_space<vmem>>
        %dma_start3A_831 = arith.constant 0 : i32
        %dma_start3A_832 = arith.constant 0 : i32
        %dma_start3A_833 = tpu.memref_slice %arg6[%dma_start3A_821, %dma_start3A_831, %dma_start3A_832] : memref<2x16x100xi32, #tpu.memory_space<vmem>> -> memref<1x16x100xi32, #tpu.memory_space<vmem>>
        %dma_start3A_834 = tpu.memref_squeeze %dma_start3A_833 : memref<1x16x100xi32, #tpu.memory_space<vmem>> -> memref<16x100xi32, #tpu.memory_space<vmem>>
        %dma_start3A_835 = arith.constant 0 : i32
        %dma_start3A_836 = tpu.memref_slice %dma_start3A_834[%dma_start3A_822, %dma_start3A_835] : memref<16x100xi32, #tpu.memory_space<vmem>> -> memref<1x100xi32, #tpu.memory_space<vmem>>
        %dma_start3A_837 = tpu.memref_squeeze %dma_start3A_836 : memref<1x100xi32, #tpu.memory_space<vmem>> -> memref<100xi32, #tpu.memory_space<vmem>>
        %dma_start3A_838 = arith.constant 0 : i32
        %dma_start3A_839 = arith.constant 0 : i32
        %dma_start3A_840 = tpu.memref_slice %arg3[%dma_start3A_838, %dma_start3A_839] : memref<100000x32xf32, #tpu.memory_space<hbm>> -> memref<100000x32xf32, #tpu.memory_space<hbm>>
        tpu.enqueue_indirect_dma source(%dma_start3A_840 : memref<100000x32xf32, #tpu.memory_space<hbm>>) target(%dma_start3A_830 : memref<100x32xf32, #tpu.memory_space<vmem>>) offsets(%dma_start3A_837 : memref<100xi32, #tpu.memory_space<vmem>>) semaphore(%arg9 : memref<!tpu.dma_semaphore, #tpu.memory_space<semaphore_mem>>)
        %dma_start3A_841 = arith.constant 0 : i32
        %dma_start3A_842 = arith.constant 2 : i32
        %dma_start3A_843 = arith.constant 0 : i32
        %dma_start3A_844 = arith.constant 0 : i32
        %dma_start3A_845 = arith.constant 0 : i32
        %dma_start3A_846 = tpu.memref_slice %arg7[%dma_start3A_843, %dma_start3A_844, %dma_start3A_845] : memref<2x1600x32xf32, #tpu.memory_space<vmem>> -> memref<1x1600x32xf32, #tpu.memory_space<vmem>>
        %dma_start3A_847 = tpu.memref_squeeze %dma_start3A_846 : memref<1x1600x32xf32, #tpu.memory_space<vmem>> -> memref<1600x32xf32, #tpu.memory_space<vmem>>
        %dma_start3A_848 = arith.constant 200 : i32
        %dma_start3A_849 = arith.constant 0 : i32
        %dma_start3A_850 = tpu.memref_slice %dma_start3A_847[%dma_start3A_848, %dma_start3A_849] : memref<1600x32xf32, #tpu.memory_space<vmem>> -> memref<100x32xf32, #tpu.memory_space<vmem>>
        %dma_start3A_851 = arith.constant 0 : i32
        %dma_start3A_852 = arith.constant 0 : i32
        %dma_start3A_853 = tpu.memref_slice %arg6[%dma_start3A_841, %dma_start3A_851, %dma_start3A_852] : memref<2x16x100xi32, #tpu.memory_space<vmem>> -> memref<1x16x100xi32, #tpu.memory_space<vmem>>
        %dma_start3A_854 = tpu.memref_squeeze %dma_start3A_853 : memref<1x16x100xi32, #tpu.memory_space<vmem>> -> memref<16x100xi32, #tpu.memory_space<vmem>>
        %dma_start3A_855 = arith.constant 0 : i32
        %dma_start3A_856 = tpu.memref_slice %dma_start3A_854[%dma_start3A_842, %dma_start3A_855] : memref<16x100xi32, #tpu.memory_space<vmem>> -> memref<1x100xi32, #tpu.memory_space<vmem>>
        %dma_start3A_857 = tpu.memref_squeeze %dma_start3A_856 : memref<1x100xi32, #tpu.memory_space<vmem>> -> memref<100xi32, #tpu.memory_space<vmem>>
        %dma_start3A_858 = arith.constant 0 : i32
        %dma_start3A_859 = arith.constant 0 : i32
        %dma_start3A_860 = tpu.memref_slice %arg3[%dma_start3A_858, %dma_start3A_859] : memref<100000x32xf32, #tpu.memory_space<hbm>> -> memref<100000x32xf32, #tpu.memory_space<hbm>>
        tpu.enqueue_indirect_dma source(%dma_start3A_860 : memref<100000x32xf32, #tpu.memory_space<hbm>>) target(%dma_start3A_850 : memref<100x32xf32, #tpu.memory_space<vmem>>) offsets(%dma_start3A_857 : memref<100xi32, #tpu.memory_space<vmem>>) semaphore(%arg9 : memref<!tpu.dma_semaphore, #tpu.memory_space<semaphore_mem>>)
        %dma_start3A_861 = arith.constant 0 : i32
        %dma_start3A_862 = arith.constant 3 : i32
        %dma_start3A_863 = arith.constant 0 : i32
        %dma_start3A_864 = arith.constant 0 : i32
        %dma_start3A_865 = arith.constant 0 : i32
        %dma_start3A_866 = tpu.memref_slice %arg7[%dma_start3A_863, %dma_start3A_864, %dma_start3A_865] : memref<2x1600x32xf32, #tpu.memory_space<vmem>> -> memref<1x1600x32xf32, #tpu.memory_space<vmem>>
        %dma_start3A_867 = tpu.memref_squeeze %dma_start3A_866 : memref<1x1600x32xf32, #tpu.memory_space<vmem>> -> memref<1600x32xf32, #tpu.memory_space<vmem>>
        %dma_start3A_868 = arith.constant 300 : i32
        %dma_start3A_869 = arith.constant 0 : i32
        %dma_start3A_870 = tpu.memref_slice %dma_start3A_867[%dma_start3A_868, %dma_start3A_869] : memref<1600x32xf32, #tpu.memory_space<vmem>> -> memref<100x32xf32, #tpu.memory_space<vmem>>
        %dma_start3A_871 = arith.constant 0 : i32
        %dma_start3A_872 = arith.constant 0 : i32
        %dma_start3A_873 = tpu.memref_slice %arg6[%dma_start3A_861, %dma_start3A_871, %dma_start3A_872] : memref<2x16x100xi32, #tpu.memory_space<vmem>> -> memref<1x16x100xi32, #tpu.memory_space<vmem>>
        %dma_start3A_874 = tpu.memref_squeeze %dma_start3A_873 : memref<1x16x100xi32, #tpu.memory_space<vmem>> -> memref<16x100xi32, #tpu.memory_space<vmem>>
        %dma_start3A_875 = arith.constant 0 : i32
        %dma_start3A_876 = tpu.memref_slice %dma_start3A_874[%dma_start3A_862, %dma_start3A_875] : memref<16x100xi32, #tpu.memory_space<vmem>> -> memref<1x100xi32, #tpu.memory_space<vmem>>
        %dma_start3A_877 = tpu.memref_squeeze %dma_start3A_876 : memref<1x100xi32, #tpu.memory_space<vmem>> -> memref<100xi32, #tpu.memory_space<vmem>>
        %dma_start3A_878 = arith.constant 0 : i32
        %dma_start3A_879 = arith.constant 0 : i32
        %dma_start3A_880 = tpu.memref_slice %arg3[%dma_start3A_878, %dma_start3A_879] : memref<100000x32xf32, #tpu.memory_space<hbm>> -> memref<100000x32xf32, #tpu.memory_space<hbm>>
        tpu.enqueue_indirect_dma source(%dma_start3A_880 : memref<100000x32xf32, #tpu.memory_space<hbm>>) target(%dma_start3A_870 : memref<100x32xf32, #tpu.memory_space<vmem>>) offsets(%dma_start3A_877 : memref<100xi32, #tpu.memory_space<vmem>>) semaphore(%arg9 : memref<!tpu.dma_semaphore, #tpu.memory_space<semaphore_mem>>)
        %dma_start3A_881 = arith.constant 0 : i32
        %dma_start3A_882 = arith.constant 4 : i32
        %dma_start3A_883 = arith.constant 0 : i32
        %dma_start3A_884 = arith.constant 0 : i32
        %dma_start3A_885 = arith.constant 0 : i32
        %dma_start3A_886 = tpu.memref_slice %arg7[%dma_start3A_883, %dma_start3A_884, %dma_start3A_885] : memref<2x1600x32xf32, #tpu.memory_space<vmem>> -> memref<1x1600x32xf32, #tpu.memory_space<vmem>>
        %dma_start3A_887 = tpu.memref_squeeze %dma_start3A_886 : memref<1x1600x32xf32, #tpu.memory_space<vmem>> -> memref<1600x32xf32, #tpu.memory_space<vmem>>
        %dma_start3A_888 = arith.constant 400 : i32
        %dma_start3A_889 = arith.constant 0 : i32
        %dma_start3A_890 = tpu.memref_slice %dma_start3A_887[%dma_start3A_888, %dma_start3A_889] : memref<1600x32xf32, #tpu.memory_space<vmem>> -> memref<100x32xf32, #tpu.memory_space<vmem>>
        %dma_start3A_891 = arith.constant 0 : i32
        %dma_start3A_892 = arith.constant 0 : i32
        %dma_start3A_893 = tpu.memref_slice %arg6[%dma_start3A_881, %dma_start3A_891, %dma_start3A_892] : memref<2x16x100xi32, #tpu.memory_space<vmem>> -> memref<1x16x100xi32, #tpu.memory_space<vmem>>
        %dma_start3A_894 = tpu.memref_squeeze %dma_start3A_893 : memref<1x16x100xi32, #tpu.memory_space<vmem>> -> memref<16x100xi32, #tpu.memory_space<vmem>>
        %dma_start3A_895 = arith.constant 0 : i32
        %dma_start3A_896 = tpu.memref_slice %dma_start3A_894[%dma_start3A_882, %dma_start3A_895] : memref<16x100xi32, #tpu.memory_space<vmem>> -> memref<1x100xi32, #tpu.memory_space<vmem>>
        %dma_start3A_897 = tpu.memref_squeeze %dma_start3A_896 : memref<1x100xi32, #tpu.memory_space<vmem>> -> memref<100xi32, #tpu.memory_space<vmem>>
        %dma_start3A_898 = arith.constant 0 : i32
        %dma_start3A_899 = arith.constant 0 : i32
        %dma_start3A_900 = tpu.memref_slice %arg3[%dma_start3A_898, %dma_start3A_899] : memref<100000x32xf32, #tpu.memory_space<hbm>> -> memref<100000x32xf32, #tpu.memory_space<hbm>>
        tpu.enqueue_indirect_dma source(%dma_start3A_900 : memref<100000x32xf32, #tpu.memory_space<hbm>>) target(%dma_start3A_890 : memref<100x32xf32, #tpu.memory_space<vmem>>) offsets(%dma_start3A_897 : memref<100xi32, #tpu.memory_space<vmem>>) semaphore(%arg9 : memref<!tpu.dma_semaphore, #tpu.memory_space<semaphore_mem>>)
        %dma_start3A_901 = arith.constant 0 : i32
        %dma_start3A_902 = arith.constant 5 : i32
        %dma_start3A_903 = arith.constant 0 : i32
        %dma_start3A_904 = arith.constant 0 : i32
        %dma_start3A_905 = arith.constant 0 : i32
        %dma_start3A_906 = tpu.memref_slice %arg7[%dma_start3A_903, %dma_start3A_904, %dma_start3A_905] : memref<2x1600x32xf32, #tpu.memory_space<vmem>> -> memref<1x1600x32xf32, #tpu.memory_space<vmem>>
        %dma_start3A_907 = tpu.memref_squeeze %dma_start3A_906 : memref<1x1600x32xf32, #tpu.memory_space<vmem>> -> memref<1600x32xf32, #tpu.memory_space<vmem>>
        %dma_start3A_908 = arith.constant 500 : i32
        %dma_start3A_909 = arith.constant 0 : i32
        %dma_start3A_910 = tpu.memref_slice %dma_start3A_907[%dma_start3A_908, %dma_start3A_909] : memref<1600x32xf32, #tpu.memory_space<vmem>> -> memref<100x32xf32, #tpu.memory_space<vmem>>
        %dma_start3A_911 = arith.constant 0 : i32
        %dma_start3A_912 = arith.constant 0 : i32
        %dma_start3A_913 = tpu.memref_slice %arg6[%dma_start3A_901, %dma_start3A_911, %dma_start3A_912] : memref<2x16x100xi32, #tpu.memory_space<vmem>> -> memref<1x16x100xi32, #tpu.memory_space<vmem>>
        %dma_start3A_914 = tpu.memref_squeeze %dma_start3A_913 : memref<1x16x100xi32, #tpu.memory_space<vmem>> -> memref<16x100xi32, #tpu.memory_space<vmem>>
        %dma_start3A_915 = arith.constant 0 : i32
        %dma_start3A_916 = tpu.memref_slice %dma_start3A_914[%dma_start3A_902, %dma_start3A_915] : memref<16x100xi32, #tpu.memory_space<vmem>> -> memref<1x100xi32, #tpu.memory_space<vmem>>
        %dma_start3A_917 = tpu.memref_squeeze %dma_start3A_916 : memref<1x100xi32, #tpu.memory_space<vmem>> -> memref<100xi32, #tpu.memory_space<vmem>>
        %dma_start3A_918 = arith.constant 0 : i32
        %dma_start3A_919 = arith.constant 0 : i32
        %dma_start3A_920 = tpu.memref_slice %arg3[%dma_start3A_918, %dma_start3A_919] : memref<100000x32xf32, #tpu.memory_space<hbm>> -> memref<100000x32xf32, #tpu.memory_space<hbm>>
        tpu.enqueue_indirect_dma source(%dma_start3A_920 : memref<100000x32xf32, #tpu.memory_space<hbm>>) target(%dma_start3A_910 : memref<100x32xf32, #tpu.memory_space<vmem>>) offsets(%dma_start3A_917 : memref<100xi32, #tpu.memory_space<vmem>>) semaphore(%arg9 : memref<!tpu.dma_semaphore, #tpu.memory_space<semaphore_mem>>)
        %dma_start3A_921 = arith.constant 0 : i32
        %dma_start3A_922 = arith.constant 6 : i32
        %dma_start3A_923 = arith.constant 0 : i32
        %dma_start3A_924 = arith.constant 0 : i32
        %dma_start3A_925 = arith.constant 0 : i32
        %dma_start3A_926 = tpu.memref_slice %arg7[%dma_start3A_923, %dma_start3A_924, %dma_start3A_925] : memref<2x1600x32xf32, #tpu.memory_space<vmem>> -> memref<1x1600x32xf32, #tpu.memory_space<vmem>>
        %dma_start3A_927 = tpu.memref_squeeze %dma_start3A_926 : memref<1x1600x32xf32, #tpu.memory_space<vmem>> -> memref<1600x32xf32, #tpu.memory_space<vmem>>
        %dma_start3A_928 = arith.constant 600 : i32
        %dma_start3A_929 = arith.constant 0 : i32
        %dma_start3A_930 = tpu.memref_slice %dma_start3A_927[%dma_start3A_928, %dma_start3A_929] : memref<1600x32xf32, #tpu.memory_space<vmem>> -> memref<100x32xf32, #tpu.memory_space<vmem>>
        %dma_start3A_931 = arith.constant 0 : i32
        %dma_start3A_932 = arith.constant 0 : i32
        %dma_start3A_933 = tpu.memref_slice %arg6[%dma_start3A_921, %dma_start3A_931, %dma_start3A_932] : memref<2x16x100xi32, #tpu.memory_space<vmem>> -> memref<1x16x100xi32, #tpu.memory_space<vmem>>
        %dma_start3A_934 = tpu.memref_squeeze %dma_start3A_933 : memref<1x16x100xi32, #tpu.memory_space<vmem>> -> memref<16x100xi32, #tpu.memory_space<vmem>>
        %dma_start3A_935 = arith.constant 0 : i32
        %dma_start3A_936 = tpu.memref_slice %dma_start3A_934[%dma_start3A_922, %dma_start3A_935] : memref<16x100xi32, #tpu.memory_space<vmem>> -> memref<1x100xi32, #tpu.memory_space<vmem>>
        %dma_start3A_937 = tpu.memref_squeeze %dma_start3A_936 : memref<1x100xi32, #tpu.memory_space<vmem>> -> memref<100xi32, #tpu.memory_space<vmem>>
        %dma_start3A_938 = arith.constant 0 : i32
        %dma_start3A_939 = arith.constant 0 : i32
        %dma_start3A_940 = tpu.memref_slice %arg3[%dma_start3A_938, %dma_start3A_939] : memref<100000x32xf32, #tpu.memory_space<hbm>> -> memref<100000x32xf32, #tpu.memory_space<hbm>>
        tpu.enqueue_indirect_dma source(%dma_start3A_940 : memref<100000x32xf32, #tpu.memory_space<hbm>>) target(%dma_start3A_930 : memref<100x32xf32, #tpu.memory_space<vmem>>) offsets(%dma_start3A_937 : memref<100xi32, #tpu.memory_space<vmem>>) semaphore(%arg9 : memref<!tpu.dma_semaphore, #tpu.memory_space<semaphore_mem>>)
        %dma_start3A_941 = arith.constant 0 : i32
        %dma_start3A_942 = arith.constant 7 : i32
        %dma_start3A_943 = arith.constant 0 : i32
        %dma_start3A_944 = arith.constant 0 : i32
        %dma_start3A_945 = arith.constant 0 : i32
        %dma_start3A_946 = tpu.memref_slice %arg7[%dma_start3A_943, %dma_start3A_944, %dma_start3A_945] : memref<2x1600x32xf32, #tpu.memory_space<vmem>> -> memref<1x1600x32xf32, #tpu.memory_space<vmem>>
        %dma_start3A_947 = tpu.memref_squeeze %dma_start3A_946 : memref<1x1600x32xf32, #tpu.memory_space<vmem>> -> memref<1600x32xf32, #tpu.memory_space<vmem>>
        %dma_start3A_948 = arith.constant 700 : i32
        %dma_start3A_949 = arith.constant 0 : i32
        %dma_start3A_950 = tpu.memref_slice %dma_start3A_947[%dma_start3A_948, %dma_start3A_949] : memref<1600x32xf32, #tpu.memory_space<vmem>> -> memref<100x32xf32, #tpu.memory_space<vmem>>
        %dma_start3A_951 = arith.constant 0 : i32
        %dma_start3A_952 = arith.constant 0 : i32
        %dma_start3A_953 = tpu.memref_slice %arg6[%dma_start3A_941, %dma_start3A_951, %dma_start3A_952] : memref<2x16x100xi32, #tpu.memory_space<vmem>> -> memref<1x16x100xi32, #tpu.memory_space<vmem>>
        %dma_start3A_954 = tpu.memref_squeeze %dma_start3A_953 : memref<1x16x100xi32, #tpu.memory_space<vmem>> -> memref<16x100xi32, #tpu.memory_space<vmem>>
        %dma_start3A_955 = arith.constant 0 : i32
        %dma_start3A_956 = tpu.memref_slice %dma_start3A_954[%dma_start3A_942, %dma_start3A_955] : memref<16x100xi32, #tpu.memory_space<vmem>> -> memref<1x100xi32, #tpu.memory_space<vmem>>
        %dma_start3A_957 = tpu.memref_squeeze %dma_start3A_956 : memref<1x100xi32, #tpu.memory_space<vmem>> -> memref<100xi32, #tpu.memory_space<vmem>>
        %dma_start3A_958 = arith.constant 0 : i32
        %dma_start3A_959 = arith.constant 0 : i32
        %dma_start3A_960 = tpu.memref_slice %arg3[%dma_start3A_958, %dma_start3A_959] : memref<100000x32xf32, #tpu.memory_space<hbm>> -> memref<100000x32xf32, #tpu.memory_space<hbm>>
        tpu.enqueue_indirect_dma source(%dma_start3A_960 : memref<100000x32xf32, #tpu.memory_space<hbm>>) target(%dma_start3A_950 : memref<100x32xf32, #tpu.memory_space<vmem>>) offsets(%dma_start3A_957 : memref<100xi32, #tpu.memory_space<vmem>>) semaphore(%arg9 : memref<!tpu.dma_semaphore, #tpu.memory_space<semaphore_mem>>)
        %dma_start3A_961 = arith.constant 0 : i32
        %dma_start3A_962 = arith.constant 8 : i32
        %dma_start3A_963 = arith.constant 0 : i32
        %dma_start3A_964 = arith.constant 0 : i32
        %dma_start3A_965 = arith.constant 0 : i32
        %dma_start3A_966 = tpu.memref_slice %arg7[%dma_start3A_963, %dma_start3A_964, %dma_start3A_965] : memref<2x1600x32xf32, #tpu.memory_space<vmem>> -> memref<1x1600x32xf32, #tpu.memory_space<vmem>>
        %dma_start3A_967 = tpu.memref_squeeze %dma_start3A_966 : memref<1x1600x32xf32, #tpu.memory_space<vmem>> -> memref<1600x32xf32, #tpu.memory_space<vmem>>
        %dma_start3A_968 = arith.constant 800 : i32
        %dma_start3A_969 = arith.constant 0 : i32
        %dma_start3A_970 = tpu.memref_slice %dma_start3A_967[%dma_start3A_968, %dma_start3A_969] : memref<1600x32xf32, #tpu.memory_space<vmem>> -> memref<100x32xf32, #tpu.memory_space<vmem>>
        %dma_start3A_971 = arith.constant 0 : i32
        %dma_start3A_972 = arith.constant 0 : i32
        %dma_start3A_973 = tpu.memref_slice %arg6[%dma_start3A_961, %dma_start3A_971, %dma_start3A_972] : memref<2x16x100xi32, #tpu.memory_space<vmem>> -> memref<1x16x100xi32, #tpu.memory_space<vmem>>
        %dma_start3A_974 = tpu.memref_squeeze %dma_start3A_973 : memref<1x16x100xi32, #tpu.memory_space<vmem>> -> memref<16x100xi32, #tpu.memory_space<vmem>>
        %dma_start3A_975 = arith.constant 0 : i32
        %dma_start3A_976 = tpu.memref_slice %dma_start3A_974[%dma_start3A_962, %dma_start3A_975] : memref<16x100xi32, #tpu.memory_space<vmem>> -> memref<1x100xi32, #tpu.memory_space<vmem>>
        %dma_start3A_977 = tpu.memref_squeeze %dma_start3A_976 : memref<1x100xi32, #tpu.memory_space<vmem>> -> memref<100xi32, #tpu.memory_space<vmem>>
        %dma_start3A_978 = arith.constant 0 : i32
        %dma_start3A_979 = arith.constant 0 : i32
        %dma_start3A_980 = tpu.memref_slice %arg3[%dma_start3A_978, %dma_start3A_979] : memref<100000x32xf32, #tpu.memory_space<hbm>> -> memref<100000x32xf32, #tpu.memory_space<hbm>>
        tpu.enqueue_indirect_dma source(%dma_start3A_980 : memref<100000x32xf32, #tpu.memory_space<hbm>>) target(%dma_start3A_970 : memref<100x32xf32, #tpu.memory_space<vmem>>) offsets(%dma_start3A_977 : memref<100xi32, #tpu.memory_space<vmem>>) semaphore(%arg9 : memref<!tpu.dma_semaphore, #tpu.memory_space<semaphore_mem>>)
        %dma_start3A_981 = arith.constant 0 : i32
        %dma_start3A_982 = arith.constant 9 : i32
        %dma_start3A_983 = arith.constant 0 : i32
        %dma_start3A_984 = arith.constant 0 : i32
        %dma_start3A_985 = arith.constant 0 : i32
        %dma_start3A_986 = tpu.memref_slice %arg7[%dma_start3A_983, %dma_start3A_984, %dma_start3A_985] : memref<2x1600x32xf32, #tpu.memory_space<vmem>> -> memref<1x1600x32xf32, #tpu.memory_space<vmem>>
        %dma_start3A_987 = tpu.memref_squeeze %dma_start3A_986 : memref<1x1600x32xf32, #tpu.memory_space<vmem>> -> memref<1600x32xf32, #tpu.memory_space<vmem>>
        %dma_start3A_988 = arith.constant 900 : i32
        %dma_start3A_989 = arith.constant 0 : i32
        %dma_start3A_990 = tpu.memref_slice %dma_start3A_987[%dma_start3A_988, %dma_start3A_989] : memref<1600x32xf32, #tpu.memory_space<vmem>> -> memref<100x32xf32, #tpu.memory_space<vmem>>
        %dma_start3A_991 = arith.constant 0 : i32
        %dma_start3A_992 = arith.constant 0 : i32
        %dma_start3A_993 = tpu.memref_slice %arg6[%dma_start3A_981, %dma_start3A_991, %dma_start3A_992] : memref<2x16x100xi32, #tpu.memory_space<vmem>> -> memref<1x16x100xi32, #tpu.memory_space<vmem>>
        %dma_start3A_994 = tpu.memref_squeeze %dma_start3A_993 : memref<1x16x100xi32, #tpu.memory_space<vmem>> -> memref<16x100xi32, #tpu.memory_space<vmem>>
        %dma_start3A_995 = arith.constant 0 : i32
        %dma_start3A_996 = tpu.memref_slice %dma_start3A_994[%dma_start3A_982, %dma_start3A_995] : memref<16x100xi32, #tpu.memory_space<vmem>> -> memref<1x100xi32, #tpu.memory_space<vmem>>
        %dma_start3A_997 = tpu.memref_squeeze %dma_start3A_996 : memref<1x100xi32, #tpu.memory_space<vmem>> -> memref<100xi32, #tpu.memory_space<vmem>>
        %dma_start3A_998 = arith.constant 0 : i32
        %dma_start3A_999 = arith.constant 0 : i32
        %dma_start3A_1000 = tpu.memref_slice %arg3[%dma_start3A_998, %dma_start3A_999] : memref<100000x32xf32, #tpu.memory_space<hbm>> -> memref<100000x32xf32, #tpu.memory_space<hbm>>
        tpu.enqueue_indirect_dma source(%dma_start3A_1000 : memref<100000x32xf32, #tpu.memory_space<hbm>>) target(%dma_start3A_990 : memref<100x32xf32, #tpu.memory_space<vmem>>) offsets(%dma_start3A_997 : memref<100xi32, #tpu.memory_space<vmem>>) semaphore(%arg9 : memref<!tpu.dma_semaphore, #tpu.memory_space<semaphore_mem>>)
        %dma_start3A_1001 = arith.constant 0 : i32
        %dma_start3A_1002 = arith.constant 10 : i32
        %dma_start3A_1003 = arith.constant 0 : i32
        %dma_start3A_1004 = arith.constant 0 : i32
        %dma_start3A_1005 = arith.constant 0 : i32
        %dma_start3A_1006 = tpu.memref_slice %arg7[%dma_start3A_1003, %dma_start3A_1004, %dma_start3A_1005] : memref<2x1600x32xf32, #tpu.memory_space<vmem>> -> memref<1x1600x32xf32, #tpu.memory_space<vmem>>
        %dma_start3A_1007 = tpu.memref_squeeze %dma_start3A_1006 : memref<1x1600x32xf32, #tpu.memory_space<vmem>> -> memref<1600x32xf32, #tpu.memory_space<vmem>>
        %dma_start3A_1008 = arith.constant 1000 : i32
        %dma_start3A_1009 = arith.constant 0 : i32
        %dma_start3A_1010 = tpu.memref_slice %dma_start3A_1007[%dma_start3A_1008, %dma_start3A_1009] : memref<1600x32xf32, #tpu.memory_space<vmem>> -> memref<100x32xf32, #tpu.memory_space<vmem>>
        %dma_start3A_1011 = arith.constant 0 : i32
        %dma_start3A_1012 = arith.constant 0 : i32
        %dma_start3A_1013 = tpu.memref_slice %arg6[%dma_start3A_1001, %dma_start3A_1011, %dma_start3A_1012] : memref<2x16x100xi32, #tpu.memory_space<vmem>> -> memref<1x16x100xi32, #tpu.memory_space<vmem>>
        %dma_start3A_1014 = tpu.memref_squeeze %dma_start3A_1013 : memref<1x16x100xi32, #tpu.memory_space<vmem>> -> memref<16x100xi32, #tpu.memory_space<vmem>>
        %dma_start3A_1015 = arith.constant 0 : i32
        %dma_start3A_1016 = tpu.memref_slice %dma_start3A_1014[%dma_start3A_1002, %dma_start3A_1015] : memref<16x100xi32, #tpu.memory_space<vmem>> -> memref<1x100xi32, #tpu.memory_space<vmem>>
        %dma_start3A_1017 = tpu.memref_squeeze %dma_start3A_1016 : memref<1x100xi32, #tpu.memory_space<vmem>> -> memref<100xi32, #tpu.memory_space<vmem>>
        %dma_start3A_1018 = arith.constant 0 : i32
        %dma_start3A_1019 = arith.constant 0 : i32
        %dma_start3A_1020 = tpu.memref_slice %arg3[%dma_start3A_1018, %dma_start3A_1019] : memref<100000x32xf32, #tpu.memory_space<hbm>> -> memref<100000x32xf32, #tpu.memory_space<hbm>>
        tpu.enqueue_indirect_dma source(%dma_start3A_1020 : memref<100000x32xf32, #tpu.memory_space<hbm>>) target(%dma_start3A_1010 : memref<100x32xf32, #tpu.memory_space<vmem>>) offsets(%dma_start3A_1017 : memref<100xi32, #tpu.memory_space<vmem>>) semaphore(%arg9 : memref<!tpu.dma_semaphore, #tpu.memory_space<semaphore_mem>>)
        %dma_start3A_1021 = arith.constant 0 : i32
        %dma_start3A_1022 = arith.constant 11 : i32
        %dma_start3A_1023 = arith.constant 0 : i32
        %dma_start3A_1024 = arith.constant 0 : i32
        %dma_start3A_1025 = arith.constant 0 : i32
        %dma_start3A_1026 = tpu.memref_slice %arg7[%dma_start3A_1023, %dma_start3A_1024, %dma_start3A_1025] : memref<2x1600x32xf32, #tpu.memory_space<vmem>> -> memref<1x1600x32xf32, #tpu.memory_space<vmem>>
        %dma_start3A_1027 = tpu.memref_squeeze %dma_start3A_1026 : memref<1x1600x32xf32, #tpu.memory_space<vmem>> -> memref<1600x32xf32, #tpu.memory_space<vmem>>
        %dma_start3A_1028 = arith.constant 1100 : i32
        %dma_start3A_1029 = arith.constant 0 : i32
        %dma_start3A_1030 = tpu.memref_slice %dma_start3A_1027[%dma_start3A_1028, %dma_start3A_1029] : memref<1600x32xf32, #tpu.memory_space<vmem>> -> memref<100x32xf32, #tpu.memory_space<vmem>>
        %dma_start3A_1031 = arith.constant 0 : i32
        %dma_start3A_1032 = arith.constant 0 : i32
        %dma_start3A_1033 = tpu.memref_slice %arg6[%dma_start3A_1021, %dma_start3A_1031, %dma_start3A_1032] : memref<2x16x100xi32, #tpu.memory_space<vmem>> -> memref<1x16x100xi32, #tpu.memory_space<vmem>>
        %dma_start3A_1034 = tpu.memref_squeeze %dma_start3A_1033 : memref<1x16x100xi32, #tpu.memory_space<vmem>> -> memref<16x100xi32, #tpu.memory_space<vmem>>
        %dma_start3A_1035 = arith.constant 0 : i32
        %dma_start3A_1036 = tpu.memref_slice %dma_start3A_1034[%dma_start3A_1022, %dma_start3A_1035] : memref<16x100xi32, #tpu.memory_space<vmem>> -> memref<1x100xi32, #tpu.memory_space<vmem>>
        %dma_start3A_1037 = tpu.memref_squeeze %dma_start3A_1036 : memref<1x100xi32, #tpu.memory_space<vmem>> -> memref<100xi32, #tpu.memory_space<vmem>>
        %dma_start3A_1038 = arith.constant 0 : i32
        %dma_start3A_1039 = arith.constant 0 : i32
        %dma_start3A_1040 = tpu.memref_slice %arg3[%dma_start3A_1038, %dma_start3A_1039] : memref<100000x32xf32, #tpu.memory_space<hbm>> -> memref<100000x32xf32, #tpu.memory_space<hbm>>
        tpu.enqueue_indirect_dma source(%dma_start3A_1040 : memref<100000x32xf32, #tpu.memory_space<hbm>>) target(%dma_start3A_1030 : memref<100x32xf32, #tpu.memory_space<vmem>>) offsets(%dma_start3A_1037 : memref<100xi32, #tpu.memory_space<vmem>>) semaphore(%arg9 : memref<!tpu.dma_semaphore, #tpu.memory_space<semaphore_mem>>)
        %dma_start3A_1041 = arith.constant 0 : i32
        %dma_start3A_1042 = arith.constant 12 : i32
        %dma_start3A_1043 = arith.constant 0 : i32
        %dma_start3A_1044 = arith.constant 0 : i32
        %dma_start3A_1045 = arith.constant 0 : i32
        %dma_start3A_1046 = tpu.memref_slice %arg7[%dma_start3A_1043, %dma_start3A_1044, %dma_start3A_1045] : memref<2x1600x32xf32, #tpu.memory_space<vmem>> -> memref<1x1600x32xf32, #tpu.memory_space<vmem>>
        %dma_start3A_1047 = tpu.memref_squeeze %dma_start3A_1046 : memref<1x1600x32xf32, #tpu.memory_space<vmem>> -> memref<1600x32xf32, #tpu.memory_space<vmem>>
        %dma_start3A_1048 = arith.constant 1200 : i32
        %dma_start3A_1049 = arith.constant 0 : i32
        %dma_start3A_1050 = tpu.memref_slice %dma_start3A_1047[%dma_start3A_1048, %dma_start3A_1049] : memref<1600x32xf32, #tpu.memory_space<vmem>> -> memref<100x32xf32, #tpu.memory_space<vmem>>
        %dma_start3A_1051 = arith.constant 0 : i32
        %dma_start3A_1052 = arith.constant 0 : i32
        %dma_start3A_1053 = tpu.memref_slice %arg6[%dma_start3A_1041, %dma_start3A_1051, %dma_start3A_1052] : memref<2x16x100xi32, #tpu.memory_space<vmem>> -> memref<1x16x100xi32, #tpu.memory_space<vmem>>
        %dma_start3A_1054 = tpu.memref_squeeze %dma_start3A_1053 : memref<1x16x100xi32, #tpu.memory_space<vmem>> -> memref<16x100xi32, #tpu.memory_space<vmem>>
        %dma_start3A_1055 = arith.constant 0 : i32
        %dma_start3A_1056 = tpu.memref_slice %dma_start3A_1054[%dma_start3A_1042, %dma_start3A_1055] : memref<16x100xi32, #tpu.memory_space<vmem>> -> memref<1x100xi32, #tpu.memory_space<vmem>>
        %dma_start3A_1057 = tpu.memref_squeeze %dma_start3A_1056 : memref<1x100xi32, #tpu.memory_space<vmem>> -> memref<100xi32, #tpu.memory_space<vmem>>
        %dma_start3A_1058 = arith.constant 0 : i32
        %dma_start3A_1059 = arith.constant 0 : i32
        %dma_start3A_1060 = tpu.memref_slice %arg3[%dma_start3A_1058, %dma_start3A_1059] : memref<100000x32xf32, #tpu.memory_space<hbm>> -> memref<100000x32xf32, #tpu.memory_space<hbm>>
        tpu.enqueue_indirect_dma source(%dma_start3A_1060 : memref<100000x32xf32, #tpu.memory_space<hbm>>) target(%dma_start3A_1050 : memref<100x32xf32, #tpu.memory_space<vmem>>) offsets(%dma_start3A_1057 : memref<100xi32, #tpu.memory_space<vmem>>) semaphore(%arg9 : memref<!tpu.dma_semaphore, #tpu.memory_space<semaphore_mem>>)
        %dma_start3A_1061 = arith.constant 0 : i32
        %dma_start3A_1062 = arith.constant 13 : i32
        %dma_start3A_1063 = arith.constant 0 : i32
        %dma_start3A_1064 = arith.constant 0 : i32
        %dma_start3A_1065 = arith.constant 0 : i32
        %dma_start3A_1066 = tpu.memref_slice %arg7[%dma_start3A_1063, %dma_start3A_1064, %dma_start3A_1065] : memref<2x1600x32xf32, #tpu.memory_space<vmem>> -> memref<1x1600x32xf32, #tpu.memory_space<vmem>>
        %dma_start3A_1067 = tpu.memref_squeeze %dma_start3A_1066 : memref<1x1600x32xf32, #tpu.memory_space<vmem>> -> memref<1600x32xf32, #tpu.memory_space<vmem>>
        %dma_start3A_1068 = arith.constant 1300 : i32
        %dma_start3A_1069 = arith.constant 0 : i32
        %dma_start3A_1070 = tpu.memref_slice %dma_start3A_1067[%dma_start3A_1068, %dma_start3A_1069] : memref<1600x32xf32, #tpu.memory_space<vmem>> -> memref<100x32xf32, #tpu.memory_space<vmem>>
        %dma_start3A_1071 = arith.constant 0 : i32
        %dma_start3A_1072 = arith.constant 0 : i32
        %dma_start3A_1073 = tpu.memref_slice %arg6[%dma_start3A_1061, %dma_start3A_1071, %dma_start3A_1072] : memref<2x16x100xi32, #tpu.memory_space<vmem>> -> memref<1x16x100xi32, #tpu.memory_space<vmem>>
        %dma_start3A_1074 = tpu.memref_squeeze %dma_start3A_1073 : memref<1x16x100xi32, #tpu.memory_space<vmem>> -> memref<16x100xi32, #tpu.memory_space<vmem>>
        %dma_start3A_1075 = arith.constant 0 : i32
        %dma_start3A_1076 = tpu.memref_slice %dma_start3A_1074[%dma_start3A_1062, %dma_start3A_1075] : memref<16x100xi32, #tpu.memory_space<vmem>> -> memref<1x100xi32, #tpu.memory_space<vmem>>
        %dma_start3A_1077 = tpu.memref_squeeze %dma_start3A_1076 : memref<1x100xi32, #tpu.memory_space<vmem>> -> memref<100xi32, #tpu.memory_space<vmem>>
        %dma_start3A_1078 = arith.constant 0 : i32
        %dma_start3A_1079 = arith.constant 0 : i32
        %dma_start3A_1080 = tpu.memref_slice %arg3[%dma_start3A_1078, %dma_start3A_1079] : memref<100000x32xf32, #tpu.memory_space<hbm>> -> memref<100000x32xf32, #tpu.memory_space<hbm>>
        tpu.enqueue_indirect_dma source(%dma_start3A_1080 : memref<100000x32xf32, #tpu.memory_space<hbm>>) target(%dma_start3A_1070 : memref<100x32xf32, #tpu.memory_space<vmem>>) offsets(%dma_start3A_1077 : memref<100xi32, #tpu.memory_space<vmem>>) semaphore(%arg9 : memref<!tpu.dma_semaphore, #tpu.memory_space<semaphore_mem>>)
        %dma_start3A_1081 = arith.constant 0 : i32
        %dma_start3A_1082 = arith.constant 14 : i32
        %dma_start3A_1083 = arith.constant 0 : i32
        %dma_start3A_1084 = arith.constant 0 : i32
        %dma_start3A_1085 = arith.constant 0 : i32
        %dma_start3A_1086 = tpu.memref_slice %arg7[%dma_start3A_1083, %dma_start3A_1084, %dma_start3A_1085] : memref<2x1600x32xf32, #tpu.memory_space<vmem>> -> memref<1x1600x32xf32, #tpu.memory_space<vmem>>
        %dma_start3A_1087 = tpu.memref_squeeze %dma_start3A_1086 : memref<1x1600x32xf32, #tpu.memory_space<vmem>> -> memref<1600x32xf32, #tpu.memory_space<vmem>>
        %dma_start3A_1088 = arith.constant 1400 : i32
        %dma_start3A_1089 = arith.constant 0 : i32
        %dma_start3A_1090 = tpu.memref_slice %dma_start3A_1087[%dma_start3A_1088, %dma_start3A_1089] : memref<1600x32xf32, #tpu.memory_space<vmem>> -> memref<100x32xf32, #tpu.memory_space<vmem>>
        %dma_start3A_1091 = arith.constant 0 : i32
        %dma_start3A_1092 = arith.constant 0 : i32
        %dma_start3A_1093 = tpu.memref_slice %arg6[%dma_start3A_1081, %dma_start3A_1091, %dma_start3A_1092] : memref<2x16x100xi32, #tpu.memory_space<vmem>> -> memref<1x16x100xi32, #tpu.memory_space<vmem>>
        %dma_start3A_1094 = tpu.memref_squeeze %dma_start3A_1093 : memref<1x16x100xi32, #tpu.memory_space<vmem>> -> memref<16x100xi32, #tpu.memory_space<vmem>>
        %dma_start3A_1095 = arith.constant 0 : i32
        %dma_start3A_1096 = tpu.memref_slice %dma_start3A_1094[%dma_start3A_1082, %dma_start3A_1095] : memref<16x100xi32, #tpu.memory_space<vmem>> -> memref<1x100xi32, #tpu.memory_space<vmem>>
        %dma_start3A_1097 = tpu.memref_squeeze %dma_start3A_1096 : memref<1x100xi32, #tpu.memory_space<vmem>> -> memref<100xi32, #tpu.memory_space<vmem>>
        %dma_start3A_1098 = arith.constant 0 : i32
        %dma_start3A_1099 = arith.constant 0 : i32
        %dma_start3A_1100 = tpu.memref_slice %arg3[%dma_start3A_1098, %dma_start3A_1099] : memref<100000x32xf32, #tpu.memory_space<hbm>> -> memref<100000x32xf32, #tpu.memory_space<hbm>>
        tpu.enqueue_indirect_dma source(%dma_start3A_1100 : memref<100000x32xf32, #tpu.memory_space<hbm>>) target(%dma_start3A_1090 : memref<100x32xf32, #tpu.memory_space<vmem>>) offsets(%dma_start3A_1097 : memref<100xi32, #tpu.memory_space<vmem>>) semaphore(%arg9 : memref<!tpu.dma_semaphore, #tpu.memory_space<semaphore_mem>>)
        %dma_start3A_1101 = arith.constant 0 : i32
        %dma_start3A_1102 = arith.constant 15 : i32
        %dma_start3A_1103 = arith.constant 0 : i32
        %dma_start3A_1104 = arith.constant 0 : i32
        %dma_start3A_1105 = arith.constant 0 : i32
        %dma_start3A_1106 = tpu.memref_slice %arg7[%dma_start3A_1103, %dma_start3A_1104, %dma_start3A_1105] : memref<2x1600x32xf32, #tpu.memory_space<vmem>> -> memref<1x1600x32xf32, #tpu.memory_space<vmem>>
        %dma_start3A_1107 = tpu.memref_squeeze %dma_start3A_1106 : memref<1x1600x32xf32, #tpu.memory_space<vmem>> -> memref<1600x32xf32, #tpu.memory_space<vmem>>
        %dma_start3A_1108 = arith.constant 1500 : i32
        %dma_start3A_1109 = arith.constant 0 : i32
        %dma_start3A_1110 = tpu.memref_slice %dma_start3A_1107[%dma_start3A_1108, %dma_start3A_1109] : memref<1600x32xf32, #tpu.memory_space<vmem>> -> memref<100x32xf32, #tpu.memory_space<vmem>>
        %dma_start3A_1111 = arith.constant 0 : i32
        %dma_start3A_1112 = arith.constant 0 : i32
        %dma_start3A_1113 = tpu.memref_slice %arg6[%dma_start3A_1101, %dma_start3A_1111, %dma_start3A_1112] : memref<2x16x100xi32, #tpu.memory_space<vmem>> -> memref<1x16x100xi32, #tpu.memory_space<vmem>>
        %dma_start3A_1114 = tpu.memref_squeeze %dma_start3A_1113 : memref<1x16x100xi32, #tpu.memory_space<vmem>> -> memref<16x100xi32, #tpu.memory_space<vmem>>
        %dma_start3A_1115 = arith.constant 0 : i32
        %dma_start3A_1116 = tpu.memref_slice %dma_start3A_1114[%dma_start3A_1102, %dma_start3A_1115] : memref<16x100xi32, #tpu.memory_space<vmem>> -> memref<1x100xi32, #tpu.memory_space<vmem>>
        %dma_start3A_1117 = tpu.memref_squeeze %dma_start3A_1116 : memref<1x100xi32, #tpu.memory_space<vmem>> -> memref<100xi32, #tpu.memory_space<vmem>>
        %dma_start3A_1118 = arith.constant 0 : i32
        %dma_start3A_1119 = arith.constant 0 : i32
        %dma_start3A_1120 = tpu.memref_slice %arg3[%dma_start3A_1118, %dma_start3A_1119] : memref<100000x32xf32, #tpu.memory_space<hbm>> -> memref<100000x32xf32, #tpu.memory_space<hbm>>
        tpu.enqueue_indirect_dma source(%dma_start3A_1120 : memref<100000x32xf32, #tpu.memory_space<hbm>>) target(%dma_start3A_1110 : memref<100x32xf32, #tpu.memory_space<vmem>>) offsets(%dma_start3A_1117 : memref<100xi32, #tpu.memory_space<vmem>>) semaphore(%arg9 : memref<!tpu.dma_semaphore, #tpu.memory_space<semaphore_mem>>)
      } else {
      }
      %mul3A_730 = arith.constant 2 : i32
      %mul3A_731 = arith.muli %scan3A_683, %mul3A_730 : i32
      %add3A_732 = arith.constant 1 : i32
      %add3A_733 = arith.addi %mul3A_731, %add3A_732 : i32
      %dma_wait3A_734 = arith.constant 1 : i32
      %dma_wait3A_735 = arith.constant 0 : i32
      %dma_wait3A_736 = arith.constant 0 : i32
      %dma_wait3A_737 = tpu.memref_slice %arg7[%dma_wait3A_734, %dma_wait3A_735, %dma_wait3A_736] : memref<2x1600x32xf32, #tpu.memory_space<vmem>> -> memref<1x1600x32xf32, #tpu.memory_space<vmem>>
      %dma_wait3A_738 = tpu.memref_squeeze %dma_wait3A_737 : memref<1x1600x32xf32, #tpu.memory_space<vmem>> -> memref<1600x32xf32, #tpu.memory_space<vmem>>
      %dma_wait3A_739 = arith.constant 0 : i32
      %dma_wait3A_740 = arith.constant 0 : i32
      %dma_wait3A_741 = tpu.memref_slice %arg3[%dma_wait3A_739, %dma_wait3A_740] : memref<100000x32xf32, #tpu.memory_space<hbm>> -> memref<1600x32xf32, #tpu.memory_space<hbm>>
      %dma_wait3A_742 = arith.constant 0 : i32
      %dma_wait3A_743 = arith.constant 0 : i32
      %dma_wait3A_744 = tpu.memref_slice %arg7[%dma_wait3A_734, %dma_wait3A_742, %dma_wait3A_743] : memref<2x1600x32xf32, #tpu.memory_space<vmem>> -> memref<1x1600x32xf32, #tpu.memory_space<vmem>>
      %dma_wait3A_745 = tpu.memref_squeeze %dma_wait3A_744 : memref<1x1600x32xf32, #tpu.memory_space<vmem>> -> memref<1600x32xf32, #tpu.memory_space<vmem>>
      %dma_wait3A_746 = arith.constant 0 : i32
      %dma_wait3A_747 = arith.constant 0 : i32
      %dma_wait3A_748 = tpu.memref_slice %arg3[%dma_wait3A_746, %dma_wait3A_747] : memref<100000x32xf32, #tpu.memory_space<hbm>> -> memref<1600x32xf32, #tpu.memory_space<hbm>>
      tpu.wait_dma2 semaphore(%arg10 : memref<!tpu.dma_semaphore, #tpu.memory_space<semaphore_mem>>) src(%dma_wait3A_748 : memref<1600x32xf32, #tpu.memory_space<hbm>>) dst(%dma_wait3A_745 : memref<1600x32xf32, #tpu.memory_space<vmem>>)
      %scan3A_749 = arith.constant 0 : i32
      %scan3A_750 = arith.constant 1 : i32
      %scan3A_751 = arith.constant 0 : i32
      %scan3A_752 = arith.constant 200 : i32
      %scan3A_753 = arith.addi %scan3A_751, %scan3A_752 : i32
      %scan3A_754 = arith.constant 1 : i32
      scf.for %scan3A_779 = %scan3A_751 to %scan3A_753 step %scan3A_754  : i32 {
        %mul3A_780 = arith.constant 32 : i32
        %mul3A_781 = arith.muli %scan3A_779, %mul3A_780 : i32
        %get3A = arith.index_cast %mul3A_781 : i32 to index
        %get3A_782 = tpu.vector_load %arg8[%get3A] {strides = array<i32>} : memref<6400xf32, #tpu.memory_space<vmem>>, vector<16xf32>,
        %get3A_783 = vector.shape_cast %get3A_782 : vector<16xf32> to vector<16xf32>
        %mul3A_784 = arith.constant 32 : i32
        %mul3A_785 = arith.muli %scan3A_779, %mul3A_784 : i32
        %add3A_786 = arith.constant 16 : i32
        %add3A_787 = arith.addi %mul3A_785, %add3A_786 : i32
        %get3A_788 = arith.index_cast %add3A_787 : i32 to index
        %get3A_789 = tpu.vector_load %arg8[%get3A_788] {strides = array<i32>} : memref<6400xf32, #tpu.memory_space<vmem>>, vector<16xf32>,
        %get3A_790 = vector.shape_cast %get3A_789 : vector<16xf32> to vector<16xf32>
        %add3A_791 = arith.constant 0 : i32
        %add3A_792 = arith.addi %add3A_791, %scan3A_779 : i32
        %get3A_793 = arith.constant 0 : i32
        %get3A_794 = arith.constant 0 : i32
        %get3A_795 = tpu.memref_slice %arg7[%scan3A_750, %get3A_793, %get3A_794] : memref<2x1600x32xf32, #tpu.memory_space<vmem>> -> memref<1x1600x32xf32, #tpu.memory_space<vmem>>
        %get3A_796 = tpu.memref_squeeze %get3A_795 : memref<1x1600x32xf32, #tpu.memory_space<vmem>> -> memref<1600x32xf32, #tpu.memory_space<vmem>>
        %get3A_797 = arith.index_cast %add3A_792 : i32 to index
        %get3A_798 = arith.constant 0 : index
        %get3A_799 = tpu.vector_load %get3A_796[%get3A_797, %get3A_798] {strides = array<i32>} : memref<1600x32xf32, #tpu.memory_space<vmem>>, vector<1x16xf32>,
        %get3A_800 = vector.shape_cast %get3A_799 : vector<1x16xf32> to vector<16xf32>
        %add3A_801 = arith.addf %get3A_800, %get3A_783 : vector<16xf32>
        %swap3A = arith.constant 0 : i32
        %swap3A_802 = arith.constant 0 : i32
        %swap3A_803 = tpu.memref_slice %arg7[%scan3A_750, %swap3A, %swap3A_802] : memref<2x1600x32xf32, #tpu.memory_space<vmem>> -> memref<1x1600x32xf32, #tpu.memory_space<vmem>>
        %swap3A_804 = tpu.memref_squeeze %swap3A_803 : memref<1x1600x32xf32, #tpu.memory_space<vmem>> -> memref<1600x32xf32, #tpu.memory_space<vmem>>
        %swap3A_805 = arith.index_cast %add3A_792 : i32 to index
        %swap3A_806 = arith.constant 0 : index
        %swap3A_807 = tpu.vector_load %swap3A_804[%swap3A_805, %swap3A_806] {strides = array<i32>} : memref<1600x32xf32, #tpu.memory_space<vmem>>, vector<1x16xf32>,
        %swap3A_808 = vector.shape_cast %swap3A_807 : vector<1x16xf32> to vector<16xf32>
        %swap3A_809 = vector.shape_cast %add3A_801 : vector<16xf32> to vector<1x16xf32>
        tpu.vector_store %swap3A_804[%swap3A_805, %swap3A_806], %swap3A_809 {strides = array<i32>} : memref<1600x32xf32, #tpu.memory_space<vmem>>, vector<1x16xf32>,
        %get3A_810 = arith.constant 0 : i32
        %get3A_811 = arith.constant 0 : i32
        %get3A_812 = tpu.memref_slice %arg7[%scan3A_750, %get3A_810, %get3A_811] : memref<2x1600x32xf32, #tpu.memory_space<vmem>> -> memref<1x1600x32xf32, #tpu.memory_space<vmem>>
        %get3A_813 = tpu.memref_squeeze %get3A_812 : memref<1x1600x32xf32, #tpu.memory_space<vmem>> -> memref<1600x32xf32, #tpu.memory_space<vmem>>
        %get3A_814 = arith.index_cast %add3A_792 : i32 to index
        %get3A_815 = arith.constant 16 : index
        %get3A_816 = tpu.vector_load %get3A_813[%get3A_814, %get3A_815] {strides = array<i32>} : memref<1600x32xf32, #tpu.memory_space<vmem>>, vector<1x16xf32>,
        %get3A_817 = vector.shape_cast %get3A_816 : vector<1x16xf32> to vector<16xf32>
        %add3A_818 = arith.addf %get3A_817, %get3A_790 : vector<16xf32>
        %swap3A_819 = arith.constant 0 : i32
        %swap3A_820 = arith.constant 0 : i32
        %swap3A_821 = tpu.memref_slice %arg7[%scan3A_750, %swap3A_819, %swap3A_820] : memref<2x1600x32xf32, #tpu.memory_space<vmem>> -> memref<1x1600x32xf32, #tpu.memory_space<vmem>>
        %swap3A_822 = tpu.memref_squeeze %swap3A_821 : memref<1x1600x32xf32, #tpu.memory_space<vmem>> -> memref<1600x32xf32, #tpu.memory_space<vmem>>
        %swap3A_823 = arith.index_cast %add3A_792 : i32 to index
        %swap3A_824 = arith.constant 16 : index
        %swap3A_825 = tpu.vector_load %swap3A_822[%swap3A_823, %swap3A_824] {strides = array<i32>} : memref<1600x32xf32, #tpu.memory_space<vmem>>, vector<1x16xf32>,
        %swap3A_826 = vector.shape_cast %swap3A_825 : vector<1x16xf32> to vector<16xf32>
        %swap3A_827 = vector.shape_cast %add3A_818 : vector<16xf32> to vector<1x16xf32>
        tpu.vector_store %swap3A_822[%swap3A_823, %swap3A_824], %swap3A_827 {strides = array<i32>} : memref<1600x32xf32, #tpu.memory_space<vmem>>, vector<1x16xf32>,
        %add3A_828 = arith.constant 200 : i32
        %add3A_829 = arith.addi %add3A_828, %scan3A_779 : i32
        %get3A_830 = arith.constant 0 : i32
        %get3A_831 = arith.constant 0 : i32
        %get3A_832 = tpu.memref_slice %arg7[%scan3A_750, %get3A_830, %get3A_831] : memref<2x1600x32xf32, #tpu.memory_space<vmem>> -> memref<1x1600x32xf32, #tpu.memory_space<vmem>>
        %get3A_833 = tpu.memref_squeeze %get3A_832 : memref<1x1600x32xf32, #tpu.memory_space<vmem>> -> memref<1600x32xf32, #tpu.memory_space<vmem>>
        %get3A_834 = arith.index_cast %add3A_829 : i32 to index
        %get3A_835 = arith.constant 0 : index
        %get3A_836 = tpu.vector_load %get3A_833[%get3A_834, %get3A_835] {strides = array<i32>} : memref<1600x32xf32, #tpu.memory_space<vmem>>, vector<1x16xf32>,
        %get3A_837 = vector.shape_cast %get3A_836 : vector<1x16xf32> to vector<16xf32>
        %add3A_838 = arith.addf %get3A_837, %get3A_783 : vector<16xf32>
        %swap3A_839 = arith.constant 0 : i32
        %swap3A_840 = arith.constant 0 : i32
        %swap3A_841 = tpu.memref_slice %arg7[%scan3A_750, %swap3A_839, %swap3A_840] : memref<2x1600x32xf32, #tpu.memory_space<vmem>> -> memref<1x1600x32xf32, #tpu.memory_space<vmem>>
        %swap3A_842 = tpu.memref_squeeze %swap3A_841 : memref<1x1600x32xf32, #tpu.memory_space<vmem>> -> memref<1600x32xf32, #tpu.memory_space<vmem>>
        %swap3A_843 = arith.index_cast %add3A_829 : i32 to index
        %swap3A_844 = arith.constant 0 : index
        %swap3A_845 = tpu.vector_load %swap3A_842[%swap3A_843, %swap3A_844] {strides = array<i32>} : memref<1600x32xf32, #tpu.memory_space<vmem>>, vector<1x16xf32>,
        %swap3A_846 = vector.shape_cast %swap3A_845 : vector<1x16xf32> to vector<16xf32>
        %swap3A_847 = vector.shape_cast %add3A_838 : vector<16xf32> to vector<1x16xf32>
        tpu.vector_store %swap3A_842[%swap3A_843, %swap3A_844], %swap3A_847 {strides = array<i32>} : memref<1600x32xf32, #tpu.memory_space<vmem>>, vector<1x16xf32>,
        %get3A_848 = arith.constant 0 : i32
        %get3A_849 = arith.constant 0 : i32
        %get3A_850 = tpu.memref_slice %arg7[%scan3A_750, %get3A_848, %get3A_849] : memref<2x1600x32xf32, #tpu.memory_space<vmem>> -> memref<1x1600x32xf32, #tpu.memory_space<vmem>>
        %get3A_851 = tpu.memref_squeeze %get3A_850 : memref<1x1600x32xf32, #tpu.memory_space<vmem>> -> memref<1600x32xf32, #tpu.memory_space<vmem>>
        %get3A_852 = arith.index_cast %add3A_829 : i32 to index
        %get3A_853 = arith.constant 16 : index
        %get3A_854 = tpu.vector_load %get3A_851[%get3A_852, %get3A_853] {strides = array<i32>} : memref<1600x32xf32, #tpu.memory_space<vmem>>, vector<1x16xf32>,
        %get3A_855 = vector.shape_cast %get3A_854 : vector<1x16xf32> to vector<16xf32>
        %add3A_856 = arith.addf %get3A_855, %get3A_790 : vector<16xf32>
        %swap3A_857 = arith.constant 0 : i32
        %swap3A_858 = arith.constant 0 : i32
        %swap3A_859 = tpu.memref_slice %arg7[%scan3A_750, %swap3A_857, %swap3A_858] : memref<2x1600x32xf32, #tpu.memory_space<vmem>> -> memref<1x1600x32xf32, #tpu.memory_space<vmem>>
        %swap3A_860 = tpu.memref_squeeze %swap3A_859 : memref<1x1600x32xf32, #tpu.memory_space<vmem>> -> memref<1600x32xf32, #tpu.memory_space<vmem>>
        %swap3A_861 = arith.index_cast %add3A_829 : i32 to index
        %swap3A_862 = arith.constant 16 : index
        %swap3A_863 = tpu.vector_load %swap3A_860[%swap3A_861, %swap3A_862] {strides = array<i32>} : memref<1600x32xf32, #tpu.memory_space<vmem>>, vector<1x16xf32>,
        %swap3A_864 = vector.shape_cast %swap3A_863 : vector<1x16xf32> to vector<16xf32>
        %swap3A_865 = vector.shape_cast %add3A_856 : vector<16xf32> to vector<1x16xf32>
        tpu.vector_store %swap3A_860[%swap3A_861, %swap3A_862], %swap3A_865 {strides = array<i32>} : memref<1600x32xf32, #tpu.memory_space<vmem>>, vector<1x16xf32>,
        %add3A_866 = arith.constant 400 : i32
        %add3A_867 = arith.addi %add3A_866, %scan3A_779 : i32
        %get3A_868 = arith.constant 0 : i32
        %get3A_869 = arith.constant 0 : i32
        %get3A_870 = tpu.memref_slice %arg7[%scan3A_750, %get3A_868, %get3A_869] : memref<2x1600x32xf32, #tpu.memory_space<vmem>> -> memref<1x1600x32xf32, #tpu.memory_space<vmem>>
        %get3A_871 = tpu.memref_squeeze %get3A_870 : memref<1x1600x32xf32, #tpu.memory_space<vmem>> -> memref<1600x32xf32, #tpu.memory_space<vmem>>
        %get3A_872 = arith.index_cast %add3A_867 : i32 to index
        %get3A_873 = arith.constant 0 : index
        %get3A_874 = tpu.vector_load %get3A_871[%get3A_872, %get3A_873] {strides = array<i32>} : memref<1600x32xf32, #tpu.memory_space<vmem>>, vector<1x16xf32>,
        %get3A_875 = vector.shape_cast %get3A_874 : vector<1x16xf32> to vector<16xf32>
        %add3A_876 = arith.addf %get3A_875, %get3A_783 : vector<16xf32>
        %swap3A_877 = arith.constant 0 : i32
        %swap3A_878 = arith.constant 0 : i32
        %swap3A_879 = tpu.memref_slice %arg7[%scan3A_750, %swap3A_877, %swap3A_878] : memref<2x1600x32xf32, #tpu.memory_space<vmem>> -> memref<1x1600x32xf32, #tpu.memory_space<vmem>>
        %swap3A_880 = tpu.memref_squeeze %swap3A_879 : memref<1x1600x32xf32, #tpu.memory_space<vmem>> -> memref<1600x32xf32, #tpu.memory_space<vmem>>
        %swap3A_881 = arith.index_cast %add3A_867 : i32 to index
        %swap3A_882 = arith.constant 0 : index
        %swap3A_883 = tpu.vector_load %swap3A_880[%swap3A_881, %swap3A_882] {strides = array<i32>} : memref<1600x32xf32, #tpu.memory_space<vmem>>, vector<1x16xf32>,
        %swap3A_884 = vector.shape_cast %swap3A_883 : vector<1x16xf32> to vector<16xf32>
        %swap3A_885 = vector.shape_cast %add3A_876 : vector<16xf32> to vector<1x16xf32>
        tpu.vector_store %swap3A_880[%swap3A_881, %swap3A_882], %swap3A_885 {strides = array<i32>} : memref<1600x32xf32, #tpu.memory_space<vmem>>, vector<1x16xf32>,
        %get3A_886 = arith.constant 0 : i32
        %get3A_887 = arith.constant 0 : i32
        %get3A_888 = tpu.memref_slice %arg7[%scan3A_750, %get3A_886, %get3A_887] : memref<2x1600x32xf32, #tpu.memory_space<vmem>> -> memref<1x1600x32xf32, #tpu.memory_space<vmem>>
        %get3A_889 = tpu.memref_squeeze %get3A_888 : memref<1x1600x32xf32, #tpu.memory_space<vmem>> -> memref<1600x32xf32, #tpu.memory_space<vmem>>
        %get3A_890 = arith.index_cast %add3A_867 : i32 to index
        %get3A_891 = arith.constant 16 : index
        %get3A_892 = tpu.vector_load %get3A_889[%get3A_890, %get3A_891] {strides = array<i32>} : memref<1600x32xf32, #tpu.memory_space<vmem>>, vector<1x16xf32>,
        %get3A_893 = vector.shape_cast %get3A_892 : vector<1x16xf32> to vector<16xf32>
        %add3A_894 = arith.addf %get3A_893, %get3A_790 : vector<16xf32>
        %swap3A_895 = arith.constant 0 : i32
        %swap3A_896 = arith.constant 0 : i32
        %swap3A_897 = tpu.memref_slice %arg7[%scan3A_750, %swap3A_895, %swap3A_896] : memref<2x1600x32xf32, #tpu.memory_space<vmem>> -> memref<1x1600x32xf32, #tpu.memory_space<vmem>>
        %swap3A_898 = tpu.memref_squeeze %swap3A_897 : memref<1x1600x32xf32, #tpu.memory_space<vmem>> -> memref<1600x32xf32, #tpu.memory_space<vmem>>
        %swap3A_899 = arith.index_cast %add3A_867 : i32 to index
        %swap3A_900 = arith.constant 16 : index
        %swap3A_901 = tpu.vector_load %swap3A_898[%swap3A_899, %swap3A_900] {strides = array<i32>} : memref<1600x32xf32, #tpu.memory_space<vmem>>, vector<1x16xf32>,
        %swap3A_902 = vector.shape_cast %swap3A_901 : vector<1x16xf32> to vector<16xf32>
        %swap3A_903 = vector.shape_cast %add3A_894 : vector<16xf32> to vector<1x16xf32>
        tpu.vector_store %swap3A_898[%swap3A_899, %swap3A_900], %swap3A_903 {strides = array<i32>} : memref<1600x32xf32, #tpu.memory_space<vmem>>, vector<1x16xf32>,
        %add3A_904 = arith.constant 600 : i32
        %add3A_905 = arith.addi %add3A_904, %scan3A_779 : i32
        %get3A_906 = arith.constant 0 : i32
        %get3A_907 = arith.constant 0 : i32
        %get3A_908 = tpu.memref_slice %arg7[%scan3A_750, %get3A_906, %get3A_907] : memref<2x1600x32xf32, #tpu.memory_space<vmem>> -> memref<1x1600x32xf32, #tpu.memory_space<vmem>>
        %get3A_909 = tpu.memref_squeeze %get3A_908 : memref<1x1600x32xf32, #tpu.memory_space<vmem>> -> memref<1600x32xf32, #tpu.memory_space<vmem>>
        %get3A_910 = arith.index_cast %add3A_905 : i32 to index
        %get3A_911 = arith.constant 0 : index
        %get3A_912 = tpu.vector_load %get3A_909[%get3A_910, %get3A_911] {strides = array<i32>} : memref<1600x32xf32, #tpu.memory_space<vmem>>, vector<1x16xf32>,
        %get3A_913 = vector.shape_cast %get3A_912 : vector<1x16xf32> to vector<16xf32>
        %add3A_914 = arith.addf %get3A_913, %get3A_783 : vector<16xf32>
        %swap3A_915 = arith.constant 0 : i32
        %swap3A_916 = arith.constant 0 : i32
        %swap3A_917 = tpu.memref_slice %arg7[%scan3A_750, %swap3A_915, %swap3A_916] : memref<2x1600x32xf32, #tpu.memory_space<vmem>> -> memref<1x1600x32xf32, #tpu.memory_space<vmem>>
        %swap3A_918 = tpu.memref_squeeze %swap3A_917 : memref<1x1600x32xf32, #tpu.memory_space<vmem>> -> memref<1600x32xf32, #tpu.memory_space<vmem>>
        %swap3A_919 = arith.index_cast %add3A_905 : i32 to index
        %swap3A_920 = arith.constant 0 : index
        %swap3A_921 = tpu.vector_load %swap3A_918[%swap3A_919, %swap3A_920] {strides = array<i32>} : memref<1600x32xf32, #tpu.memory_space<vmem>>, vector<1x16xf32>,
        %swap3A_922 = vector.shape_cast %swap3A_921 : vector<1x16xf32> to vector<16xf32>
        %swap3A_923 = vector.shape_cast %add3A_914 : vector<16xf32> to vector<1x16xf32>
        tpu.vector_store %swap3A_918[%swap3A_919, %swap3A_920], %swap3A_923 {strides = array<i32>} : memref<1600x32xf32, #tpu.memory_space<vmem>>, vector<1x16xf32>,
        %get3A_924 = arith.constant 0 : i32
        %get3A_925 = arith.constant 0 : i32
        %get3A_926 = tpu.memref_slice %arg7[%scan3A_750, %get3A_924, %get3A_925] : memref<2x1600x32xf32, #tpu.memory_space<vmem>> -> memref<1x1600x32xf32, #tpu.memory_space<vmem>>
        %get3A_927 = tpu.memref_squeeze %get3A_926 : memref<1x1600x32xf32, #tpu.memory_space<vmem>> -> memref<1600x32xf32, #tpu.memory_space<vmem>>
        %get3A_928 = arith.index_cast %add3A_905 : i32 to index
        %get3A_929 = arith.constant 16 : index
        %get3A_930 = tpu.vector_load %get3A_927[%get3A_928, %get3A_929] {strides = array<i32>} : memref<1600x32xf32, #tpu.memory_space<vmem>>, vector<1x16xf32>,
        %get3A_931 = vector.shape_cast %get3A_930 : vector<1x16xf32> to vector<16xf32>
        %add3A_932 = arith.addf %get3A_931, %get3A_790 : vector<16xf32>
        %swap3A_933 = arith.constant 0 : i32
        %swap3A_934 = arith.constant 0 : i32
        %swap3A_935 = tpu.memref_slice %arg7[%scan3A_750, %swap3A_933, %swap3A_934] : memref<2x1600x32xf32, #tpu.memory_space<vmem>> -> memref<1x1600x32xf32, #tpu.memory_space<vmem>>
        %swap3A_936 = tpu.memref_squeeze %swap3A_935 : memref<1x1600x32xf32, #tpu.memory_space<vmem>> -> memref<1600x32xf32, #tpu.memory_space<vmem>>
        %swap3A_937 = arith.index_cast %add3A_905 : i32 to index
        %swap3A_938 = arith.constant 16 : index
        %swap3A_939 = tpu.vector_load %swap3A_936[%swap3A_937, %swap3A_938] {strides = array<i32>} : memref<1600x32xf32, #tpu.memory_space<vmem>>, vector<1x16xf32>,
        %swap3A_940 = vector.shape_cast %swap3A_939 : vector<1x16xf32> to vector<16xf32>
        %swap3A_941 = vector.shape_cast %add3A_932 : vector<16xf32> to vector<1x16xf32>
        tpu.vector_store %swap3A_936[%swap3A_937, %swap3A_938], %swap3A_941 {strides = array<i32>} : memref<1600x32xf32, #tpu.memory_space<vmem>>, vector<1x16xf32>,
        %add3A_942 = arith.constant 800 : i32
        %add3A_943 = arith.addi %add3A_942, %scan3A_779 : i32
        %get3A_944 = arith.constant 0 : i32
        %get3A_945 = arith.constant 0 : i32
        %get3A_946 = tpu.memref_slice %arg7[%scan3A_750, %get3A_944, %get3A_945] : memref<2x1600x32xf32, #tpu.memory_space<vmem>> -> memref<1x1600x32xf32, #tpu.memory_space<vmem>>
        %get3A_947 = tpu.memref_squeeze %get3A_946 : memref<1x1600x32xf32, #tpu.memory_space<vmem>> -> memref<1600x32xf32, #tpu.memory_space<vmem>>
        %get3A_948 = arith.index_cast %add3A_943 : i32 to index
        %get3A_949 = arith.constant 0 : index
        %get3A_950 = tpu.vector_load %get3A_947[%get3A_948, %get3A_949] {strides = array<i32>} : memref<1600x32xf32, #tpu.memory_space<vmem>>, vector<1x16xf32>,
        %get3A_951 = vector.shape_cast %get3A_950 : vector<1x16xf32> to vector<16xf32>
        %add3A_952 = arith.addf %get3A_951, %get3A_783 : vector<16xf32>
        %swap3A_953 = arith.constant 0 : i32
        %swap3A_954 = arith.constant 0 : i32
        %swap3A_955 = tpu.memref_slice %arg7[%scan3A_750, %swap3A_953, %swap3A_954] : memref<2x1600x32xf32, #tpu.memory_space<vmem>> -> memref<1x1600x32xf32, #tpu.memory_space<vmem>>
        %swap3A_956 = tpu.memref_squeeze %swap3A_955 : memref<1x1600x32xf32, #tpu.memory_space<vmem>> -> memref<1600x32xf32, #tpu.memory_space<vmem>>
        %swap3A_957 = arith.index_cast %add3A_943 : i32 to index
        %swap3A_958 = arith.constant 0 : index
        %swap3A_959 = tpu.vector_load %swap3A_956[%swap3A_957, %swap3A_958] {strides = array<i32>} : memref<1600x32xf32, #tpu.memory_space<vmem>>, vector<1x16xf32>,
        %swap3A_960 = vector.shape_cast %swap3A_959 : vector<1x16xf32> to vector<16xf32>
        %swap3A_961 = vector.shape_cast %add3A_952 : vector<16xf32> to vector<1x16xf32>
        tpu.vector_store %swap3A_956[%swap3A_957, %swap3A_958], %swap3A_961 {strides = array<i32>} : memref<1600x32xf32, #tpu.memory_space<vmem>>, vector<1x16xf32>,
        %get3A_962 = arith.constant 0 : i32
        %get3A_963 = arith.constant 0 : i32
        %get3A_964 = tpu.memref_slice %arg7[%scan3A_750, %get3A_962, %get3A_963] : memref<2x1600x32xf32, #tpu.memory_space<vmem>> -> memref<1x1600x32xf32, #tpu.memory_space<vmem>>
        %get3A_965 = tpu.memref_squeeze %get3A_964 : memref<1x1600x32xf32, #tpu.memory_space<vmem>> -> memref<1600x32xf32, #tpu.memory_space<vmem>>
        %get3A_966 = arith.index_cast %add3A_943 : i32 to index
        %get3A_967 = arith.constant 16 : index
        %get3A_968 = tpu.vector_load %get3A_965[%get3A_966, %get3A_967] {strides = array<i32>} : memref<1600x32xf32, #tpu.memory_space<vmem>>, vector<1x16xf32>,
        %get3A_969 = vector.shape_cast %get3A_968 : vector<1x16xf32> to vector<16xf32>
        %add3A_970 = arith.addf %get3A_969, %get3A_790 : vector<16xf32>
        %swap3A_971 = arith.constant 0 : i32
        %swap3A_972 = arith.constant 0 : i32
        %swap3A_973 = tpu.memref_slice %arg7[%scan3A_750, %swap3A_971, %swap3A_972] : memref<2x1600x32xf32, #tpu.memory_space<vmem>> -> memref<1x1600x32xf32, #tpu.memory_space<vmem>>
        %swap3A_974 = tpu.memref_squeeze %swap3A_973 : memref<1x1600x32xf32, #tpu.memory_space<vmem>> -> memref<1600x32xf32, #tpu.memory_space<vmem>>
        %swap3A_975 = arith.index_cast %add3A_943 : i32 to index
        %swap3A_976 = arith.constant 16 : index
        %swap3A_977 = tpu.vector_load %swap3A_974[%swap3A_975, %swap3A_976] {strides = array<i32>} : memref<1600x32xf32, #tpu.memory_space<vmem>>, vector<1x16xf32>,
        %swap3A_978 = vector.shape_cast %swap3A_977 : vector<1x16xf32> to vector<16xf32>
        %swap3A_979 = vector.shape_cast %add3A_970 : vector<16xf32> to vector<1x16xf32>
        tpu.vector_store %swap3A_974[%swap3A_975, %swap3A_976], %swap3A_979 {strides = array<i32>} : memref<1600x32xf32, #tpu.memory_space<vmem>>, vector<1x16xf32>,
        %add3A_980 = arith.constant 1000 : i32
        %add3A_981 = arith.addi %add3A_980, %scan3A_779 : i32
        %get3A_982 = arith.constant 0 : i32
        %get3A_983 = arith.constant 0 : i32
        %get3A_984 = tpu.memref_slice %arg7[%scan3A_750, %get3A_982, %get3A_983] : memref<2x1600x32xf32, #tpu.memory_space<vmem>> -> memref<1x1600x32xf32, #tpu.memory_space<vmem>>
        %get3A_985 = tpu.memref_squeeze %get3A_984 : memref<1x1600x32xf32, #tpu.memory_space<vmem>> -> memref<1600x32xf32, #tpu.memory_space<vmem>>
        %get3A_986 = arith.index_cast %add3A_981 : i32 to index
        %get3A_987 = arith.constant 0 : index
        %get3A_988 = tpu.vector_load %get3A_985[%get3A_986, %get3A_987] {strides = array<i32>} : memref<1600x32xf32, #tpu.memory_space<vmem>>, vector<1x16xf32>,
        %get3A_989 = vector.shape_cast %get3A_988 : vector<1x16xf32> to vector<16xf32>
        %add3A_990 = arith.addf %get3A_989, %get3A_783 : vector<16xf32>
        %swap3A_991 = arith.constant 0 : i32
        %swap3A_992 = arith.constant 0 : i32
        %swap3A_993 = tpu.memref_slice %arg7[%scan3A_750, %swap3A_991, %swap3A_992] : memref<2x1600x32xf32, #tpu.memory_space<vmem>> -> memref<1x1600x32xf32, #tpu.memory_space<vmem>>
        %swap3A_994 = tpu.memref_squeeze %swap3A_993 : memref<1x1600x32xf32, #tpu.memory_space<vmem>> -> memref<1600x32xf32, #tpu.memory_space<vmem>>
        %swap3A_995 = arith.index_cast %add3A_981 : i32 to index
        %swap3A_996 = arith.constant 0 : index
        %swap3A_997 = tpu.vector_load %swap3A_994[%swap3A_995, %swap3A_996] {strides = array<i32>} : memref<1600x32xf32, #tpu.memory_space<vmem>>, vector<1x16xf32>,
        %swap3A_998 = vector.shape_cast %swap3A_997 : vector<1x16xf32> to vector<16xf32>
        %swap3A_999 = vector.shape_cast %add3A_990 : vector<16xf32> to vector<1x16xf32>
        tpu.vector_store %swap3A_994[%swap3A_995, %swap3A_996], %swap3A_999 {strides = array<i32>} : memref<1600x32xf32, #tpu.memory_space<vmem>>, vector<1x16xf32>,
        %get3A_1000 = arith.constant 0 : i32
        %get3A_1001 = arith.constant 0 : i32
        %get3A_1002 = tpu.memref_slice %arg7[%scan3A_750, %get3A_1000, %get3A_1001] : memref<2x1600x32xf32, #tpu.memory_space<vmem>> -> memref<1x1600x32xf32, #tpu.memory_space<vmem>>
        %get3A_1003 = tpu.memref_squeeze %get3A_1002 : memref<1x1600x32xf32, #tpu.memory_space<vmem>> -> memref<1600x32xf32, #tpu.memory_space<vmem>>
        %get3A_1004 = arith.index_cast %add3A_981 : i32 to index
        %get3A_1005 = arith.constant 16 : index
        %get3A_1006 = tpu.vector_load %get3A_1003[%get3A_1004, %get3A_1005] {strides = array<i32>} : memref<1600x32xf32, #tpu.memory_space<vmem>>, vector<1x16xf32>,
        %get3A_1007 = vector.shape_cast %get3A_1006 : vector<1x16xf32> to vector<16xf32>
        %add3A_1008 = arith.addf %get3A_1007, %get3A_790 : vector<16xf32>
        %swap3A_1009 = arith.constant 0 : i32
        %swap3A_1010 = arith.constant 0 : i32
        %swap3A_1011 = tpu.memref_slice %arg7[%scan3A_750, %swap3A_1009, %swap3A_1010] : memref<2x1600x32xf32, #tpu.memory_space<vmem>> -> memref<1x1600x32xf32, #tpu.memory_space<vmem>>
        %swap3A_1012 = tpu.memref_squeeze %swap3A_1011 : memref<1x1600x32xf32, #tpu.memory_space<vmem>> -> memref<1600x32xf32, #tpu.memory_space<vmem>>
        %swap3A_1013 = arith.index_cast %add3A_981 : i32 to index
        %swap3A_1014 = arith.constant 16 : index
        %swap3A_1015 = tpu.vector_load %swap3A_1012[%swap3A_1013, %swap3A_1014] {strides = array<i32>} : memref<1600x32xf32, #tpu.memory_space<vmem>>, vector<1x16xf32>,
        %swap3A_1016 = vector.shape_cast %swap3A_1015 : vector<1x16xf32> to vector<16xf32>
        %swap3A_1017 = vector.shape_cast %add3A_1008 : vector<16xf32> to vector<1x16xf32>
        tpu.vector_store %swap3A_1012[%swap3A_1013, %swap3A_1014], %swap3A_1017 {strides = array<i32>} : memref<1600x32xf32, #tpu.memory_space<vmem>>, vector<1x16xf32>,
        %add3A_1018 = arith.constant 1200 : i32
        %add3A_1019 = arith.addi %add3A_1018, %scan3A_779 : i32
        %get3A_1020 = arith.constant 0 : i32
        %get3A_1021 = arith.constant 0 : i32
        %get3A_1022 = tpu.memref_slice %arg7[%scan3A_750, %get3A_1020, %get3A_1021] : memref<2x1600x32xf32, #tpu.memory_space<vmem>> -> memref<1x1600x32xf32, #tpu.memory_space<vmem>>
        %get3A_1023 = tpu.memref_squeeze %get3A_1022 : memref<1x1600x32xf32, #tpu.memory_space<vmem>> -> memref<1600x32xf32, #tpu.memory_space<vmem>>
        %get3A_1024 = arith.index_cast %add3A_1019 : i32 to index
        %get3A_1025 = arith.constant 0 : index
        %get3A_1026 = tpu.vector_load %get3A_1023[%get3A_1024, %get3A_1025] {strides = array<i32>} : memref<1600x32xf32, #tpu.memory_space<vmem>>, vector<1x16xf32>,
        %get3A_1027 = vector.shape_cast %get3A_1026 : vector<1x16xf32> to vector<16xf32>
        %add3A_1028 = arith.addf %get3A_1027, %get3A_783 : vector<16xf32>
        %swap3A_1029 = arith.constant 0 : i32
        %swap3A_1030 = arith.constant 0 : i32
        %swap3A_1031 = tpu.memref_slice %arg7[%scan3A_750, %swap3A_1029, %swap3A_1030] : memref<2x1600x32xf32, #tpu.memory_space<vmem>> -> memref<1x1600x32xf32, #tpu.memory_space<vmem>>
        %swap3A_1032 = tpu.memref_squeeze %swap3A_1031 : memref<1x1600x32xf32, #tpu.memory_space<vmem>> -> memref<1600x32xf32, #tpu.memory_space<vmem>>
        %swap3A_1033 = arith.index_cast %add3A_1019 : i32 to index
        %swap3A_1034 = arith.constant 0 : index
        %swap3A_1035 = tpu.vector_load %swap3A_1032[%swap3A_1033, %swap3A_1034] {strides = array<i32>} : memref<1600x32xf32, #tpu.memory_space<vmem>>, vector<1x16xf32>,
        %swap3A_1036 = vector.shape_cast %swap3A_1035 : vector<1x16xf32> to vector<16xf32>
        %swap3A_1037 = vector.shape_cast %add3A_1028 : vector<16xf32> to vector<1x16xf32>
        tpu.vector_store %swap3A_1032[%swap3A_1033, %swap3A_1034], %swap3A_1037 {strides = array<i32>} : memref<1600x32xf32, #tpu.memory_space<vmem>>, vector<1x16xf32>,
        %get3A_1038 = arith.constant 0 : i32
        %get3A_1039 = arith.constant 0 : i32
        %get3A_1040 = tpu.memref_slice %arg7[%scan3A_750, %get3A_1038, %get3A_1039] : memref<2x1600x32xf32, #tpu.memory_space<vmem>> -> memref<1x1600x32xf32, #tpu.memory_space<vmem>>
        %get3A_1041 = tpu.memref_squeeze %get3A_1040 : memref<1x1600x32xf32, #tpu.memory_space<vmem>> -> memref<1600x32xf32, #tpu.memory_space<vmem>>
        %get3A_1042 = arith.index_cast %add3A_1019 : i32 to index
        %get3A_1043 = arith.constant 16 : index
        %get3A_1044 = tpu.vector_load %get3A_1041[%get3A_1042, %get3A_1043] {strides = array<i32>} : memref<1600x32xf32, #tpu.memory_space<vmem>>, vector<1x16xf32>,
        %get3A_1045 = vector.shape_cast %get3A_1044 : vector<1x16xf32> to vector<16xf32>
        %add3A_1046 = arith.addf %get3A_1045, %get3A_790 : vector<16xf32>
        %swap3A_1047 = arith.constant 0 : i32
        %swap3A_1048 = arith.constant 0 : i32
        %swap3A_1049 = tpu.memref_slice %arg7[%scan3A_750, %swap3A_1047, %swap3A_1048] : memref<2x1600x32xf32, #tpu.memory_space<vmem>> -> memref<1x1600x32xf32, #tpu.memory_space<vmem>>
        %swap3A_1050 = tpu.memref_squeeze %swap3A_1049 : memref<1x1600x32xf32, #tpu.memory_space<vmem>> -> memref<1600x32xf32, #tpu.memory_space<vmem>>
        %swap3A_1051 = arith.index_cast %add3A_1019 : i32 to index
        %swap3A_1052 = arith.constant 16 : index
        %swap3A_1053 = tpu.vector_load %swap3A_1050[%swap3A_1051, %swap3A_1052] {strides = array<i32>} : memref<1600x32xf32, #tpu.memory_space<vmem>>, vector<1x16xf32>,
        %swap3A_1054 = vector.shape_cast %swap3A_1053 : vector<1x16xf32> to vector<16xf32>
        %swap3A_1055 = vector.shape_cast %add3A_1046 : vector<16xf32> to vector<1x16xf32>
        tpu.vector_store %swap3A_1050[%swap3A_1051, %swap3A_1052], %swap3A_1055 {strides = array<i32>} : memref<1600x32xf32, #tpu.memory_space<vmem>>, vector<1x16xf32>,
        %add3A_1056 = arith.constant 1400 : i32
        %add3A_1057 = arith.addi %add3A_1056, %scan3A_779 : i32
        %get3A_1058 = arith.constant 0 : i32
        %get3A_1059 = arith.constant 0 : i32
        %get3A_1060 = tpu.memref_slice %arg7[%scan3A_750, %get3A_1058, %get3A_1059] : memref<2x1600x32xf32, #tpu.memory_space<vmem>> -> memref<1x1600x32xf32, #tpu.memory_space<vmem>>
        %get3A_1061 = tpu.memref_squeeze %get3A_1060 : memref<1x1600x32xf32, #tpu.memory_space<vmem>> -> memref<1600x32xf32, #tpu.memory_space<vmem>>
        %get3A_1062 = arith.index_cast %add3A_1057 : i32 to index
        %get3A_1063 = arith.constant 0 : index
        %get3A_1064 = tpu.vector_load %get3A_1061[%get3A_1062, %get3A_1063] {strides = array<i32>} : memref<1600x32xf32, #tpu.memory_space<vmem>>, vector<1x16xf32>,
        %get3A_1065 = vector.shape_cast %get3A_1064 : vector<1x16xf32> to vector<16xf32>
        %add3A_1066 = arith.addf %get3A_1065, %get3A_783 : vector<16xf32>
        %swap3A_1067 = arith.constant 0 : i32
        %swap3A_1068 = arith.constant 0 : i32
        %swap3A_1069 = tpu.memref_slice %arg7[%scan3A_750, %swap3A_1067, %swap3A_1068] : memref<2x1600x32xf32, #tpu.memory_space<vmem>> -> memref<1x1600x32xf32, #tpu.memory_space<vmem>>
        %swap3A_1070 = tpu.memref_squeeze %swap3A_1069 : memref<1x1600x32xf32, #tpu.memory_space<vmem>> -> memref<1600x32xf32, #tpu.memory_space<vmem>>
        %swap3A_1071 = arith.index_cast %add3A_1057 : i32 to index
        %swap3A_1072 = arith.constant 0 : index
        %swap3A_1073 = tpu.vector_load %swap3A_1070[%swap3A_1071, %swap3A_1072] {strides = array<i32>} : memref<1600x32xf32, #tpu.memory_space<vmem>>, vector<1x16xf32>,
        %swap3A_1074 = vector.shape_cast %swap3A_1073 : vector<1x16xf32> to vector<16xf32>
        %swap3A_1075 = vector.shape_cast %add3A_1066 : vector<16xf32> to vector<1x16xf32>
        tpu.vector_store %swap3A_1070[%swap3A_1071, %swap3A_1072], %swap3A_1075 {strides = array<i32>} : memref<1600x32xf32, #tpu.memory_space<vmem>>, vector<1x16xf32>,
        %get3A_1076 = arith.constant 0 : i32
        %get3A_1077 = arith.constant 0 : i32
        %get3A_1078 = tpu.memref_slice %arg7[%scan3A_750, %get3A_1076, %get3A_1077] : memref<2x1600x32xf32, #tpu.memory_space<vmem>> -> memref<1x1600x32xf32, #tpu.memory_space<vmem>>
        %get3A_1079 = tpu.memref_squeeze %get3A_1078 : memref<1x1600x32xf32, #tpu.memory_space<vmem>> -> memref<1600x32xf32, #tpu.memory_space<vmem>>
        %get3A_1080 = arith.index_cast %add3A_1057 : i32 to index
        %get3A_1081 = arith.constant 16 : index
        %get3A_1082 = tpu.vector_load %get3A_1079[%get3A_1080, %get3A_1081] {strides = array<i32>} : memref<1600x32xf32, #tpu.memory_space<vmem>>, vector<1x16xf32>,
        %get3A_1083 = vector.shape_cast %get3A_1082 : vector<1x16xf32> to vector<16xf32>
        %add3A_1084 = arith.addf %get3A_1083, %get3A_790 : vector<16xf32>
        %swap3A_1085 = arith.constant 0 : i32
        %swap3A_1086 = arith.constant 0 : i32
        %swap3A_1087 = tpu.memref_slice %arg7[%scan3A_750, %swap3A_1085, %swap3A_1086] : memref<2x1600x32xf32, #tpu.memory_space<vmem>> -> memref<1x1600x32xf32, #tpu.memory_space<vmem>>
        %swap3A_1088 = tpu.memref_squeeze %swap3A_1087 : memref<1x1600x32xf32, #tpu.memory_space<vmem>> -> memref<1600x32xf32, #tpu.memory_space<vmem>>
        %swap3A_1089 = arith.index_cast %add3A_1057 : i32 to index
        %swap3A_1090 = arith.constant 16 : index
        %swap3A_1091 = tpu.vector_load %swap3A_1088[%swap3A_1089, %swap3A_1090] {strides = array<i32>} : memref<1600x32xf32, #tpu.memory_space<vmem>>, vector<1x16xf32>,
        %swap3A_1092 = vector.shape_cast %swap3A_1091 : vector<1x16xf32> to vector<16xf32>
        %swap3A_1093 = vector.shape_cast %add3A_1084 : vector<16xf32> to vector<1x16xf32>
        tpu.vector_store %swap3A_1088[%swap3A_1089, %swap3A_1090], %swap3A_1093 {strides = array<i32>} : memref<1600x32xf32, #tpu.memory_space<vmem>>, vector<1x16xf32>,
      }
      %scan3A_755 = arith.constant 200 : i32
      %mul3A_756 = arith.constant 1600 : i32
      %mul3A_757 = arith.muli %add3A_733, %mul3A_756 : i32
      %add3A_758 = arith.addi %mul3A_2, %mul3A_757 : i32
      %dma_start3A_759 = arith.constant 1 : i32
      %dma_start3A_760 = arith.constant 0 : i32
      %dma_start3A_761 = arith.constant 0 : i32
      %dma_start3A_762 = tpu.memref_slice %arg7[%dma_start3A_759, %dma_start3A_760, %dma_start3A_761] : memref<2x1600x32xf32, #tpu.memory_space<vmem>> -> memref<1x1600x32xf32, #tpu.memory_space<vmem>>
      %dma_start3A_763 = tpu.memref_squeeze %dma_start3A_762 : memref<1x1600x32xf32, #tpu.memory_space<vmem>> -> memref<1600x32xf32, #tpu.memory_space<vmem>>
      %dma_start3A_764 = arith.constant 0 : i32
      %dma_start3A_765 = tpu.memref_slice %arg5[%add3A_758, %dma_start3A_764] : memref<3276800x32xf32, #tpu.memory_space<hbm>> -> memref<1600x32xf32, #tpu.memory_space<hbm>>
      %dma_start3A_766 = arith.constant 0 : i32
      %dma_start3A_767 = tpu.memref_slice %arg5[%add3A_758, %dma_start3A_766] : memref<3276800x32xf32, #tpu.memory_space<hbm>> -> memref<1600x32xf32, #tpu.memory_space<hbm>>
      %dma_start3A_768 = arith.constant 0 : i32
      %dma_start3A_769 = arith.constant 0 : i32
      %dma_start3A_770 = tpu.memref_slice %arg7[%dma_start3A_759, %dma_start3A_768, %dma_start3A_769] : memref<2x1600x32xf32, #tpu.memory_space<vmem>> -> memref<1x1600x32xf32, #tpu.memory_space<vmem>>
      %dma_start3A_771 = tpu.memref_squeeze %dma_start3A_770 : memref<1x1600x32xf32, #tpu.memory_space<vmem>> -> memref<1600x32xf32, #tpu.memory_space<vmem>>
      tpu.enqueue_dma source(%dma_start3A_771 : memref<1600x32xf32, #tpu.memory_space<vmem>>) target(%dma_start3A_767 : memref<1600x32xf32, #tpu.memory_space<hbm>>) target_semaphore(%arg12 : memref<!tpu.dma_semaphore, #tpu.memory_space<semaphore_mem>>)
      %add3A_772 = arith.constant 2 : i32
      %add3A_773 = arith.addi %add3A_733, %add3A_772 : i32
      %lt3A_774 = arith.constant 64 : i32
      %lt3A_775 = arith.cmpi slt, %add3A_773, %lt3A_774 : i32
      %convert_element_type3A_776 = arith.extui %lt3A_775 : i1 to i32
      %cond3A_777 = arith.constant 0 : i32
      %cond3A_778 = arith.cmpi ne, %convert_element_type3A_776, %cond3A_777 : i32
      scf.if %cond3A_778 {
        %mul3A_779 = arith.constant 1600 : i32
        %mul3A_780 = arith.muli %add3A_733, %mul3A_779 : i32
        %add3A_781 = arith.addi %mul3A_2, %mul3A_780 : i32
        %dma_wait3A_782 = arith.constant 1 : i32
        %dma_wait3A_783 = arith.constant 0 : i32
        %dma_wait3A_784 = arith.constant 0 : i32
        %dma_wait3A_785 = tpu.memref_slice %arg7[%dma_wait3A_782, %dma_wait3A_783, %dma_wait3A_784] : memref<2x1600x32xf32, #tpu.memory_space<vmem>> -> memref<1x1600x32xf32, #tpu.memory_space<vmem>>
        %dma_wait3A_786 = tpu.memref_squeeze %dma_wait3A_785 : memref<1x1600x32xf32, #tpu.memory_space<vmem>> -> memref<1600x32xf32, #tpu.memory_space<vmem>>
        %dma_wait3A_787 = arith.constant 0 : i32
        %dma_wait3A_788 = tpu.memref_slice %arg5[%add3A_781, %dma_wait3A_787] : memref<3276800x32xf32, #tpu.memory_space<hbm>> -> memref<1600x32xf32, #tpu.memory_space<hbm>>
        %dma_wait3A_789 = arith.constant 0 : i32
        %dma_wait3A_790 = tpu.memref_slice %arg5[%add3A_781, %dma_wait3A_789] : memref<3276800x32xf32, #tpu.memory_space<hbm>> -> memref<1600x32xf32, #tpu.memory_space<hbm>>
        %dma_wait3A_791 = arith.constant 0 : i32
        %dma_wait3A_792 = arith.constant 0 : i32
        %dma_wait3A_793 = tpu.memref_slice %arg7[%dma_wait3A_782, %dma_wait3A_791, %dma_wait3A_792] : memref<2x1600x32xf32, #tpu.memory_space<vmem>> -> memref<1x1600x32xf32, #tpu.memory_space<vmem>>
        %dma_wait3A_794 = tpu.memref_squeeze %dma_wait3A_793 : memref<1x1600x32xf32, #tpu.memory_space<vmem>> -> memref<1600x32xf32, #tpu.memory_space<vmem>>
        tpu.wait_dma2 semaphore(%arg12 : memref<!tpu.dma_semaphore, #tpu.memory_space<semaphore_mem>>) src(%dma_wait3A_794 : memref<1600x32xf32, #tpu.memory_space<vmem>>) dst(%dma_wait3A_790 : memref<1600x32xf32, #tpu.memory_space<hbm>>)
        %add3A_795 = arith.constant 2 : i32
        %add3A_796 = arith.addi %add3A_733, %add3A_795 : i32
        %mul3A_797 = arith.constant 16 : i32
        %mul3A_798 = arith.muli %add3A_796, %mul3A_797 : i32
        %add3A_799 = arith.addi %mul3A_4, %mul3A_798 : i32
        %run_scoped3A_800 = arith.constant 1 : i32
        "tpu.region"() ({
          %run_scoped3A_1121 = tpu.sem_alloc : memref<!tpu.dma_semaphore, #tpu.memory_space<semaphore_mem>>
          %dma_start3A_1122 = arith.constant 0 : i32
          %dma_start3A_1123 = arith.constant 0 : i32
          %dma_start3A_1124 = tpu.memref_slice %arg6[%run_scoped3A_800, %dma_start3A_1122, %dma_start3A_1123] : memref<2x16x100xi32, #tpu.memory_space<vmem>> -> memref<1x16x100xi32, #tpu.memory_space<vmem>>
          %dma_start3A_1125 = tpu.memref_squeeze %dma_start3A_1124 : memref<1x16x100xi32, #tpu.memory_space<vmem>> -> memref<16x100xi32, #tpu.memory_space<vmem>>
          %dma_start3A_1126 = arith.constant 0 : i32
          %dma_start3A_1127 = tpu.memref_slice %arg2[%add3A_799, %dma_start3A_1126] : memref<32768x100xi32, #tpu.memory_space<hbm>> -> memref<16x100xi32, #tpu.memory_space<hbm>>
          %dma_start3A_1128 = arith.constant 0 : i32
          %dma_start3A_1129 = arith.constant 0 : i32
          %dma_start3A_1130 = tpu.memref_slice %arg6[%run_scoped3A_800, %dma_start3A_1128, %dma_start3A_1129] : memref<2x16x100xi32, #tpu.memory_space<vmem>> -> memref<1x16x100xi32, #tpu.memory_space<vmem>>
          %dma_start3A_1131 = tpu.memref_squeeze %dma_start3A_1130 : memref<1x16x100xi32, #tpu.memory_space<vmem>> -> memref<16x100xi32, #tpu.memory_space<vmem>>
          %dma_start3A_1132 = arith.constant 0 : i32
          %dma_start3A_1133 = tpu.memref_slice %arg2[%add3A_799, %dma_start3A_1132] : memref<32768x100xi32, #tpu.memory_space<hbm>> -> memref<16x100xi32, #tpu.memory_space<hbm>>
          tpu.enqueue_dma source(%dma_start3A_1133 : memref<16x100xi32, #tpu.memory_space<hbm>>) target(%dma_start3A_1131 : memref<16x100xi32, #tpu.memory_space<vmem>>) target_semaphore(%run_scoped3A_1121 : memref<!tpu.dma_semaphore, #tpu.memory_space<semaphore_mem>>)
          %dma_wait3A_1134 = arith.constant 0 : i32
          %dma_wait3A_1135 = arith.constant 0 : i32
          %dma_wait3A_1136 = tpu.memref_slice %arg6[%run_scoped3A_800, %dma_wait3A_1134, %dma_wait3A_1135] : memref<2x16x100xi32, #tpu.memory_space<vmem>> -> memref<1x16x100xi32, #tpu.memory_space<vmem>>
          %dma_wait3A_1137 = tpu.memref_squeeze %dma_wait3A_1136 : memref<1x16x100xi32, #tpu.memory_space<vmem>> -> memref<16x100xi32, #tpu.memory_space<vmem>>
          %dma_wait3A_1138 = arith.constant 0 : i32
          %dma_wait3A_1139 = tpu.memref_slice %arg2[%add3A_799, %dma_wait3A_1138] : memref<32768x100xi32, #tpu.memory_space<hbm>> -> memref<16x100xi32, #tpu.memory_space<hbm>>
          %dma_wait3A_1140 = arith.constant 0 : i32
          %dma_wait3A_1141 = arith.constant 0 : i32
          %dma_wait3A_1142 = tpu.memref_slice %arg6[%run_scoped3A_800, %dma_wait3A_1140, %dma_wait3A_1141] : memref<2x16x100xi32, #tpu.memory_space<vmem>> -> memref<1x16x100xi32, #tpu.memory_space<vmem>>
          %dma_wait3A_1143 = tpu.memref_squeeze %dma_wait3A_1142 : memref<1x16x100xi32, #tpu.memory_space<vmem>> -> memref<16x100xi32, #tpu.memory_space<vmem>>
          %dma_wait3A_1144 = arith.constant 0 : i32
          %dma_wait3A_1145 = tpu.memref_slice %arg2[%add3A_799, %dma_wait3A_1144] : memref<32768x100xi32, #tpu.memory_space<hbm>> -> memref<16x100xi32, #tpu.memory_space<hbm>>
          tpu.wait_dma2 semaphore(%run_scoped3A_1121 : memref<!tpu.dma_semaphore, #tpu.memory_space<semaphore_mem>>) src(%dma_wait3A_1145 : memref<16x100xi32, #tpu.memory_space<hbm>>) dst(%dma_wait3A_1143 : memref<16x100xi32, #tpu.memory_space<vmem>>)
          tpu.yield
        }) : () -> ()
        %dma_start3A_801 = arith.constant 1 : i32
        %dma_start3A_802 = arith.constant 0 : i32
        %dma_start3A_803 = arith.constant 1 : i32
        %dma_start3A_804 = arith.constant 0 : i32
        %dma_start3A_805 = arith.constant 0 : i32
        %dma_start3A_806 = tpu.memref_slice %arg7[%dma_start3A_803, %dma_start3A_804, %dma_start3A_805] : memref<2x1600x32xf32, #tpu.memory_space<vmem>> -> memref<1x1600x32xf32, #tpu.memory_space<vmem>>
        %dma_start3A_807 = tpu.memref_squeeze %dma_start3A_806 : memref<1x1600x32xf32, #tpu.memory_space<vmem>> -> memref<1600x32xf32, #tpu.memory_space<vmem>>
        %dma_start3A_808 = arith.constant 0 : i32
        %dma_start3A_809 = arith.constant 0 : i32
        %dma_start3A_810 = tpu.memref_slice %dma_start3A_807[%dma_start3A_808, %dma_start3A_809] : memref<1600x32xf32, #tpu.memory_space<vmem>> -> memref<100x32xf32, #tpu.memory_space<vmem>>
        %dma_start3A_811 = arith.constant 0 : i32
        %dma_start3A_812 = arith.constant 0 : i32
        %dma_start3A_813 = tpu.memref_slice %arg6[%dma_start3A_801, %dma_start3A_811, %dma_start3A_812] : memref<2x16x100xi32, #tpu.memory_space<vmem>> -> memref<1x16x100xi32, #tpu.memory_space<vmem>>
        %dma_start3A_814 = tpu.memref_squeeze %dma_start3A_813 : memref<1x16x100xi32, #tpu.memory_space<vmem>> -> memref<16x100xi32, #tpu.memory_space<vmem>>
        %dma_start3A_815 = arith.constant 0 : i32
        %dma_start3A_816 = tpu.memref_slice %dma_start3A_814[%dma_start3A_802, %dma_start3A_815] : memref<16x100xi32, #tpu.memory_space<vmem>> -> memref<1x100xi32, #tpu.memory_space<vmem>>
        %dma_start3A_817 = tpu.memref_squeeze %dma_start3A_816 : memref<1x100xi32, #tpu.memory_space<vmem>> -> memref<100xi32, #tpu.memory_space<vmem>>
        %dma_start3A_818 = arith.constant 0 : i32
        %dma_start3A_819 = arith.constant 0 : i32
        %dma_start3A_820 = tpu.memref_slice %arg3[%dma_start3A_818, %dma_start3A_819] : memref<100000x32xf32, #tpu.memory_space<hbm>> -> memref<100000x32xf32, #tpu.memory_space<hbm>>
        tpu.enqueue_indirect_dma source(%dma_start3A_820 : memref<100000x32xf32, #tpu.memory_space<hbm>>) target(%dma_start3A_810 : memref<100x32xf32, #tpu.memory_space<vmem>>) offsets(%dma_start3A_817 : memref<100xi32, #tpu.memory_space<vmem>>) semaphore(%arg10 : memref<!tpu.dma_semaphore, #tpu.memory_space<semaphore_mem>>)
        %dma_start3A_821 = arith.constant 1 : i32
        %dma_start3A_822 = arith.constant 1 : i32
        %dma_start3A_823 = arith.constant 1 : i32
        %dma_start3A_824 = arith.constant 0 : i32
        %dma_start3A_825 = arith.constant 0 : i32
        %dma_start3A_826 = tpu.memref_slice %arg7[%dma_start3A_823, %dma_start3A_824, %dma_start3A_825] : memref<2x1600x32xf32, #tpu.memory_space<vmem>> -> memref<1x1600x32xf32, #tpu.memory_space<vmem>>
        %dma_start3A_827 = tpu.memref_squeeze %dma_start3A_826 : memref<1x1600x32xf32, #tpu.memory_space<vmem>> -> memref<1600x32xf32, #tpu.memory_space<vmem>>
        %dma_start3A_828 = arith.constant 100 : i32
        %dma_start3A_829 = arith.constant 0 : i32
        %dma_start3A_830 = tpu.memref_slice %dma_start3A_827[%dma_start3A_828, %dma_start3A_829] : memref<1600x32xf32, #tpu.memory_space<vmem>> -> memref<100x32xf32, #tpu.memory_space<vmem>>
        %dma_start3A_831 = arith.constant 0 : i32
        %dma_start3A_832 = arith.constant 0 : i32
        %dma_start3A_833 = tpu.memref_slice %arg6[%dma_start3A_821, %dma_start3A_831, %dma_start3A_832] : memref<2x16x100xi32, #tpu.memory_space<vmem>> -> memref<1x16x100xi32, #tpu.memory_space<vmem>>
        %dma_start3A_834 = tpu.memref_squeeze %dma_start3A_833 : memref<1x16x100xi32, #tpu.memory_space<vmem>> -> memref<16x100xi32, #tpu.memory_space<vmem>>
        %dma_start3A_835 = arith.constant 0 : i32
        %dma_start3A_836 = tpu.memref_slice %dma_start3A_834[%dma_start3A_822, %dma_start3A_835] : memref<16x100xi32, #tpu.memory_space<vmem>> -> memref<1x100xi32, #tpu.memory_space<vmem>>
        %dma_start3A_837 = tpu.memref_squeeze %dma_start3A_836 : memref<1x100xi32, #tpu.memory_space<vmem>> -> memref<100xi32, #tpu.memory_space<vmem>>
        %dma_start3A_838 = arith.constant 0 : i32
        %dma_start3A_839 = arith.constant 0 : i32
        %dma_start3A_840 = tpu.memref_slice %arg3[%dma_start3A_838, %dma_start3A_839] : memref<100000x32xf32, #tpu.memory_space<hbm>> -> memref<100000x32xf32, #tpu.memory_space<hbm>>
        tpu.enqueue_indirect_dma source(%dma_start3A_840 : memref<100000x32xf32, #tpu.memory_space<hbm>>) target(%dma_start3A_830 : memref<100x32xf32, #tpu.memory_space<vmem>>) offsets(%dma_start3A_837 : memref<100xi32, #tpu.memory_space<vmem>>) semaphore(%arg10 : memref<!tpu.dma_semaphore, #tpu.memory_space<semaphore_mem>>)
        %dma_start3A_841 = arith.constant 1 : i32
        %dma_start3A_842 = arith.constant 2 : i32
        %dma_start3A_843 = arith.constant 1 : i32
        %dma_start3A_844 = arith.constant 0 : i32
        %dma_start3A_845 = arith.constant 0 : i32
        %dma_start3A_846 = tpu.memref_slice %arg7[%dma_start3A_843, %dma_start3A_844, %dma_start3A_845] : memref<2x1600x32xf32, #tpu.memory_space<vmem>> -> memref<1x1600x32xf32, #tpu.memory_space<vmem>>
        %dma_start3A_847 = tpu.memref_squeeze %dma_start3A_846 : memref<1x1600x32xf32, #tpu.memory_space<vmem>> -> memref<1600x32xf32, #tpu.memory_space<vmem>>
        %dma_start3A_848 = arith.constant 200 : i32
        %dma_start3A_849 = arith.constant 0 : i32
        %dma_start3A_850 = tpu.memref_slice %dma_start3A_847[%dma_start3A_848, %dma_start3A_849] : memref<1600x32xf32, #tpu.memory_space<vmem>> -> memref<100x32xf32, #tpu.memory_space<vmem>>
        %dma_start3A_851 = arith.constant 0 : i32
        %dma_start3A_852 = arith.constant 0 : i32
        %dma_start3A_853 = tpu.memref_slice %arg6[%dma_start3A_841, %dma_start3A_851, %dma_start3A_852] : memref<2x16x100xi32, #tpu.memory_space<vmem>> -> memref<1x16x100xi32, #tpu.memory_space<vmem>>
        %dma_start3A_854 = tpu.memref_squeeze %dma_start3A_853 : memref<1x16x100xi32, #tpu.memory_space<vmem>> -> memref<16x100xi32, #tpu.memory_space<vmem>>
        %dma_start3A_855 = arith.constant 0 : i32
        %dma_start3A_856 = tpu.memref_slice %dma_start3A_854[%dma_start3A_842, %dma_start3A_855] : memref<16x100xi32, #tpu.memory_space<vmem>> -> memref<1x100xi32, #tpu.memory_space<vmem>>
        %dma_start3A_857 = tpu.memref_squeeze %dma_start3A_856 : memref<1x100xi32, #tpu.memory_space<vmem>> -> memref<100xi32, #tpu.memory_space<vmem>>
        %dma_start3A_858 = arith.constant 0 : i32
        %dma_start3A_859 = arith.constant 0 : i32
        %dma_start3A_860 = tpu.memref_slice %arg3[%dma_start3A_858, %dma_start3A_859] : memref<100000x32xf32, #tpu.memory_space<hbm>> -> memref<100000x32xf32, #tpu.memory_space<hbm>>
        tpu.enqueue_indirect_dma source(%dma_start3A_860 : memref<100000x32xf32, #tpu.memory_space<hbm>>) target(%dma_start3A_850 : memref<100x32xf32, #tpu.memory_space<vmem>>) offsets(%dma_start3A_857 : memref<100xi32, #tpu.memory_space<vmem>>) semaphore(%arg10 : memref<!tpu.dma_semaphore, #tpu.memory_space<semaphore_mem>>)
        %dma_start3A_861 = arith.constant 1 : i32
        %dma_start3A_862 = arith.constant 3 : i32
        %dma_start3A_863 = arith.constant 1 : i32
        %dma_start3A_864 = arith.constant 0 : i32
        %dma_start3A_865 = arith.constant 0 : i32
        %dma_start3A_866 = tpu.memref_slice %arg7[%dma_start3A_863, %dma_start3A_864, %dma_start3A_865] : memref<2x1600x32xf32, #tpu.memory_space<vmem>> -> memref<1x1600x32xf32, #tpu.memory_space<vmem>>
        %dma_start3A_867 = tpu.memref_squeeze %dma_start3A_866 : memref<1x1600x32xf32, #tpu.memory_space<vmem>> -> memref<1600x32xf32, #tpu.memory_space<vmem>>
        %dma_start3A_868 = arith.constant 300 : i32
        %dma_start3A_869 = arith.constant 0 : i32
        %dma_start3A_870 = tpu.memref_slice %dma_start3A_867[%dma_start3A_868, %dma_start3A_869] : memref<1600x32xf32, #tpu.memory_space<vmem>> -> memref<100x32xf32, #tpu.memory_space<vmem>>
        %dma_start3A_871 = arith.constant 0 : i32
        %dma_start3A_872 = arith.constant 0 : i32
        %dma_start3A_873 = tpu.memref_slice %arg6[%dma_start3A_861, %dma_start3A_871, %dma_start3A_872] : memref<2x16x100xi32, #tpu.memory_space<vmem>> -> memref<1x16x100xi32, #tpu.memory_space<vmem>>
        %dma_start3A_874 = tpu.memref_squeeze %dma_start3A_873 : memref<1x16x100xi32, #tpu.memory_space<vmem>> -> memref<16x100xi32, #tpu.memory_space<vmem>>
        %dma_start3A_875 = arith.constant 0 : i32
        %dma_start3A_876 = tpu.memref_slice %dma_start3A_874[%dma_start3A_862, %dma_start3A_875] : memref<16x100xi32, #tpu.memory_space<vmem>> -> memref<1x100xi32, #tpu.memory_space<vmem>>
        %dma_start3A_877 = tpu.memref_squeeze %dma_start3A_876 : memref<1x100xi32, #tpu.memory_space<vmem>> -> memref<100xi32, #tpu.memory_space<vmem>>
        %dma_start3A_878 = arith.constant 0 : i32
        %dma_start3A_879 = arith.constant 0 : i32
        %dma_start3A_880 = tpu.memref_slice %arg3[%dma_start3A_878, %dma_start3A_879] : memref<100000x32xf32, #tpu.memory_space<hbm>> -> memref<100000x32xf32, #tpu.memory_space<hbm>>
        tpu.enqueue_indirect_dma source(%dma_start3A_880 : memref<100000x32xf32, #tpu.memory_space<hbm>>) target(%dma_start3A_870 : memref<100x32xf32, #tpu.memory_space<vmem>>) offsets(%dma_start3A_877 : memref<100xi32, #tpu.memory_space<vmem>>) semaphore(%arg10 : memref<!tpu.dma_semaphore, #tpu.memory_space<semaphore_mem>>)
        %dma_start3A_881 = arith.constant 1 : i32
        %dma_start3A_882 = arith.constant 4 : i32
        %dma_start3A_883 = arith.constant 1 : i32
        %dma_start3A_884 = arith.constant 0 : i32
        %dma_start3A_885 = arith.constant 0 : i32
        %dma_start3A_886 = tpu.memref_slice %arg7[%dma_start3A_883, %dma_start3A_884, %dma_start3A_885] : memref<2x1600x32xf32, #tpu.memory_space<vmem>> -> memref<1x1600x32xf32, #tpu.memory_space<vmem>>
        %dma_start3A_887 = tpu.memref_squeeze %dma_start3A_886 : memref<1x1600x32xf32, #tpu.memory_space<vmem>> -> memref<1600x32xf32, #tpu.memory_space<vmem>>
        %dma_start3A_888 = arith.constant 400 : i32
        %dma_start3A_889 = arith.constant 0 : i32
        %dma_start3A_890 = tpu.memref_slice %dma_start3A_887[%dma_start3A_888, %dma_start3A_889] : memref<1600x32xf32, #tpu.memory_space<vmem>> -> memref<100x32xf32, #tpu.memory_space<vmem>>
        %dma_start3A_891 = arith.constant 0 : i32
        %dma_start3A_892 = arith.constant 0 : i32
        %dma_start3A_893 = tpu.memref_slice %arg6[%dma_start3A_881, %dma_start3A_891, %dma_start3A_892] : memref<2x16x100xi32, #tpu.memory_space<vmem>> -> memref<1x16x100xi32, #tpu.memory_space<vmem>>
        %dma_start3A_894 = tpu.memref_squeeze %dma_start3A_893 : memref<1x16x100xi32, #tpu.memory_space<vmem>> -> memref<16x100xi32, #tpu.memory_space<vmem>>
        %dma_start3A_895 = arith.constant 0 : i32
        %dma_start3A_896 = tpu.memref_slice %dma_start3A_894[%dma_start3A_882, %dma_start3A_895] : memref<16x100xi32, #tpu.memory_space<vmem>> -> memref<1x100xi32, #tpu.memory_space<vmem>>
        %dma_start3A_897 = tpu.memref_squeeze %dma_start3A_896 : memref<1x100xi32, #tpu.memory_space<vmem>> -> memref<100xi32, #tpu.memory_space<vmem>>
        %dma_start3A_898 = arith.constant 0 : i32
        %dma_start3A_899 = arith.constant 0 : i32
        %dma_start3A_900 = tpu.memref_slice %arg3[%dma_start3A_898, %dma_start3A_899] : memref<100000x32xf32, #tpu.memory_space<hbm>> -> memref<100000x32xf32, #tpu.memory_space<hbm>>
        tpu.enqueue_indirect_dma source(%dma_start3A_900 : memref<100000x32xf32, #tpu.memory_space<hbm>>) target(%dma_start3A_890 : memref<100x32xf32, #tpu.memory_space<vmem>>) offsets(%dma_start3A_897 : memref<100xi32, #tpu.memory_space<vmem>>) semaphore(%arg10 : memref<!tpu.dma_semaphore, #tpu.memory_space<semaphore_mem>>)
        %dma_start3A_901 = arith.constant 1 : i32
        %dma_start3A_902 = arith.constant 5 : i32
        %dma_start3A_903 = arith.constant 1 : i32
        %dma_start3A_904 = arith.constant 0 : i32
        %dma_start3A_905 = arith.constant 0 : i32
        %dma_start3A_906 = tpu.memref_slice %arg7[%dma_start3A_903, %dma_start3A_904, %dma_start3A_905] : memref<2x1600x32xf32, #tpu.memory_space<vmem>> -> memref<1x1600x32xf32, #tpu.memory_space<vmem>>
        %dma_start3A_907 = tpu.memref_squeeze %dma_start3A_906 : memref<1x1600x32xf32, #tpu.memory_space<vmem>> -> memref<1600x32xf32, #tpu.memory_space<vmem>>
        %dma_start3A_908 = arith.constant 500 : i32
        %dma_start3A_909 = arith.constant 0 : i32
        %dma_start3A_910 = tpu.memref_slice %dma_start3A_907[%dma_start3A_908, %dma_start3A_909] : memref<1600x32xf32, #tpu.memory_space<vmem>> -> memref<100x32xf32, #tpu.memory_space<vmem>>
        %dma_start3A_911 = arith.constant 0 : i32
        %dma_start3A_912 = arith.constant 0 : i32
        %dma_start3A_913 = tpu.memref_slice %arg6[%dma_start3A_901, %dma_start3A_911, %dma_start3A_912] : memref<2x16x100xi32, #tpu.memory_space<vmem>> -> memref<1x16x100xi32, #tpu.memory_space<vmem>>
        %dma_start3A_914 = tpu.memref_squeeze %dma_start3A_913 : memref<1x16x100xi32, #tpu.memory_space<vmem>> -> memref<16x100xi32, #tpu.memory_space<vmem>>
        %dma_start3A_915 = arith.constant 0 : i32
        %dma_start3A_916 = tpu.memref_slice %dma_start3A_914[%dma_start3A_902, %dma_start3A_915] : memref<16x100xi32, #tpu.memory_space<vmem>> -> memref<1x100xi32, #tpu.memory_space<vmem>>
        %dma_start3A_917 = tpu.memref_squeeze %dma_start3A_916 : memref<1x100xi32, #tpu.memory_space<vmem>> -> memref<100xi32, #tpu.memory_space<vmem>>
        %dma_start3A_918 = arith.constant 0 : i32
        %dma_start3A_919 = arith.constant 0 : i32
        %dma_start3A_920 = tpu.memref_slice %arg3[%dma_start3A_918, %dma_start3A_919] : memref<100000x32xf32, #tpu.memory_space<hbm>> -> memref<100000x32xf32, #tpu.memory_space<hbm>>
        tpu.enqueue_indirect_dma source(%dma_start3A_920 : memref<100000x32xf32, #tpu.memory_space<hbm>>) target(%dma_start3A_910 : memref<100x32xf32, #tpu.memory_space<vmem>>) offsets(%dma_start3A_917 : memref<100xi32, #tpu.memory_space<vmem>>) semaphore(%arg10 : memref<!tpu.dma_semaphore, #tpu.memory_space<semaphore_mem>>)
        %dma_start3A_921 = arith.constant 1 : i32
        %dma_start3A_922 = arith.constant 6 : i32
        %dma_start3A_923 = arith.constant 1 : i32
        %dma_start3A_924 = arith.constant 0 : i32
        %dma_start3A_925 = arith.constant 0 : i32
        %dma_start3A_926 = tpu.memref_slice %arg7[%dma_start3A_923, %dma_start3A_924, %dma_start3A_925] : memref<2x1600x32xf32, #tpu.memory_space<vmem>> -> memref<1x1600x32xf32, #tpu.memory_space<vmem>>
        %dma_start3A_927 = tpu.memref_squeeze %dma_start3A_926 : memref<1x1600x32xf32, #tpu.memory_space<vmem>> -> memref<1600x32xf32, #tpu.memory_space<vmem>>
        %dma_start3A_928 = arith.constant 600 : i32
        %dma_start3A_929 = arith.constant 0 : i32
        %dma_start3A_930 = tpu.memref_slice %dma_start3A_927[%dma_start3A_928, %dma_start3A_929] : memref<1600x32xf32, #tpu.memory_space<vmem>> -> memref<100x32xf32, #tpu.memory_space<vmem>>
        %dma_start3A_931 = arith.constant 0 : i32
        %dma_start3A_932 = arith.constant 0 : i32
        %dma_start3A_933 = tpu.memref_slice %arg6[%dma_start3A_921, %dma_start3A_931, %dma_start3A_932] : memref<2x16x100xi32, #tpu.memory_space<vmem>> -> memref<1x16x100xi32, #tpu.memory_space<vmem>>
        %dma_start3A_934 = tpu.memref_squeeze %dma_start3A_933 : memref<1x16x100xi32, #tpu.memory_space<vmem>> -> memref<16x100xi32, #tpu.memory_space<vmem>>
        %dma_start3A_935 = arith.constant 0 : i32
        %dma_start3A_936 = tpu.memref_slice %dma_start3A_934[%dma_start3A_922, %dma_start3A_935] : memref<16x100xi32, #tpu.memory_space<vmem>> -> memref<1x100xi32, #tpu.memory_space<vmem>>
        %dma_start3A_937 = tpu.memref_squeeze %dma_start3A_936 : memref<1x100xi32, #tpu.memory_space<vmem>> -> memref<100xi32, #tpu.memory_space<vmem>>
        %dma_start3A_938 = arith.constant 0 : i32
        %dma_start3A_939 = arith.constant 0 : i32
        %dma_start3A_940 = tpu.memref_slice %arg3[%dma_start3A_938, %dma_start3A_939] : memref<100000x32xf32, #tpu.memory_space<hbm>> -> memref<100000x32xf32, #tpu.memory_space<hbm>>
        tpu.enqueue_indirect_dma source(%dma_start3A_940 : memref<100000x32xf32, #tpu.memory_space<hbm>>) target(%dma_start3A_930 : memref<100x32xf32, #tpu.memory_space<vmem>>) offsets(%dma_start3A_937 : memref<100xi32, #tpu.memory_space<vmem>>) semaphore(%arg10 : memref<!tpu.dma_semaphore, #tpu.memory_space<semaphore_mem>>)
        %dma_start3A_941 = arith.constant 1 : i32
        %dma_start3A_942 = arith.constant 7 : i32
        %dma_start3A_943 = arith.constant 1 : i32
        %dma_start3A_944 = arith.constant 0 : i32
        %dma_start3A_945 = arith.constant 0 : i32
        %dma_start3A_946 = tpu.memref_slice %arg7[%dma_start3A_943, %dma_start3A_944, %dma_start3A_945] : memref<2x1600x32xf32, #tpu.memory_space<vmem>> -> memref<1x1600x32xf32, #tpu.memory_space<vmem>>
        %dma_start3A_947 = tpu.memref_squeeze %dma_start3A_946 : memref<1x1600x32xf32, #tpu.memory_space<vmem>> -> memref<1600x32xf32, #tpu.memory_space<vmem>>
        %dma_start3A_948 = arith.constant 700 : i32
        %dma_start3A_949 = arith.constant 0 : i32
        %dma_start3A_950 = tpu.memref_slice %dma_start3A_947[%dma_start3A_948, %dma_start3A_949] : memref<1600x32xf32, #tpu.memory_space<vmem>> -> memref<100x32xf32, #tpu.memory_space<vmem>>
        %dma_start3A_951 = arith.constant 0 : i32
        %dma_start3A_952 = arith.constant 0 : i32
        %dma_start3A_953 = tpu.memref_slice %arg6[%dma_start3A_941, %dma_start3A_951, %dma_start3A_952] : memref<2x16x100xi32, #tpu.memory_space<vmem>> -> memref<1x16x100xi32, #tpu.memory_space<vmem>>
        %dma_start3A_954 = tpu.memref_squeeze %dma_start3A_953 : memref<1x16x100xi32, #tpu.memory_space<vmem>> -> memref<16x100xi32, #tpu.memory_space<vmem>>
        %dma_start3A_955 = arith.constant 0 : i32
        %dma_start3A_956 = tpu.memref_slice %dma_start3A_954[%dma_start3A_942, %dma_start3A_955] : memref<16x100xi32, #tpu.memory_space<vmem>> -> memref<1x100xi32, #tpu.memory_space<vmem>>
        %dma_start3A_957 = tpu.memref_squeeze %dma_start3A_956 : memref<1x100xi32, #tpu.memory_space<vmem>> -> memref<100xi32, #tpu.memory_space<vmem>>
        %dma_start3A_958 = arith.constant 0 : i32
        %dma_start3A_959 = arith.constant 0 : i32
        %dma_start3A_960 = tpu.memref_slice %arg3[%dma_start3A_958, %dma_start3A_959] : memref<100000x32xf32, #tpu.memory_space<hbm>> -> memref<100000x32xf32, #tpu.memory_space<hbm>>
        tpu.enqueue_indirect_dma source(%dma_start3A_960 : memref<100000x32xf32, #tpu.memory_space<hbm>>) target(%dma_start3A_950 : memref<100x32xf32, #tpu.memory_space<vmem>>) offsets(%dma_start3A_957 : memref<100xi32, #tpu.memory_space<vmem>>) semaphore(%arg10 : memref<!tpu.dma_semaphore, #tpu.memory_space<semaphore_mem>>)
        %dma_start3A_961 = arith.constant 1 : i32
        %dma_start3A_962 = arith.constant 8 : i32
        %dma_start3A_963 = arith.constant 1 : i32
        %dma_start3A_964 = arith.constant 0 : i32
        %dma_start3A_965 = arith.constant 0 : i32
        %dma_start3A_966 = tpu.memref_slice %arg7[%dma_start3A_963, %dma_start3A_964, %dma_start3A_965] : memref<2x1600x32xf32, #tpu.memory_space<vmem>> -> memref<1x1600x32xf32, #tpu.memory_space<vmem>>
        %dma_start3A_967 = tpu.memref_squeeze %dma_start3A_966 : memref<1x1600x32xf32, #tpu.memory_space<vmem>> -> memref<1600x32xf32, #tpu.memory_space<vmem>>
        %dma_start3A_968 = arith.constant 800 : i32
        %dma_start3A_969 = arith.constant 0 : i32
        %dma_start3A_970 = tpu.memref_slice %dma_start3A_967[%dma_start3A_968, %dma_start3A_969] : memref<1600x32xf32, #tpu.memory_space<vmem>> -> memref<100x32xf32, #tpu.memory_space<vmem>>
        %dma_start3A_971 = arith.constant 0 : i32
        %dma_start3A_972 = arith.constant 0 : i32
        %dma_start3A_973 = tpu.memref_slice %arg6[%dma_start3A_961, %dma_start3A_971, %dma_start3A_972] : memref<2x16x100xi32, #tpu.memory_space<vmem>> -> memref<1x16x100xi32, #tpu.memory_space<vmem>>
        %dma_start3A_974 = tpu.memref_squeeze %dma_start3A_973 : memref<1x16x100xi32, #tpu.memory_space<vmem>> -> memref<16x100xi32, #tpu.memory_space<vmem>>
        %dma_start3A_975 = arith.constant 0 : i32
        %dma_start3A_976 = tpu.memref_slice %dma_start3A_974[%dma_start3A_962, %dma_start3A_975] : memref<16x100xi32, #tpu.memory_space<vmem>> -> memref<1x100xi32, #tpu.memory_space<vmem>>
        %dma_start3A_977 = tpu.memref_squeeze %dma_start3A_976 : memref<1x100xi32, #tpu.memory_space<vmem>> -> memref<100xi32, #tpu.memory_space<vmem>>
        %dma_start3A_978 = arith.constant 0 : i32
        %dma_start3A_979 = arith.constant 0 : i32
        %dma_start3A_980 = tpu.memref_slice %arg3[%dma_start3A_978, %dma_start3A_979] : memref<100000x32xf32, #tpu.memory_space<hbm>> -> memref<100000x32xf32, #tpu.memory_space<hbm>>
        tpu.enqueue_indirect_dma source(%dma_start3A_980 : memref<100000x32xf32, #tpu.memory_space<hbm>>) target(%dma_start3A_970 : memref<100x32xf32, #tpu.memory_space<vmem>>) offsets(%dma_start3A_977 : memref<100xi32, #tpu.memory_space<vmem>>) semaphore(%arg10 : memref<!tpu.dma_semaphore, #tpu.memory_space<semaphore_mem>>)
        %dma_start3A_981 = arith.constant 1 : i32
        %dma_start3A_982 = arith.constant 9 : i32
        %dma_start3A_983 = arith.constant 1 : i32
        %dma_start3A_984 = arith.constant 0 : i32
        %dma_start3A_985 = arith.constant 0 : i32
        %dma_start3A_986 = tpu.memref_slice %arg7[%dma_start3A_983, %dma_start3A_984, %dma_start3A_985] : memref<2x1600x32xf32, #tpu.memory_space<vmem>> -> memref<1x1600x32xf32, #tpu.memory_space<vmem>>
        %dma_start3A_987 = tpu.memref_squeeze %dma_start3A_986 : memref<1x1600x32xf32, #tpu.memory_space<vmem>> -> memref<1600x32xf32, #tpu.memory_space<vmem>>
        %dma_start3A_988 = arith.constant 900 : i32
        %dma_start3A_989 = arith.constant 0 : i32
        %dma_start3A_990 = tpu.memref_slice %dma_start3A_987[%dma_start3A_988, %dma_start3A_989] : memref<1600x32xf32, #tpu.memory_space<vmem>> -> memref<100x32xf32, #tpu.memory_space<vmem>>
        %dma_start3A_991 = arith.constant 0 : i32
        %dma_start3A_992 = arith.constant 0 : i32
        %dma_start3A_993 = tpu.memref_slice %arg6[%dma_start3A_981, %dma_start3A_991, %dma_start3A_992] : memref<2x16x100xi32, #tpu.memory_space<vmem>> -> memref<1x16x100xi32, #tpu.memory_space<vmem>>
        %dma_start3A_994 = tpu.memref_squeeze %dma_start3A_993 : memref<1x16x100xi32, #tpu.memory_space<vmem>> -> memref<16x100xi32, #tpu.memory_space<vmem>>
        %dma_start3A_995 = arith.constant 0 : i32
        %dma_start3A_996 = tpu.memref_slice %dma_start3A_994[%dma_start3A_982, %dma_start3A_995] : memref<16x100xi32, #tpu.memory_space<vmem>> -> memref<1x100xi32, #tpu.memory_space<vmem>>
        %dma_start3A_997 = tpu.memref_squeeze %dma_start3A_996 : memref<1x100xi32, #tpu.memory_space<vmem>> -> memref<100xi32, #tpu.memory_space<vmem>>
        %dma_start3A_998 = arith.constant 0 : i32
        %dma_start3A_999 = arith.constant 0 : i32
        %dma_start3A_1000 = tpu.memref_slice %arg3[%dma_start3A_998, %dma_start3A_999] : memref<100000x32xf32, #tpu.memory_space<hbm>> -> memref<100000x32xf32, #tpu.memory_space<hbm>>
        tpu.enqueue_indirect_dma source(%dma_start3A_1000 : memref<100000x32xf32, #tpu.memory_space<hbm>>) target(%dma_start3A_990 : memref<100x32xf32, #tpu.memory_space<vmem>>) offsets(%dma_start3A_997 : memref<100xi32, #tpu.memory_space<vmem>>) semaphore(%arg10 : memref<!tpu.dma_semaphore, #tpu.memory_space<semaphore_mem>>)
        %dma_start3A_1001 = arith.constant 1 : i32
        %dma_start3A_1002 = arith.constant 10 : i32
        %dma_start3A_1003 = arith.constant 1 : i32
        %dma_start3A_1004 = arith.constant 0 : i32
        %dma_start3A_1005 = arith.constant 0 : i32
        %dma_start3A_1006 = tpu.memref_slice %arg7[%dma_start3A_1003, %dma_start3A_1004, %dma_start3A_1005] : memref<2x1600x32xf32, #tpu.memory_space<vmem>> -> memref<1x1600x32xf32, #tpu.memory_space<vmem>>
        %dma_start3A_1007 = tpu.memref_squeeze %dma_start3A_1006 : memref<1x1600x32xf32, #tpu.memory_space<vmem>> -> memref<1600x32xf32, #tpu.memory_space<vmem>>
        %dma_start3A_1008 = arith.constant 1000 : i32
        %dma_start3A_1009 = arith.constant 0 : i32
        %dma_start3A_1010 = tpu.memref_slice %dma_start3A_1007[%dma_start3A_1008, %dma_start3A_1009] : memref<1600x32xf32, #tpu.memory_space<vmem>> -> memref<100x32xf32, #tpu.memory_space<vmem>>
        %dma_start3A_1011 = arith.constant 0 : i32
        %dma_start3A_1012 = arith.constant 0 : i32
        %dma_start3A_1013 = tpu.memref_slice %arg6[%dma_start3A_1001, %dma_start3A_1011, %dma_start3A_1012] : memref<2x16x100xi32, #tpu.memory_space<vmem>> -> memref<1x16x100xi32, #tpu.memory_space<vmem>>
        %dma_start3A_1014 = tpu.memref_squeeze %dma_start3A_1013 : memref<1x16x100xi32, #tpu.memory_space<vmem>> -> memref<16x100xi32, #tpu.memory_space<vmem>>
        %dma_start3A_1015 = arith.constant 0 : i32
        %dma_start3A_1016 = tpu.memref_slice %dma_start3A_1014[%dma_start3A_1002, %dma_start3A_1015] : memref<16x100xi32, #tpu.memory_space<vmem>> -> memref<1x100xi32, #tpu.memory_space<vmem>>
        %dma_start3A_1017 = tpu.memref_squeeze %dma_start3A_1016 : memref<1x100xi32, #tpu.memory_space<vmem>> -> memref<100xi32, #tpu.memory_space<vmem>>
        %dma_start3A_1018 = arith.constant 0 : i32
        %dma_start3A_1019 = arith.constant 0 : i32
        %dma_start3A_1020 = tpu.memref_slice %arg3[%dma_start3A_1018, %dma_start3A_1019] : memref<100000x32xf32, #tpu.memory_space<hbm>> -> memref<100000x32xf32, #tpu.memory_space<hbm>>
        tpu.enqueue_indirect_dma source(%dma_start3A_1020 : memref<100000x32xf32, #tpu.memory_space<hbm>>) target(%dma_start3A_1010 : memref<100x32xf32, #tpu.memory_space<vmem>>) offsets(%dma_start3A_1017 : memref<100xi32, #tpu.memory_space<vmem>>) semaphore(%arg10 : memref<!tpu.dma_semaphore, #tpu.memory_space<semaphore_mem>>)
        %dma_start3A_1021 = arith.constant 1 : i32
        %dma_start3A_1022 = arith.constant 11 : i32
        %dma_start3A_1023 = arith.constant 1 : i32
        %dma_start3A_1024 = arith.constant 0 : i32
        %dma_start3A_1025 = arith.constant 0 : i32
        %dma_start3A_1026 = tpu.memref_slice %arg7[%dma_start3A_1023, %dma_start3A_1024, %dma_start3A_1025] : memref<2x1600x32xf32, #tpu.memory_space<vmem>> -> memref<1x1600x32xf32, #tpu.memory_space<vmem>>
        %dma_start3A_1027 = tpu.memref_squeeze %dma_start3A_1026 : memref<1x1600x32xf32, #tpu.memory_space<vmem>> -> memref<1600x32xf32, #tpu.memory_space<vmem>>
        %dma_start3A_1028 = arith.constant 1100 : i32
        %dma_start3A_1029 = arith.constant 0 : i32
        %dma_start3A_1030 = tpu.memref_slice %dma_start3A_1027[%dma_start3A_1028, %dma_start3A_1029] : memref<1600x32xf32, #tpu.memory_space<vmem>> -> memref<100x32xf32, #tpu.memory_space<vmem>>
        %dma_start3A_1031 = arith.constant 0 : i32
        %dma_start3A_1032 = arith.constant 0 : i32
        %dma_start3A_1033 = tpu.memref_slice %arg6[%dma_start3A_1021, %dma_start3A_1031, %dma_start3A_1032] : memref<2x16x100xi32, #tpu.memory_space<vmem>> -> memref<1x16x100xi32, #tpu.memory_space<vmem>>
        %dma_start3A_1034 = tpu.memref_squeeze %dma_start3A_1033 : memref<1x16x100xi32, #tpu.memory_space<vmem>> -> memref<16x100xi32, #tpu.memory_space<vmem>>
        %dma_start3A_1035 = arith.constant 0 : i32
        %dma_start3A_1036 = tpu.memref_slice %dma_start3A_1034[%dma_start3A_1022, %dma_start3A_1035] : memref<16x100xi32, #tpu.memory_space<vmem>> -> memref<1x100xi32, #tpu.memory_space<vmem>>
        %dma_start3A_1037 = tpu.memref_squeeze %dma_start3A_1036 : memref<1x100xi32, #tpu.memory_space<vmem>> -> memref<100xi32, #tpu.memory_space<vmem>>
        %dma_start3A_1038 = arith.constant 0 : i32
        %dma_start3A_1039 = arith.constant 0 : i32
        %dma_start3A_1040 = tpu.memref_slice %arg3[%dma_start3A_1038, %dma_start3A_1039] : memref<100000x32xf32, #tpu.memory_space<hbm>> -> memref<100000x32xf32, #tpu.memory_space<hbm>>
        tpu.enqueue_indirect_dma source(%dma_start3A_1040 : memref<100000x32xf32, #tpu.memory_space<hbm>>) target(%dma_start3A_1030 : memref<100x32xf32, #tpu.memory_space<vmem>>) offsets(%dma_start3A_1037 : memref<100xi32, #tpu.memory_space<vmem>>) semaphore(%arg10 : memref<!tpu.dma_semaphore, #tpu.memory_space<semaphore_mem>>)
        %dma_start3A_1041 = arith.constant 1 : i32
        %dma_start3A_1042 = arith.constant 12 : i32
        %dma_start3A_1043 = arith.constant 1 : i32
        %dma_start3A_1044 = arith.constant 0 : i32
        %dma_start3A_1045 = arith.constant 0 : i32
        %dma_start3A_1046 = tpu.memref_slice %arg7[%dma_start3A_1043, %dma_start3A_1044, %dma_start3A_1045] : memref<2x1600x32xf32, #tpu.memory_space<vmem>> -> memref<1x1600x32xf32, #tpu.memory_space<vmem>>
        %dma_start3A_1047 = tpu.memref_squeeze %dma_start3A_1046 : memref<1x1600x32xf32, #tpu.memory_space<vmem>> -> memref<1600x32xf32, #tpu.memory_space<vmem>>
        %dma_start3A_1048 = arith.constant 1200 : i32
        %dma_start3A_1049 = arith.constant 0 : i32
        %dma_start3A_1050 = tpu.memref_slice %dma_start3A_1047[%dma_start3A_1048, %dma_start3A_1049] : memref<1600x32xf32, #tpu.memory_space<vmem>> -> memref<100x32xf32, #tpu.memory_space<vmem>>
        %dma_start3A_1051 = arith.constant 0 : i32
        %dma_start3A_1052 = arith.constant 0 : i32
        %dma_start3A_1053 = tpu.memref_slice %arg6[%dma_start3A_1041, %dma_start3A_1051, %dma_start3A_1052] : memref<2x16x100xi32, #tpu.memory_space<vmem>> -> memref<1x16x100xi32, #tpu.memory_space<vmem>>
        %dma_start3A_1054 = tpu.memref_squeeze %dma_start3A_1053 : memref<1x16x100xi32, #tpu.memory_space<vmem>> -> memref<16x100xi32, #tpu.memory_space<vmem>>
        %dma_start3A_1055 = arith.constant 0 : i32
        %dma_start3A_1056 = tpu.memref_slice %dma_start3A_1054[%dma_start3A_1042, %dma_start3A_1055] : memref<16x100xi32, #tpu.memory_space<vmem>> -> memref<1x100xi32, #tpu.memory_space<vmem>>
        %dma_start3A_1057 = tpu.memref_squeeze %dma_start3A_1056 : memref<1x100xi32, #tpu.memory_space<vmem>> -> memref<100xi32, #tpu.memory_space<vmem>>
        %dma_start3A_1058 = arith.constant 0 : i32
        %dma_start3A_1059 = arith.constant 0 : i32
        %dma_start3A_1060 = tpu.memref_slice %arg3[%dma_start3A_1058, %dma_start3A_1059] : memref<100000x32xf32, #tpu.memory_space<hbm>> -> memref<100000x32xf32, #tpu.memory_space<hbm>>
        tpu.enqueue_indirect_dma source(%dma_start3A_1060 : memref<100000x32xf32, #tpu.memory_space<hbm>>) target(%dma_start3A_1050 : memref<100x32xf32, #tpu.memory_space<vmem>>) offsets(%dma_start3A_1057 : memref<100xi32, #tpu.memory_space<vmem>>) semaphore(%arg10 : memref<!tpu.dma_semaphore, #tpu.memory_space<semaphore_mem>>)
        %dma_start3A_1061 = arith.constant 1 : i32
        %dma_start3A_1062 = arith.constant 13 : i32
        %dma_start3A_1063 = arith.constant 1 : i32
        %dma_start3A_1064 = arith.constant 0 : i32
        %dma_start3A_1065 = arith.constant 0 : i32
        %dma_start3A_1066 = tpu.memref_slice %arg7[%dma_start3A_1063, %dma_start3A_1064, %dma_start3A_1065] : memref<2x1600x32xf32, #tpu.memory_space<vmem>> -> memref<1x1600x32xf32, #tpu.memory_space<vmem>>
        %dma_start3A_1067 = tpu.memref_squeeze %dma_start3A_1066 : memref<1x1600x32xf32, #tpu.memory_space<vmem>> -> memref<1600x32xf32, #tpu.memory_space<vmem>>
        %dma_start3A_1068 = arith.constant 1300 : i32
        %dma_start3A_1069 = arith.constant 0 : i32
        %dma_start3A_1070 = tpu.memref_slice %dma_start3A_1067[%dma_start3A_1068, %dma_start3A_1069] : memref<1600x32xf32, #tpu.memory_space<vmem>> -> memref<100x32xf32, #tpu.memory_space<vmem>>
        %dma_start3A_1071 = arith.constant 0 : i32
        %dma_start3A_1072 = arith.constant 0 : i32
        %dma_start3A_1073 = tpu.memref_slice %arg6[%dma_start3A_1061, %dma_start3A_1071, %dma_start3A_1072] : memref<2x16x100xi32, #tpu.memory_space<vmem>> -> memref<1x16x100xi32, #tpu.memory_space<vmem>>
        %dma_start3A_1074 = tpu.memref_squeeze %dma_start3A_1073 : memref<1x16x100xi32, #tpu.memory_space<vmem>> -> memref<16x100xi32, #tpu.memory_space<vmem>>
        %dma_start3A_1075 = arith.constant 0 : i32
        %dma_start3A_1076 = tpu.memref_slice %dma_start3A_1074[%dma_start3A_1062, %dma_start3A_1075] : memref<16x100xi32, #tpu.memory_space<vmem>> -> memref<1x100xi32, #tpu.memory_space<vmem>>
        %dma_start3A_1077 = tpu.memref_squeeze %dma_start3A_1076 : memref<1x100xi32, #tpu.memory_space<vmem>> -> memref<100xi32, #tpu.memory_space<vmem>>
        %dma_start3A_1078 = arith.constant 0 : i32
        %dma_start3A_1079 = arith.constant 0 : i32
        %dma_start3A_1080 = tpu.memref_slice %arg3[%dma_start3A_1078, %dma_start3A_1079] : memref<100000x32xf32, #tpu.memory_space<hbm>> -> memref<100000x32xf32, #tpu.memory_space<hbm>>
        tpu.enqueue_indirect_dma source(%dma_start3A_1080 : memref<100000x32xf32, #tpu.memory_space<hbm>>) target(%dma_start3A_1070 : memref<100x32xf32, #tpu.memory_space<vmem>>) offsets(%dma_start3A_1077 : memref<100xi32, #tpu.memory_space<vmem>>) semaphore(%arg10 : memref<!tpu.dma_semaphore, #tpu.memory_space<semaphore_mem>>)
        %dma_start3A_1081 = arith.constant 1 : i32
        %dma_start3A_1082 = arith.constant 14 : i32
        %dma_start3A_1083 = arith.constant 1 : i32
        %dma_start3A_1084 = arith.constant 0 : i32
        %dma_start3A_1085 = arith.constant 0 : i32
        %dma_start3A_1086 = tpu.memref_slice %arg7[%dma_start3A_1083, %dma_start3A_1084, %dma_start3A_1085] : memref<2x1600x32xf32, #tpu.memory_space<vmem>> -> memref<1x1600x32xf32, #tpu.memory_space<vmem>>
        %dma_start3A_1087 = tpu.memref_squeeze %dma_start3A_1086 : memref<1x1600x32xf32, #tpu.memory_space<vmem>> -> memref<1600x32xf32, #tpu.memory_space<vmem>>
        %dma_start3A_1088 = arith.constant 1400 : i32
        %dma_start3A_1089 = arith.constant 0 : i32
        %dma_start3A_1090 = tpu.memref_slice %dma_start3A_1087[%dma_start3A_1088, %dma_start3A_1089] : memref<1600x32xf32, #tpu.memory_space<vmem>> -> memref<100x32xf32, #tpu.memory_space<vmem>>
        %dma_start3A_1091 = arith.constant 0 : i32
        %dma_start3A_1092 = arith.constant 0 : i32
        %dma_start3A_1093 = tpu.memref_slice %arg6[%dma_start3A_1081, %dma_start3A_1091, %dma_start3A_1092] : memref<2x16x100xi32, #tpu.memory_space<vmem>> -> memref<1x16x100xi32, #tpu.memory_space<vmem>>
        %dma_start3A_1094 = tpu.memref_squeeze %dma_start3A_1093 : memref<1x16x100xi32, #tpu.memory_space<vmem>> -> memref<16x100xi32, #tpu.memory_space<vmem>>
        %dma_start3A_1095 = arith.constant 0 : i32
        %dma_start3A_1096 = tpu.memref_slice %dma_start3A_1094[%dma_start3A_1082, %dma_start3A_1095] : memref<16x100xi32, #tpu.memory_space<vmem>> -> memref<1x100xi32, #tpu.memory_space<vmem>>
        %dma_start3A_1097 = tpu.memref_squeeze %dma_start3A_1096 : memref<1x100xi32, #tpu.memory_space<vmem>> -> memref<100xi32, #tpu.memory_space<vmem>>
        %dma_start3A_1098 = arith.constant 0 : i32
        %dma_start3A_1099 = arith.constant 0 : i32
        %dma_start3A_1100 = tpu.memref_slice %arg3[%dma_start3A_1098, %dma_start3A_1099] : memref<100000x32xf32, #tpu.memory_space<hbm>> -> memref<100000x32xf32, #tpu.memory_space<hbm>>
        tpu.enqueue_indirect_dma source(%dma_start3A_1100 : memref<100000x32xf32, #tpu.memory_space<hbm>>) target(%dma_start3A_1090 : memref<100x32xf32, #tpu.memory_space<vmem>>) offsets(%dma_start3A_1097 : memref<100xi32, #tpu.memory_space<vmem>>) semaphore(%arg10 : memref<!tpu.dma_semaphore, #tpu.memory_space<semaphore_mem>>)
        %dma_start3A_1101 = arith.constant 1 : i32
        %dma_start3A_1102 = arith.constant 15 : i32
        %dma_start3A_1103 = arith.constant 1 : i32
        %dma_start3A_1104 = arith.constant 0 : i32
        %dma_start3A_1105 = arith.constant 0 : i32
        %dma_start3A_1106 = tpu.memref_slice %arg7[%dma_start3A_1103, %dma_start3A_1104, %dma_start3A_1105] : memref<2x1600x32xf32, #tpu.memory_space<vmem>> -> memref<1x1600x32xf32, #tpu.memory_space<vmem>>
        %dma_start3A_1107 = tpu.memref_squeeze %dma_start3A_1106 : memref<1x1600x32xf32, #tpu.memory_space<vmem>> -> memref<1600x32xf32, #tpu.memory_space<vmem>>
        %dma_start3A_1108 = arith.constant 1500 : i32
        %dma_start3A_1109 = arith.constant 0 : i32
        %dma_start3A_1110 = tpu.memref_slice %dma_start3A_1107[%dma_start3A_1108, %dma_start3A_1109] : memref<1600x32xf32, #tpu.memory_space<vmem>> -> memref<100x32xf32, #tpu.memory_space<vmem>>
        %dma_start3A_1111 = arith.constant 0 : i32
        %dma_start3A_1112 = arith.constant 0 : i32
        %dma_start3A_1113 = tpu.memref_slice %arg6[%dma_start3A_1101, %dma_start3A_1111, %dma_start3A_1112] : memref<2x16x100xi32, #tpu.memory_space<vmem>> -> memref<1x16x100xi32, #tpu.memory_space<vmem>>
        %dma_start3A_1114 = tpu.memref_squeeze %dma_start3A_1113 : memref<1x16x100xi32, #tpu.memory_space<vmem>> -> memref<16x100xi32, #tpu.memory_space<vmem>>
        %dma_start3A_1115 = arith.constant 0 : i32
        %dma_start3A_1116 = tpu.memref_slice %dma_start3A_1114[%dma_start3A_1102, %dma_start3A_1115] : memref<16x100xi32, #tpu.memory_space<vmem>> -> memref<1x100xi32, #tpu.memory_space<vmem>>
        %dma_start3A_1117 = tpu.memref_squeeze %dma_start3A_1116 : memref<1x100xi32, #tpu.memory_space<vmem>> -> memref<100xi32, #tpu.memory_space<vmem>>
        %dma_start3A_1118 = arith.constant 0 : i32
        %dma_start3A_1119 = arith.constant 0 : i32
        %dma_start3A_1120 = tpu.memref_slice %arg3[%dma_start3A_1118, %dma_start3A_1119] : memref<100000x32xf32, #tpu.memory_space<hbm>> -> memref<100000x32xf32, #tpu.memory_space<hbm>>
        tpu.enqueue_indirect_dma source(%dma_start3A_1120 : memref<100000x32xf32, #tpu.memory_space<hbm>>) target(%dma_start3A_1110 : memref<100x32xf32, #tpu.memory_space<vmem>>) offsets(%dma_start3A_1117 : memref<100xi32, #tpu.memory_space<vmem>>) semaphore(%arg10 : memref<!tpu.dma_semaphore, #tpu.memory_space<semaphore_mem>>)
      } else {
      }
    }
    %scan3A_653 = arith.constant 32 : i32
    %add3A_654 = arith.constant 99200 : i32
    %add3A_655 = arith.addi %mul3A_2, %add3A_654 : i32
    %dma_wait3A = arith.constant 0 : i32
    %dma_wait3A_656 = arith.constant 0 : i32
    %dma_wait3A_657 = arith.constant 0 : i32
    %dma_wait3A_658 = tpu.memref_slice %arg7[%dma_wait3A, %dma_wait3A_656, %dma_wait3A_657] : memref<2x1600x32xf32, #tpu.memory_space<vmem>> -> memref<1x1600x32xf32, #tpu.memory_space<vmem>>
    %dma_wait3A_659 = tpu.memref_squeeze %dma_wait3A_658 : memref<1x1600x32xf32, #tpu.memory_space<vmem>> -> memref<1600x32xf32, #tpu.memory_space<vmem>>
    %dma_wait3A_660 = arith.constant 0 : i32
    %dma_wait3A_661 = tpu.memref_slice %arg5[%add3A_655, %dma_wait3A_660] : memref<3276800x32xf32, #tpu.memory_space<hbm>> -> memref<1600x32xf32, #tpu.memory_space<hbm>>
    %dma_wait3A_662 = arith.constant 0 : i32
    %dma_wait3A_663 = tpu.memref_slice %arg5[%add3A_655, %dma_wait3A_662] : memref<3276800x32xf32, #tpu.memory_space<hbm>> -> memref<1600x32xf32, #tpu.memory_space<hbm>>
    %dma_wait3A_664 = arith.constant 0 : i32
    %dma_wait3A_665 = arith.constant 0 : i32
    %dma_wait3A_666 = tpu.memref_slice %arg7[%dma_wait3A, %dma_wait3A_664, %dma_wait3A_665] : memref<2x1600x32xf32, #tpu.memory_space<vmem>> -> memref<1x1600x32xf32, #tpu.memory_space<vmem>>
    %dma_wait3A_667 = tpu.memref_squeeze %dma_wait3A_666 : memref<1x1600x32xf32, #tpu.memory_space<vmem>> -> memref<1600x32xf32, #tpu.memory_space<vmem>>
    tpu.wait_dma2 semaphore(%arg11 : memref<!tpu.dma_semaphore, #tpu.memory_space<semaphore_mem>>) src(%dma_wait3A_667 : memref<1600x32xf32, #tpu.memory_space<vmem>>) dst(%dma_wait3A_663 : memref<1600x32xf32, #tpu.memory_space<hbm>>)
    %add3A_668 = arith.constant 100800 : i32
    %add3A_669 = arith.addi %mul3A_2, %add3A_668 : i32
    %dma_wait3A_670 = arith.constant 1 : i32
    %dma_wait3A_671 = arith.constant 0 : i32
    %dma_wait3A_672 = arith.constant 0 : i32
    %dma_wait3A_673 = tpu.memref_slice %arg7[%dma_wait3A_670, %dma_wait3A_671, %dma_wait3A_672] : memref<2x1600x32xf32, #tpu.memory_space<vmem>> -> memref<1x1600x32xf32, #tpu.memory_space<vmem>>
    %dma_wait3A_674 = tpu.memref_squeeze %dma_wait3A_673 : memref<1x1600x32xf32, #tpu.memory_space<vmem>> -> memref<1600x32xf32, #tpu.memory_space<vmem>>
    %dma_wait3A_675 = arith.constant 0 : i32
    %dma_wait3A_676 = tpu.memref_slice %arg5[%add3A_669, %dma_wait3A_675] : memref<3276800x32xf32, #tpu.memory_space<hbm>> -> memref<1600x32xf32, #tpu.memory_space<hbm>>
    %dma_wait3A_677 = arith.constant 0 : i32
    %dma_wait3A_678 = tpu.memref_slice %arg5[%add3A_669, %dma_wait3A_677] : memref<3276800x32xf32, #tpu.memory_space<hbm>> -> memref<1600x32xf32, #tpu.memory_space<hbm>>
    %dma_wait3A_679 = arith.constant 0 : i32
    %dma_wait3A_680 = arith.constant 0 : i32
    %dma_wait3A_681 = tpu.memref_slice %arg7[%dma_wait3A_670, %dma_wait3A_679, %dma_wait3A_680] : memref<2x1600x32xf32, #tpu.memory_space<vmem>> -> memref<1x1600x32xf32, #tpu.memory_space<vmem>>
    %dma_wait3A_682 = tpu.memref_squeeze %dma_wait3A_681 : memref<1x1600x32xf32, #tpu.memory_space<vmem>> -> memref<1600x32xf32, #tpu.memory_space<vmem>>
    tpu.wait_dma2 semaphore(%arg12 : memref<!tpu.dma_semaphore, #tpu.memory_space<semaphore_mem>>) src(%dma_wait3A_682 : memref<1600x32xf32, #tpu.memory_space<vmem>>) dst(%dma_wait3A_678 : memref<1600x32xf32, #tpu.memory_space<hbm>>)
    return
  }
}

</mosaic_0001>

<sc_bundles>
// kernel: kernel.3.cloned.1.call-start
scs
__scs_entry_jumppad:
0x0: {  	(pc) =	sbr.rel $0x88, $3  }
0x1: {  	(tag) =	ssettag $0x0;
	lr =	simm.s32 $0x1  }
0x2: {  	[smem:$0x3F9E] =	sst lr;
	_ =	strace $0xD0000000  }
0x3: {  	_ = 	snop  }
0x4: {  	_ = 	snop  }
0x5: {  	_ = 	snop  }
0x6: {  	_ = 	snop  }
0x7: {  	_ = 	snop  }
__scs_overlays_trampoline_lowered:
0x8: {  	[smem:$0x3FAD] =	sst s0  }
0x9: {  	[smem:$0x3FAE] =	sst s1  }
0xa: {  	[smem:$0x3FAF] =	sst s2  }
0xb: {  	[smem:$0x3FB0] =	sst s3  }
0xc: {  	[smem:$0x3FB1] =	sst s4  }
0xd: {  	[smem:$0x3FB2] =	sst s5  }
0xe: {  	[smem:$0x3FB3] =	sst s6  }
0xf: {  	[smem:$0x3FB4] =	sst s7  }
0x10: {  	[smem:$0x3FB5] =	sst s8  }
0x11: {  	[smem:$0x3FB6] =	sst s9;
	s0 =	simm.s32 @!p0 $0x0  }
0x12: {  	s1 =	sld [smem:$0x3F9C];
	s0 =	simm.s32 @p0 $0x1  }
0x13: {  	[smem:$0x3FB7] =	sst s0;
	s0 =	simm.s32 @!p1 $0x0  }
0x14: {  	s2 =	sld [smem:$0x3F9B];
	s0 =	simm.s32 @p1 $0x1  }
0x15: {  	[smem:$0x3FB8] =	sst s0;
	s0 =	simm.s32 @!p2 $0x0  }
0x16: {  	s3 =	sld [smem:$0x3FDB];
	s0 =	simm.s32 @p2 $0x1  }
0x17: {  	s4 =	simm.s32 $0x1BF5;
	[smem:$0x3FBA] =	sst s0  }
0x18: {  	s0 =	sld [smem:$0x3F9D];
	_ =	swait.ge [sflag:s4], $0x0  }
0x19: {  	s7 =	sld [smem:$0x3F9E]  }
0x1a: {  	s8 =	sadd.s32 $0xFFFFE003, lr  }
0x1b: {  	s9 =	sadd.s32 $0xFFFFFEF7, lr;
	s5 =	simm.s32 $0xFFFFFFFF;
	p2 =	slt.u32 s8, $0xFFFFF086  }
0x1c: {  	p1 =	slt.u32 s9, $0xF7A;
	s5 =	simm.s32 @!p2 $0x0  }
0x1d: {  	s5 =	simm.s32 @p1 $0x1;
	p0 =	seq.s32 s7, s2  }
0x1e: {  	s7 =	smul.u32 @!p0 $0xF7A, s2;
	p2 =	seq.s32 @!p0 s5, $0x0  }
0x1f: {  	s9 =	smul.u32 $0xF7A, s1;
	s8 =	simm.s32 @!p0 $0x1BF5;
	p2 =	por !p2, p0  }
0x20: {  	[sflag:s8] =	ssyncset.s32 @!p0 $0xFFFFF086;
	s6 =	sadd.s32 @!p0 s3, s7;
	s7 =	simm.s32 @!p0 $0x108  }
0x21: {  	s3 =	sadd.s32 s3, s9;
	s6 =	sadd.s32 @!p0 $0x88, s6;
	s7 =	simm.s32 @p2 $0x1082  }
0x22: {  	[simem:s7], [sflag:s8] =	dma.local @!p0 [hbm:s6], $0xF7A  }
0x23: {  	s9 =	sor.u32 $0xD0000000, s2;
	s6 =	simm.s32 $0x108;
	_ =	swait.ge @!p0 [sflag:s8], $0x0  }
0x24: {  	s3 =	sadd.s32 $0x88, s3;
	s6 =	simm.s32 @!p1 $0x1082;
	[sflag:s4] =	ssyncset.s32 $0xFFFFF086  }
0x25: {  	[simem:s6], [sflag:s4] =	dma.local [hbm:s3], $0xF7A  }
0x26: {  	[smem:$0x3F9E] =	sst s1;
	(tag) =	ssettag s2;
	_ =	strace s9  }
0x27: {  	s1 =	sld [smem:$0x3FAE]  }
0x28: {  	s2 =	sld [smem:$0x3FAF]  }
0x29: {  	s4 =	sld [smem:$0x3FB1]  }
0x2a: {  	p0 =	seq.s32 s5, $0x0;
	s5 =	sld [smem:$0x3FB2]  }
0x2b: {  	s6 =	sld [smem:$0x3FB3]  }
0x2c: {  	s7 =	sld [smem:$0x3FB4]  }
0x2d: {  	s3 =	simm.s32 $0x108;
	s8 =	sld [smem:$0x3FB5]  }
0x2e: {  	s3 =	simm.s32 @!p0 $0x1082;
	s9 =	sld [smem:$0x3FB6]  }
0x2f: {  	lr =	sadd.s32 s0, s3;
	s0 =	sld [smem:$0x3FAD]  }
0x30: {  	s3 =	sld [smem:$0x3FB0]  }
0x31: {  	[smem:$0x3FB9] =	sst s10  }
0x32: {  	s10 =	sld [smem:$0x3FB7];
	_ =	sdelay $0x3  }
0x33: {  	p0 =	seq.s32 s10, $0x1;
	s10 =	sld [smem:$0x3FB9];
	_ =	sdelay $0x3  }
0x34: {  	[smem:$0x3FB9] =	sst s10  }
0x35: {  	s10 =	sld [smem:$0x3FB8];
	_ =	sdelay $0x3  }
0x36: {  	p1 =	seq.s32 s10, $0x1;
	s10 =	sld [smem:$0x3FB9];
	_ =	sdelay $0x3  }
0x37: {  	[smem:$0x3FB9] =	sst s10  }
0x38: {  	s10 =	sld [smem:$0x3FBA]  }
0x39: {  	_ = 	snop;
	(pc) =	sbr.ind lr, $3  }
0x3a: {  	_ = 	snop  }
0x3b: {  	_ = 	snop  }
0x3c: {  	p2 =	seq.s32 s10, $0x1;
	s10 =	sld [smem:$0x3FB9]  }
0x3d: {  	_ =	shalt  }
0x3e: {  	_ =	shalt  }
0x3f: {  	_ =	shalt  }
0x40: {  	_ =	shalt  }
0x41: {  	_ =	shalt  }
0x42: {  	_ =	shalt  }
0x43: {  	_ =	shalt  }
0x44: {  	_ =	shalt  }
0x45: {  	_ =	shalt  }
0x46: {  	_ =	shalt  }
0x47: {  	_ =	shalt  }
0x48: {  	_ =	shalt  }
0x49: {  	_ =	shalt  }
0x4a: {  	_ =	shalt  }
0x4b: {  	_ =	shalt  }
0x4c: {  	_ =	shalt  }
0x4d: {  	_ =	shalt  }
0x4e: {  	_ =	shalt  }
0x4f: {  	_ =	shalt  }
0x50: {  	_ =	shalt  }
0x51: {  	_ =	shalt  }
0x52: {  	_ =	shalt  }
0x53: {  	_ =	shalt  }
0x54: {  	_ =	shalt  }
0x55: {  	_ =	shalt  }
0x56: {  	_ =	shalt  }
0x57: {  	_ =	shalt  }
0x58: {  	_ =	shalt  }
0x59: {  	_ =	shalt  }
0x5a: {  	_ =	shalt  }
0x5b: {  	_ =	shalt  }
0x5c: {  	_ =	shalt  }
0x5d: {  	_ =	shalt  }
0x5e: {  	_ =	shalt  }
0x5f: {  	_ =	shalt  }
0x60: {  	_ =	shalt  }
0x61: {  	_ =	shalt  }
0x62: {  	_ =	shalt  }
0x63: {  	_ =	shalt  }
0x64: {  	_ =	shalt  }
0x65: {  	_ =	shalt  }
0x66: {  	_ =	shalt  }
0x67: {  	_ =	shalt  }
0x68: {  	_ =	shalt  }
0x69: {  	_ =	shalt  }
0x6a: {  	_ =	shalt  }
0x6b: {  	_ =	shalt  }
0x6c: {  	_ =	shalt  }
0x6d: {  	_ =	shalt  }
0x6e: {  	_ =	shalt  }
0x6f: {  	_ =	shalt  }
0x70: {  	_ =	shalt  }
0x71: {  	_ =	shalt  }
0x72: {  	_ =	shalt  }
0x73: {  	_ =	shalt  }
0x74: {  	_ =	shalt  }
0x75: {  	_ =	shalt  }
0x76: {  	_ =	shalt  }
0x77: {  	_ =	shalt  }
0x78: {  	_ =	shalt  }
0x79: {  	_ =	shalt  }
0x7a: {  	_ =	shalt  }
0x7b: {  	_ =	shalt  }
0x7c: {  	_ =	shalt  }
0x7d: {  	_ =	shalt  }
0x7e: {  	_ =	shalt  }
0x7f: {  	_ =	shalt  }
0x80: {  	_ =	shalt  }
0x81: {  	_ =	shalt  }
0x82: {  	_ =	shalt  }
0x83: {  	_ =	shalt  }
0x84: {  	_ =	shalt  }
0x85: {  	_ =	shalt  }
0x86: {  	_ =	shalt  }
0x87: {  	_ =	shalt  }
.Lfunc_end0:
.L_simem_size_0:
called_computation.1_lowered:
.L_overlay_start_0:
0x88: {  	s2 =	sld [smem:$0x3FD9]  }
0x89: {  	s3 =	sld [smem:$0x3FFE];
	_ =	sdelay $0x1  }
0x8a: {  	s1 =	srdreg.scid  }
0x8b: {  	s0 =	sand.u32 $0x1, s1  }
0x8c: {  	s17 =	sshll.u32 s0, $0xA;
	s2 =	sadd.s32 s3, s2  }
0x8d: {  	s2 =	sadd.s32 s2, s17  }
0x8e: {  	[smem:$0x3FC5] =	sst s2  }
0x8f: {  	_ = 	snop  }
0x90: {  	s2 =	sld [smem:$0x3FD0];
	(tm) =	ssettm $0x1  }
0x91: {  	s18 =	sld [smem:$0x3FFB];
	_ =	sdelay $0x3  }
0x92: {  	_ =	strace s18  }
0x93: {  	s3 =	sld [smem:$0x3FFC];
	_ =	sdelay $0x3  }
0x94: {  	_ =	strace s3  }
0x95: {  	s3 =	sld [smem:$0x3FFD];
	_ =	sdelay $0x3  }
0x96: {  	_ =	strace s3  }
0x97: {  	_ =	strace $0x8FFFFFFF  }
0x98: {  	s19 =	sld [smem:$0x3FDB];
	_ =	sdelay $0x1  }
0x99: {  	s4 =	simm.s32 $_scs_section_size  }
0x9a: {  	s5 =	simm.s32 $_size__tile_overlayer_lowered;
	s6 =	simm.s32 $_tile_overlayer_lowered  }
0x9b: {  	s22 =	simm.s32 $0x1BFF;
	s21 =	sshll.u32 s6, $0x1;
	s3 =	sadd.s32 s4, s19  }
0x9c: {  	s7 =	simm.s32 $0x0;
	s20 =	sshll.u32 s5, $0x1;
	s5 =	sadd.s32 s21, s3  }
0x9d: {  	[timem:s7], [sflag:s22] =	dma.local [hbm:s5], s20  }
0x9e: {  	_ =	swait.ge [sflag:s22], s20  }
0x9f: {  	s4 =	ssub.s32 $0x0, s20;
	[sflag:s22] =	ssyncset.done $0x0  }
0xa0: {  	[sflag:s22] =	ssyncadd.s32 s4;
	_ =	sdelay $0x1  }
0xa1: {  	s23 =	simm.s32 $0x1B8B  }
0xa2: {  	_ =	swait.ge [sflag:s23], $0x1  }
0xa3: {  	[sflag:s23] =	ssyncset.done $0x0  }
0xa4: {  	s25 =	simm.s32 $0x1B8E;
	s24 =	sld [smem:$0x3FFE];
	[sflag:s23] =	ssyncadd.s32 $0xFFFFFFFF  }
0xa5: {  	s26 =	simm.s32 $execute0_lowered;
	[smem:$0x3FD2] =	sst s25  }
0xa6: {  	s5 =	sshll.u32 s26, $0x1;
	_ =	strace $0x80000046;
	[dreg:$0x1] =	wrdreg $0xFFFFFFFF  }
0xa7: {  	s28 =	simm.s32 $_size_execute0_lowered;
	s3 =	sadd.s32 s3, s5;
	[dreg:$0x0] =	wrdreg $0x0  }
0xa8: {  	s5 =	sshll.u32 s28, $0x1;
	[dreg:$0x2] =	wrdreg s3  }
0xa9: {  	[dreg:$0x3] =	wrdreg s5  }
0xaa: {  	[dreg:$0x4] =	wrdreg $0xC0  }
0xab: {  	_ =	task [dreg:s7], $0x5FFFF  }
0xac: {  	[dreg:$0x1] =	wrdreg $0xFFFFFFFF  }
0xad: {  	[dreg:$0x0] =	wrdreg $0x60  }
0xae: {  	[dreg:$0x2] =	wrdreg s24  }
0xaf: {  	[dreg:$0x3] =	wrdreg s2  }
0xb0: {  	[dreg:$0x4] =	wrdreg $0x9  }
0xb1: {  	_ =	task.clear_ibuf [dreg:s7], $0x5FFFF;
	_ =	strace $0x90000046  }
0xb2: {  	s29 =	simm.s32 $0x9;
	_ =	strace $0x80000048  }
0xb3: {  	_ =	swait.ge [sflag:s29], $0x1  }
0xb4: {  	[sflag:s29] =	ssyncadd.s32 $0xFFFFFFFF  }
0xb5: {  	_ =	strace $0x90000048  }
0xb6: {  	_ =	sfence  }
0xb7: {  	s30 =	sld [smem:$0x0];
	_ =	sdelay $0x2  }
0xb8: {  	s31 =	sshll.u32 s1, $0xD;
	s1 =	sshrl.u32 s1, $0x2  }
0xb9: {  	s3 =	sand.u32 $0x4000, s31;
	s1 =	sadd.s32 s1, s30  }
0xba: {  	s0 =	sor.u32 s3, s0;
	s1 =	sshll.u32 s1, $0x11  }
0xbb: {  	s0 =	sor.u32 s1, s0  }
0xbc: {  	s0 =	sadd.s32 $0x8F2B, s0  }
0xbd: {  	[sflag:s0] =	ssyncadd.remote.s32 $0x1  }
0xbe: {  	_ =	sfence.sel $0xFFFF  }
0xbf: {  	[dreg:$0x0] =	wrdreg $0xFFFFFFFF;
	(pc) =	sbr.abs _section_cstart, $3  }
0xc0: {  	[dreg:$0x1] =	wrdreg $0xFFFFFFFF  }
0xc1: {  	_ =	task.clear_ibuf [dreg:s7], $0x2FFFF;
	_ =	strace $0x9FFFFFFF  }
0xc2: {  	(tm) =	ssettm $0x7FFFFFFF  }
0xc3: {  	_ =	shalt  }
tec
execute0_lowered:
.L_overlay_start_1:
0x0: {  	(tag) =	ssettag $0x1  }
0x1: {  	s0 =	rddreg [dreg:$0x0]  }
0x2: {  	s2 =	rddreg [dreg:$0x1];
	s1 =	srdreg.scid  }
0x3: {  	s4 =	stileid.u32;
	s3 =	simm.s32 $0x0;
	s15 =	simm.s32 $0x5  }
0x4: {  	s16 =	simm.s32 $0x64;
	s14 =	simm.s32 $0xD500;
	s19 =	simm.s32 $0xAF8  }
0x5: {  	s20 =	simm.s32 $0x15E80;
	s21 =	simm.s32 $0xB60;
	s22 =	simm.s32 $0x16B00  }
0x6: {  	s23 =	simm.s32 $0xBC8;
	s28 =	simm.s32 $0xC98;
	s29 =	simm.s32 $0x19080  }
0x7: {  	s30 =	simm.s32 $0x1;
	s31 =	simm.s32 $0x2;
	s1 =	sand.u32 $0x1, s1  }
0x8: {  	s4 =	sshll.u32 s4, $0x1;
	[smem:$0x7FF] =	sst s3;
	s5 =	sadd.s32 $0x69C00, s0  }
0x9: {  	s6 =	sor.u32 s1, s4;
	_ =	strace $0x80000047;
	s4 =	sadd.s32 $0x1C00, s0  }
0xa: {  	s0 =	sadd.s32 $0x1800, s0;
	s24 =	ssub.s32 $0x2, s1;
	s8 =	smul.u32 $0x3400, s6  }
0xb: {  	[dreg:$0x3] =	wrdreg s0;
	s1 =	sshrl.u32 s24, $0x1;
	s25 =	sshll.u32 s6, $0xA  }
0xc: {  	s7 =	smul.u32 $0x19000, s6;
	s0 =	ssub.s32 s24, s1;
	s10 =	sor.u32 $0x20, s25  }
.Ltmp0:
0xd: {  	s12 =	sor.u32 $0x30, s25;
	s1 =	simm.s32 $0x680;
	(pc) =	sbr.rel .LBB2_1-.Ltmp0, $4  }
0xe: {  	s24 =	simm.s32 $0x17780;
	s25 =	simm.s32 $0xC30;
	s8 =	sadd.s32 s4, s8  }
0xf: {  	s11 =	sor.u32 $0x640, s7;
	s0 =	smax.u32 s0, $0x1;
	[dreg:$0x4] =	wrdreg s8  }
0x10: {  	s26 =	sadd.s32 $0xD0, s8;
	[dreg:$0x6] =	wrdreg s0;
	s0 =	simm.s32 $0x4  }
0x11: {  	s8 =	simm.s32 $0x0;
	[dreg:$0x5] =	wrdreg s26;
	s26 =	simm.s32 $0x18400  }
.LBB2_8:
0x12: {  	s6 =	simm.s32 $0x3  }
0x13: {  	_ =	swait.ge [sflag:s6], $0xC800  }
0x14: {  	[sflag:s6] =	ssyncset.done $0x0  }
0x15: {  	[sflag:s6] =	ssyncadd.s32 $0xFFFF3800  }
0x16: {  	_ =	swait.ge [sflag:s0], $0xC800  }
0x17: {  	s8 =	rddreg [dreg:$0x7]  }
0x18: {  	s18 =	rddreg [dreg:$0x6];
	s8 =	sadd.s32 $0x1, s8  }
0x19: {  	p0 =	sne.s32 s8, s18  }
.Ltmp1:
0x1a: {  	_ = 	snop;
	(pc) =	sbr.rel @!p0 .LBB2_9-.Ltmp1, $3  }
0x1b: {  	_ =	sdelay $0x1  }
0x1c: {  	[sflag:s0] =	ssyncset.done $0x0  }
0x1d: {  	[sflag:s0] =	ssyncadd.s32 $0xFFFF3800  }
.LBB2_1:
0x1e: {  	[dreg:$0x7] =	wrdreg s8  }
0x1f: {  	s6 =	rddreg [dreg:$0x3];
	s18 =	simm.s32 $0x19D00  }
0x20: {  	[tilespmem:s18], [sflag:$0x5] =	stream.linear.gather [hbm4b:s6+s3], $0x1900, $0x38;
	[tilespmem:$0x1B600] =	vst v63  }
0x21: {  	_ =	swait.ge [sflag:s15], $0x1900  }
0x22: {  	[sflag:s15] =	ssyncset.done $0x0  }
0x23: {  	s9 =	rddreg [dreg:$0x4];
	[sflag:s15] =	ssyncadd.s32 $0xFFFFE700  }
0x24: {  	[tilespmem:s3], [sflag:$0x5] =	stream.linear.gather [hbm4b:s9+s3], $0x680, $0x38;
	[tilespmem:$0x1B600] =	vst v63  }
0x25: {  	_ =	swait.ge [sflag:s15], $0x680  }
0x26: {  	[sflag:s15] =	ssyncset.done $0x0  }
0x27: {  	s13 =	simm.s32 $0xD00;
	[sflag:s15] =	ssyncadd.s32 $0xFFFFF980  }
0x28: {  	[tilespmem:s13], [sflag:$0x1] =	stream.indirect.gather [hbm4b:s5+s16], $0x20, s3, s16, $0xb8;
	[tilespmem:$0x1B600] =	vst v63  }
0x29: {  	s17 =	simm.s32 $0x68;
	s18 =	simm.s32 $0x1980  }
0x2a: {  	[tilespmem:s18], [sflag:$0x1] =	stream.indirect.gather [hbm4b:s5+s16], $0x20, s17, s16, $0xb8;
	[tilespmem:$0x1B600] =	vst v63  }
0x2b: {  	s9 =	simm.s32 $0xD0;
	s13 =	simm.s32 $0x2600  }
0x2c: {  	[tilespmem:s13], [sflag:$0x1] =	stream.indirect.gather [hbm4b:s5+s16], $0x20, s9, s16, $0xb8;
	[tilespmem:$0x1B600] =	vst v63  }
0x2d: {  	s17 =	simm.s32 $0x138;
	s18 =	simm.s32 $0x3280  }
0x2e: {  	[tilespmem:s18], [sflag:$0x1] =	stream.indirect.gather [hbm4b:s5+s16], $0x20, s17, s16, $0xb8;
	[tilespmem:$0x1B600] =	vst v63  }
0x2f: {  	s9 =	simm.s32 $0x1A0;
	s13 =	simm.s32 $0x3F00  }
0x30: {  	[tilespmem:s13], [sflag:$0x1] =	stream.indirect.gather [hbm4b:s5+s16], $0x20, s9, s16, $0xb8;
	[tilespmem:$0x1B600] =	vst v63  }
0x31: {  	s17 =	simm.s32 $0x208;
	s18 =	simm.s32 $0x4B80  }
0x32: {  	[tilespmem:s18], [sflag:$0x1] =	stream.indirect.gather [hbm4b:s5+s16], $0x20, s17, s16, $0xb8;
	[tilespmem:$0x1B600] =	vst v63  }
0x33: {  	s9 =	simm.s32 $0x270;
	s13 =	simm.s32 $0x5800  }
0x34: {  	[tilespmem:s13], [sflag:$0x1] =	stream.indirect.gather [hbm4b:s5+s16], $0x20, s9, s16, $0xb8;
	[tilespmem:$0x1B600] =	vst v63  }
0x35: {  	s17 =	simm.s32 $0x2D8;
	s18 =	simm.s32 $0x6480  }
0x36: {  	[tilespmem:s18], [sflag:$0x1] =	stream.indirect.gather [hbm4b:s5+s16], $0x20, s17, s16, $0xb8;
	[tilespmem:$0x1B600] =	vst v63  }
0x37: {  	s9 =	simm.s32 $0x340;
	s13 =	simm.s32 $0x7100  }
0x38: {  	[tilespmem:s13], [sflag:$0x1] =	stream.indirect.gather [hbm4b:s5+s16], $0x20, s9, s16, $0xb8;
	[tilespmem:$0x1B600] =	vst v63  }
0x39: {  	s17 =	simm.s32 $0x3A8;
	s18 =	simm.s32 $0x7D80  }
0x3a: {  	[tilespmem:s18], [sflag:$0x1] =	stream.indirect.gather [hbm4b:s5+s16], $0x20, s17, s16, $0xb8;
	[tilespmem:$0x1B600] =	vst v63  }
0x3b: {  	s9 =	simm.s32 $0x410;
	s13 =	simm.s32 $0x8A00  }
0x3c: {  	[tilespmem:s13], [sflag:$0x1] =	stream.indirect.gather [hbm4b:s5+s16], $0x20, s9, s16, $0xb8;
	[tilespmem:$0x1B600] =	vst v63  }
0x3d: {  	s17 =	simm.s32 $0x478;
	s18 =	simm.s32 $0x9680  }
0x3e: {  	[tilespmem:s18], [sflag:$0x1] =	stream.indirect.gather [hbm4b:s5+s16], $0x20, s17, s16, $0xb8;
	[tilespmem:$0x1B600] =	vst v63  }
0x3f: {  	s9 =	simm.s32 $0x4E0;
	s13 =	simm.s32 $0xA300  }
0x40: {  	[tilespmem:s13], [sflag:$0x1] =	stream.indirect.gather [hbm4b:s5+s16], $0x20, s9, s16, $0xb8;
	[tilespmem:$0x1B600] =	vst v63  }
0x41: {  	s17 =	simm.s32 $0x548;
	s18 =	simm.s32 $0xAF80  }
0x42: {  	[tilespmem:s18], [sflag:$0x1] =	stream.indirect.gather [hbm4b:s5+s16], $0x20, s17, s16, $0xb8;
	[tilespmem:$0x1B600] =	vst v63  }
0x43: {  	s9 =	simm.s32 $0x5B0;
	s13 =	simm.s32 $0xBC00  }
0x44: {  	[tilespmem:s13], [sflag:$0x1] =	stream.indirect.gather [hbm4b:s5+s16], $0x20, s9, s16, $0xb8;
	[tilespmem:$0x1B600] =	vst v63  }
0x45: {  	s17 =	simm.s32 $0x618;
	s18 =	simm.s32 $0xC880  }
0x46: {  	[tilespmem:s18], [sflag:$0x1] =	stream.indirect.gather [hbm4b:s5+s16], $0x20, s17, s16, $0xb8;
	[tilespmem:$0x1B600] =	vst v63  }
0x47: {  	s8 =	rddreg [dreg:$0x5]  }
0x48: {  	[tilespmem:s1], [sflag:$0x5] =	stream.linear.gather [hbm4b:s8+s3], $0x680, $0x38;
	[tilespmem:$0x1B600] =	vst v63  }
0x49: {  	_ =	swait.ge [sflag:s15], $0x680  }
0x4a: {  	[sflag:s15] =	ssyncset.done $0x0  }
0x4b: {  	[sflag:s15] =	ssyncadd.s32 $0xFFFFF980  }
0x4c: {  	[tilespmem:s14], [sflag:$0x2] =	stream.indirect.gather [hbm4b:s5+s16], $0x20, s1, s16, $0xb8;
	[tilespmem:$0x1B600] =	vst v63  }
0x4d: {  	s9 =	simm.s32 $0x6E8;
	s13 =	simm.s32 $0xE180  }
0x4e: {  	[tilespmem:s13], [sflag:$0x2] =	stream.indirect.gather [hbm4b:s5+s16], $0x20, s9, s16, $0xb8;
	[tilespmem:$0x1B600] =	vst v63  }
0x4f: {  	s17 =	simm.s32 $0x750;
	s18 =	simm.s32 $0xEE00  }
0x50: {  	[tilespmem:s18], [sflag:$0x2] =	stream.indirect.gather [hbm4b:s5+s16], $0x20, s17, s16, $0xb8;
	[tilespmem:$0x1B600] =	vst v63  }
0x51: {  	s9 =	simm.s32 $0x7B8;
	s13 =	simm.s32 $0xFA80  }
0x52: {  	[tilespmem:s13], [sflag:$0x2] =	stream.indirect.gather [hbm4b:s5+s16], $0x20, s9, s16, $0xb8;
	[tilespmem:$0x1B600] =	vst v63  }
0x53: {  	s17 =	simm.s32 $0x820;
	s18 =	simm.s32 $0x10700  }
0x54: {  	[tilespmem:s18], [sflag:$0x2] =	stream.indirect.gather [hbm4b:s5+s16], $0x20, s17, s16, $0xb8;
	[tilespmem:$0x1B600] =	vst v63  }
0x55: {  	s9 =	simm.s32 $0x888;
	s13 =	simm.s32 $0x11380  }
0x56: {  	[tilespmem:s13], [sflag:$0x2] =	stream.indirect.gather [hbm4b:s5+s16], $0x20, s9, s16, $0xb8;
	[tilespmem:$0x1B600] =	vst v63  }
0x57: {  	s17 =	simm.s32 $0x8F0;
	s18 =	simm.s32 $0x12000  }
0x58: {  	[tilespmem:s18], [sflag:$0x2] =	stream.indirect.gather [hbm4b:s5+s16], $0x20, s17, s16, $0xb8;
	[tilespmem:$0x1B600] =	vst v63  }
0x59: {  	s9 =	simm.s32 $0x958;
	s13 =	simm.s32 $0x12C80  }
0x5a: {  	[tilespmem:s13], [sflag:$0x2] =	stream.indirect.gather [hbm4b:s5+s16], $0x20, s9, s16, $0xb8;
	[tilespmem:$0x1B600] =	vst v63  }
0x5b: {  	s17 =	simm.s32 $0x9C0;
	s18 =	simm.s32 $0x13900  }
0x5c: {  	[tilespmem:s18], [sflag:$0x2] =	stream.indirect.gather [hbm4b:s5+s16], $0x20, s17, s16, $0xb8;
	[tilespmem:$0x1B600] =	vst v63  }
0x5d: {  	s9 =	simm.s32 $0xA28;
	s13 =	simm.s32 $0x14580  }
0x5e: {  	[tilespmem:s13], [sflag:$0x2] =	stream.indirect.gather [hbm4b:s5+s16], $0x20, s9, s16, $0xb8;
	[tilespmem:$0x1B600] =	vst v63  }
0x5f: {  	s17 =	simm.s32 $0xA90;
	s18 =	simm.s32 $0x15200  }
0x60: {  	[tilespmem:s18], [sflag:$0x2] =	stream.indirect.gather [hbm4b:s5+s16], $0x20, s17, s16, $0xb8;
	[tilespmem:$0x1B600] =	vst v63  }
0x61: {  	_ = 	snop  }
0x62: {  	[tilespmem:s20], [sflag:$0x2] =	stream.indirect.gather [hbm4b:s5+s16], $0x20, s19, s16, $0xb8;
	[tilespmem:$0x1B600] =	vst v63  }
0x63: {  	_ = 	snop  }
0x64: {  	[tilespmem:s22], [sflag:$0x2] =	stream.indirect.gather [hbm4b:s5+s16], $0x20, s21, s16, $0xb8;
	[tilespmem:$0x1B600] =	vst v63  }
0x65: {  	_ = 	snop  }
0x66: {  	[tilespmem:s24], [sflag:$0x2] =	stream.indirect.gather [hbm4b:s5+s16], $0x20, s23, s16, $0xb8;
	[tilespmem:$0x1B600] =	vst v63  }
0x67: {  	_ = 	snop  }
0x68: {  	[tilespmem:s26], [sflag:$0x2] =	stream.indirect.gather [hbm4b:s5+s16], $0x20, s25, s16, $0xb8;
	[tilespmem:$0x1B600] =	vst v63  }
0x69: {  	s6 =	simm.s32 $0x0  }
0x6a: {  	[tilespmem:s29], [sflag:$0x2] =	stream.indirect.gather [hbm4b:s5+s16], $0x20, s28, s16, $0xb8;
	[tilespmem:$0x1B600] =	vst v63  }
.LBB2_2:
0x6b: {  	_ =	swait.ge [sflag:s30], $0xC800  }
0x6c: {  	[sflag:s30] =	ssyncset.done $0x0  }
0x6d: {  	s9 =	simm.s32 $0x0;
	[sflag:s30] =	ssyncadd.s32 $0xFFFF3800  }
0x6e: {  	v1 =	vld [tilespmem:s9+$0x19D00]  }
0x6f: {  	v0 =	vld [tilespmem:s9+$0x19D10]  }
0x70: {  	v2 =	vld [tilespmem:s9+$0xD00]  }
0x71: {  	v3 =	vld [tilespmem:s9+$0xD10]  }
0x72: {  	v4 =	vld [tilespmem:s9+$0x2600]  }
0x73: {  	v5 =	vld [tilespmem:s9+$0x2610]  }
0x74: {  	v6 =	vld [tilespmem:s9+$0x3F00]  }
0x75: {  	v7 =	vld [tilespmem:s9+$0x3F10];
	v2 =	vadd.f32 v2, v1  }
0x76: {  	v8 =	vld [tilespmem:s9+$0x5800];
	v3 =	vadd.f32 v3, v0  }
0x77: {  	v9 =	vld [tilespmem:s9+$0x5810];
	[tilespmem:s9+$0xD00] =	vst v2;
	v2 =	vadd.f32 v4, v1  }
0x78: {  	v10 =	vld [tilespmem:s9+$0x7100];
	[tilespmem:s9+$0xD10] =	vst v3;
	v3 =	vadd.f32 v5, v0  }
0x79: {  	v11 =	vld [tilespmem:s9+$0x7110];
	[tilespmem:s9+$0x2600] =	vst v2;
	v2 =	vadd.f32 v6, v1  }
0x7a: {  	v4 =	vadd.f32 v7, v0;
	[tilespmem:s9+$0x2610] =	vst v3;
	v3 =	vld [tilespmem:s9+$0x8A00]  }
0x7b: {  	v5 =	vadd.f32 v8, v1;
	[tilespmem:s9+$0x3F00] =	vst v2;
	v2 =	vld [tilespmem:s9+$0x8A10]  }
0x7c: {  	[tilespmem:s9+$0x3F10] =	vst v4;
	v4 =	vld [tilespmem:s9+$0xA300];
	v6 =	vadd.f32 v9, v0  }
0x7d: {  	v8 =	vadd.f32 v10, v1;
	[tilespmem:s9+$0x5800] =	vst v5;
	v5 =	vld [tilespmem:s9+$0xA310]  }
0x7e: {  	s8 =	simm.s32 $0x80;
	v7 =	vadd.f32 v11, v0;
	[tilespmem:s9+$0x5810] =	vst v6;
	v6 =	vld [tilespmem:s9+$0xBC00]  }
.LBB2_3:
0x7f: {  	s13 =	sshra.s32 s8, $0x2;
	p0 =	sne.s32 s8, $0x6380;
	[tilespmem:s9+$0x7100] =	vst v8;
	v3 =	vadd.f32 v3, v1;
	v8 =	vld [tilespmem:s9+$0xBC10]  }
0x80: {  	v9 =	vld [tilespmem:s13+$0x19D00];
	[tilespmem:s9+$0x7110] =	vst v7;
	v2 =	vadd.f32 v2, v0  }
0x81: {  	v7 =	vld [tilespmem:s13+$0x19D10];
	[tilespmem:s9+$0x8A00] =	vst v3;
	v3 =	vadd.f32 v4, v1  }
0x82: {  	v4 =	vld [tilespmem:s13+$0xD00];
	[tilespmem:s9+$0x8A10] =	vst v2;
	v2 =	vadd.f32 v5, v0  }
0x83: {  	v5 =	vld [tilespmem:s13+$0xD10];
	[tilespmem:s9+$0xA300] =	vst v3;
	v6 =	vadd.f32 v6, v1  }
0x84: {  	v3 =	vld [tilespmem:s13+$0x2600];
	[tilespmem:s9+$0xA310] =	vst v2;
	v8 =	vadd.f32 v8, v0  }
0x85: {  	v2 =	vld [tilespmem:s13+$0x2610];
	[tilespmem:s9+$0xBC00] =	vst v6;
	v1 =	vmov v9  }
0x86: {  	v6 =	vld [tilespmem:s13+$0x3F00];
	[tilespmem:s9+$0xBC10] =	vst v8;
	v0 =	vmov v7;
	s9 =	smov.u32 s13  }
0x87: {  	v4 =	vadd.f32 v4, v1;
	v7 =	vld [tilespmem:s9+$0x3F10]  }
0x88: {  	v5 =	vadd.f32 v5, v0;
	v8 =	vld [tilespmem:s9+$0x5800]  }
0x89: {  	[tilespmem:s9+$0xD00] =	vst v4;
	v3 =	vadd.f32 v3, v1;
	v4 =	vld [tilespmem:s9+$0x5810]  }
0x8a: {  	[tilespmem:s9+$0xD10] =	vst v5;
	v2 =	vadd.f32 v2, v0;
	v5 =	vld [tilespmem:s9+$0x7100]  }
0x8b: {  	[tilespmem:s9+$0x2600] =	vst v3;
	v6 =	vadd.f32 v6, v1;
	v9 =	vld [tilespmem:s9+$0x7110]  }
.Ltmp2:
0x8c: {  	[tilespmem:s9+$0x2610] =	vst v2;
	v7 =	vadd.f32 v7, v0;
	v3 =	vld [tilespmem:s9+$0x8A00];
	(pc) =	sbr.rel @p0 .LBB2_3-.Ltmp2, $4  }
0x8d: {  	[tilespmem:s9+$0x3F00] =	vst v6;
	v6 =	vadd.f32 v8, v1;
	v2 =	vld [tilespmem:s9+$0x8A10]  }
0x8e: {  	[tilespmem:s9+$0x3F10] =	vst v7;
	v7 =	vadd.f32 v4, v0;
	v4 =	vld [tilespmem:s9+$0xA300]  }
0x8f: {  	[tilespmem:s9+$0x5800] =	vst v6;
	v8 =	vadd.f32 v5, v1;
	v5 =	vld [tilespmem:s9+$0xA310]  }
0x90: {  	s8 =	sadd.s32 $0x80, s8;
	[tilespmem:s9+$0x5810] =	vst v7;
	v7 =	vadd.f32 v9, v0;
	v6 =	vld [tilespmem:s9+$0xBC00]  }
0x91: {  	[tilespmem:s9+$0x7100] =	vst v8;
	v3 =	vadd.f32 v3, v1;
	v8 =	vld [tilespmem:s9+$0xBC10]  }
0x92: {  	[tilespmem:s9+$0x7110] =	vst v7;
	v2 =	vadd.f32 v2, v0  }
0x93: {  	[tilespmem:s9+$0x8A00] =	vst v3;
	v3 =	vadd.f32 v4, v1  }
0x94: {  	s13 =	smul.u32 $0xC80, s6;
	[tilespmem:s9+$0x8A10] =	vst v2;
	v2 =	vadd.f32 v5, v0  }
0x95: {  	[tilespmem:s9+$0xA300] =	vst v3;
	v1 =	vadd.f32 v6, v1  }
0x96: {  	s8 =	sadd.s32 s7, s13;
	[tilespmem:s9+$0xA310] =	vst v2;
	v0 =	vadd.f32 v8, v0  }
0x97: {  	s18 =	simm.s32 $0xD00;
	s8 =	sshll.u32 s8, $0x2;
	[tilespmem:s9+$0xBC00] =	vst v1  }
0x98: {  	p0 =	seq.s32 s6, $0x1F;
	s8 =	sadd.s32 s2, s8;
	[tilespmem:s9+$0xBC10] =	vst v0;
	s9 =	sshll.u32 s6, $0x5  }
0x99: {  	[hbm4b:s8+s3] =	stream.linear.scatter [tilespmem:s18], [sflag:$0x3], $0xC800, $0x38;
	[tilespmem:$0x1B600] =	vst v63  }
0x9a: {  	s8 =	simm.s32 @!p0 $0x3;
	s17 =	sadd.s32 @!p0 s9, s10  }
0x9b: {  	_ =	swait.ge @!p0 [sflag:s8], $0xC800;
	s17 =	smul.u32 @!p0 $0xD, s17  }
0x9c: {  	[sflag:s8] =	ssyncset.done @!p0 $0x0  }
0x9d: {  	[sflag:s8] =	ssyncadd.s32 @!p0 $0xFFFF3800;
	s8 =	sadd.s32 @!p0 s4, s17;
	s17 =	simm.s32 @!p0 $0x0  }
0x9e: {  	[tilespmem:s17], [sflag:$0x5] =	stream.linear.gather @!p0 [hbm4b:s8+s17], $0x680, $0x38;
	[tilespmem:$0x1B600] =	vst v63  }
0x9f: {  	s8 =	simm.s32 @!p0 $0x5  }
0xa0: {  	_ =	swait.ge @!p0 [sflag:s8], $0x680  }
0xa1: {  	[sflag:s8] =	ssyncset.done @!p0 $0x0  }
0xa2: {  	s18 =	simm.s32 @!p0 $0xD00;
	[sflag:s8] =	ssyncadd.s32 @!p0 $0xFFFFF980;
	s8 =	simm.s32 @!p0 $0x64  }
0xa3: {  	[tilespmem:s18], [sflag:$0x1] =	stream.indirect.gather @!p0 [hbm4b:s5+s8], $0x20, s17, s8, $0xb8;
	[tilespmem:$0x1B600] =	vst v63  }
0xa4: {  	s17 =	simm.s32 @!p0 $0x68;
	s18 =	simm.s32 @!p0 $0x1980  }
0xa5: {  	[tilespmem:s18], [sflag:$0x1] =	stream.indirect.gather @!p0 [hbm4b:s5+s8], $0x20, s17, s8, $0xb8;
	[tilespmem:$0x1B600] =	vst v63  }
0xa6: {  	s17 =	simm.s32 @!p0 $0xD0;
	s18 =	simm.s32 @!p0 $0x2600  }
0xa7: {  	[tilespmem:s18], [sflag:$0x1] =	stream.indirect.gather @!p0 [hbm4b:s5+s8], $0x20, s17, s8, $0xb8;
	[tilespmem:$0x1B600] =	vst v63  }
0xa8: {  	s17 =	simm.s32 @!p0 $0x138;
	s18 =	simm.s32 @!p0 $0x3280  }
0xa9: {  	[tilespmem:s18], [sflag:$0x1] =	stream.indirect.gather @!p0 [hbm4b:s5+s8], $0x20, s17, s8, $0xb8;
	[tilespmem:$0x1B600] =	vst v63  }
0xaa: {  	s17 =	simm.s32 @!p0 $0x1A0;
	s18 =	simm.s32 @!p0 $0x3F00  }
0xab: {  	[tilespmem:s18], [sflag:$0x1] =	stream.indirect.gather @!p0 [hbm4b:s5+s8], $0x20, s17, s8, $0xb8;
	[tilespmem:$0x1B600] =	vst v63  }
0xac: {  	s17 =	simm.s32 @!p0 $0x208;
	s18 =	simm.s32 @!p0 $0x4B80  }
0xad: {  	[tilespmem:s18], [sflag:$0x1] =	stream.indirect.gather @!p0 [hbm4b:s5+s8], $0x20, s17, s8, $0xb8;
	[tilespmem:$0x1B600] =	vst v63  }
0xae: {  	s17 =	simm.s32 @!p0 $0x270;
	s18 =	simm.s32 @!p0 $0x5800  }
0xaf: {  	[tilespmem:s18], [sflag:$0x1] =	stream.indirect.gather @!p0 [hbm4b:s5+s8], $0x20, s17, s8, $0xb8;
	[tilespmem:$0x1B600] =	vst v63  }
0xb0: {  	s17 =	simm.s32 @!p0 $0x2D8;
	s18 =	simm.s32 @!p0 $0x6480  }
0xb1: {  	[tilespmem:s18], [sflag:$0x1] =	stream.indirect.gather @!p0 [hbm4b:s5+s8], $0x20, s17, s8, $0xb8;
	[tilespmem:$0x1B600] =	vst v63  }
0xb2: {  	s17 =	simm.s32 @!p0 $0x340;
	s18 =	simm.s32 @!p0 $0x7100  }
0xb3: {  	[tilespmem:s18], [sflag:$0x1] =	stream.indirect.gather @!p0 [hbm4b:s5+s8], $0x20, s17, s8, $0xb8;
	[tilespmem:$0x1B600] =	vst v63  }
0xb4: {  	s17 =	simm.s32 @!p0 $0x3A8;
	s18 =	simm.s32 @!p0 $0x7D80  }
0xb5: {  	[tilespmem:s18], [sflag:$0x1] =	stream.indirect.gather @!p0 [hbm4b:s5+s8], $0x20, s17, s8, $0xb8;
	[tilespmem:$0x1B600] =	vst v63  }
0xb6: {  	s17 =	simm.s32 @!p0 $0x410;
	s18 =	simm.s32 @!p0 $0x8A00  }
0xb7: {  	[tilespmem:s18], [sflag:$0x1] =	stream.indirect.gather @!p0 [hbm4b:s5+s8], $0x20, s17, s8, $0xb8;
	[tilespmem:$0x1B600] =	vst v63  }
0xb8: {  	s17 =	simm.s32 @!p0 $0x478;
	s18 =	simm.s32 @!p0 $0x9680  }
0xb9: {  	[tilespmem:s18], [sflag:$0x1] =	stream.indirect.gather @!p0 [hbm4b:s5+s8], $0x20, s17, s8, $0xb8;
	[tilespmem:$0x1B600] =	vst v63  }
0xba: {  	s17 =	simm.s32 @!p0 $0x4E0;
	s18 =	simm.s32 @!p0 $0xA300  }
0xbb: {  	[tilespmem:s18], [sflag:$0x1] =	stream.indirect.gather @!p0 [hbm4b:s5+s8], $0x20, s17, s8, $0xb8;
	[tilespmem:$0x1B600] =	vst v63  }
0xbc: {  	s17 =	simm.s32 @!p0 $0x548;
	s18 =	simm.s32 @!p0 $0xAF80  }
0xbd: {  	[tilespmem:s18], [sflag:$0x1] =	stream.indirect.gather @!p0 [hbm4b:s5+s8], $0x20, s17, s8, $0xb8;
	[tilespmem:$0x1B600] =	vst v63  }
0xbe: {  	s17 =	simm.s32 @!p0 $0x5B0;
	s18 =	simm.s32 @!p0 $0xBC00  }
0xbf: {  	[tilespmem:s18], [sflag:$0x1] =	stream.indirect.gather @!p0 [hbm4b:s5+s8], $0x20, s17, s8, $0xb8;
	[tilespmem:$0x1B600] =	vst v63  }
0xc0: {  	s17 =	simm.s32 @!p0 $0x618;
	s18 =	simm.s32 @!p0 $0xC880  }
0xc1: {  	[tilespmem:s18], [sflag:$0x1] =	stream.indirect.gather @!p0 [hbm4b:s5+s8], $0x20, s17, s8, $0xb8;
	[tilespmem:$0x1B600] =	vst v63  }
0xc2: {  	_ =	swait.ge [sflag:s31], $0xC800  }
0xc3: {  	[sflag:s31] =	ssyncset.done $0x0  }
0xc4: {  	s8 =	simm.s32 $0x0;
	[sflag:s31] =	ssyncadd.s32 $0xFFFF3800  }
0xc5: {  	v1 =	vld [tilespmem:s8+$0x19D00]  }
0xc6: {  	v0 =	vld [tilespmem:s8+$0x19D10]  }
0xc7: {  	v2 =	vld [tilespmem:s8+$0xD500]  }
0xc8: {  	v3 =	vld [tilespmem:s8+$0xD510]  }
0xc9: {  	v4 =	vld [tilespmem:s8+$0xEE00]  }
0xca: {  	v5 =	vld [tilespmem:s8+$0xEE10]  }
0xcb: {  	v6 =	vld [tilespmem:s8+$0x10700]  }
0xcc: {  	v7 =	vld [tilespmem:s8+$0x10710];
	v2 =	vadd.f32 v2, v1  }
0xcd: {  	v8 =	vld [tilespmem:s8+$0x12000];
	v3 =	vadd.f32 v3, v0  }
0xce: {  	v9 =	vld [tilespmem:s8+$0x12010];
	[tilespmem:s8+$0xD500] =	vst v2;
	v2 =	vadd.f32 v4, v1  }
0xcf: {  	v10 =	vld [tilespmem:s8+$0x13900];
	[tilespmem:s8+$0xD510] =	vst v3;
	v3 =	vadd.f32 v5, v0  }
0xd0: {  	v11 =	vld [tilespmem:s8+$0x13910];
	[tilespmem:s8+$0xEE00] =	vst v2;
	v2 =	vadd.f32 v6, v1  }
0xd1: {  	v4 =	vadd.f32 v7, v0;
	[tilespmem:s8+$0xEE10] =	vst v3;
	v3 =	vld [tilespmem:s8+$0x15200]  }
0xd2: {  	v5 =	vadd.f32 v8, v1;
	[tilespmem:s8+$0x10700] =	vst v2;
	v2 =	vld [tilespmem:s8+$0x15210]  }
0xd3: {  	[tilespmem:s8+$0x10710] =	vst v4;
	v4 =	vld [tilespmem:s8+$0x16B00];
	v6 =	vadd.f32 v9, v0  }
0xd4: {  	v8 =	vadd.f32 v10, v1;
	[tilespmem:s8+$0x12000] =	vst v5;
	v5 =	vld [tilespmem:s8+$0x16B10]  }
0xd5: {  	s17 =	simm.s32 $0x80;
	v7 =	vadd.f32 v11, v0;
	[tilespmem:s8+$0x12010] =	vst v6;
	v6 =	vld [tilespmem:s8+$0x18400]  }
.LBB2_5:
0xd6: {  	s18 =	sshra.s32 s17, $0x2;
	p1 =	sne.s32 s17, $0x6380;
	[tilespmem:s8+$0x13900] =	vst v8;
	v3 =	vadd.f32 v3, v1;
	v8 =	vld [tilespmem:s8+$0x18410]  }
0xd7: {  	v9 =	vld [tilespmem:s18+$0x19D00];
	[tilespmem:s8+$0x13910] =	vst v7;
	v2 =	vadd.f32 v2, v0  }
0xd8: {  	v7 =	vld [tilespmem:s18+$0x19D10];
	[tilespmem:s8+$0x15200] =	vst v3;
	v3 =	vadd.f32 v4, v1  }
0xd9: {  	v4 =	vld [tilespmem:s18+$0xD500];
	[tilespmem:s8+$0x15210] =	vst v2;
	v2 =	vadd.f32 v5, v0  }
0xda: {  	v5 =	vld [tilespmem:s18+$0xD510];
	[tilespmem:s8+$0x16B00] =	vst v3;
	v6 =	vadd.f32 v6, v1  }
0xdb: {  	v3 =	vld [tilespmem:s18+$0xEE00];
	[tilespmem:s8+$0x16B10] =	vst v2;
	v8 =	vadd.f32 v8, v0  }
0xdc: {  	v2 =	vld [tilespmem:s18+$0xEE10];
	[tilespmem:s8+$0x18400] =	vst v6;
	v1 =	vmov v9  }
0xdd: {  	v6 =	vld [tilespmem:s18+$0x10700];
	[tilespmem:s8+$0x18410] =	vst v8;
	v0 =	vmov v7;
	s8 =	smov.u32 s18  }
0xde: {  	v4 =	vadd.f32 v4, v1;
	v7 =	vld [tilespmem:s8+$0x10710]  }
0xdf: {  	v5 =	vadd.f32 v5, v0;
	v8 =	vld [tilespmem:s8+$0x12000]  }
0xe0: {  	[tilespmem:s8+$0xD500] =	vst v4;
	v3 =	vadd.f32 v3, v1;
	v4 =	vld [tilespmem:s8+$0x12010]  }
0xe1: {  	[tilespmem:s8+$0xD510] =	vst v5;
	v2 =	vadd.f32 v2, v0;
	v5 =	vld [tilespmem:s8+$0x13900]  }
0xe2: {  	[tilespmem:s8+$0xEE00] =	vst v3;
	v6 =	vadd.f32 v6, v1;
	v9 =	vld [tilespmem:s8+$0x13910]  }
.Ltmp3:
0xe3: {  	[tilespmem:s8+$0xEE10] =	vst v2;
	v7 =	vadd.f32 v7, v0;
	v3 =	vld [tilespmem:s8+$0x15200];
	(pc) =	sbr.rel @p1 .LBB2_5-.Ltmp3, $4  }
0xe4: {  	[tilespmem:s8+$0x10700] =	vst v6;
	v6 =	vadd.f32 v8, v1;
	v2 =	vld [tilespmem:s8+$0x15210]  }
0xe5: {  	[tilespmem:s8+$0x10710] =	vst v7;
	v7 =	vadd.f32 v4, v0;
	v4 =	vld [tilespmem:s8+$0x16B00]  }
0xe6: {  	[tilespmem:s8+$0x12000] =	vst v6;
	v8 =	vadd.f32 v5, v1;
	v5 =	vld [tilespmem:s8+$0x16B10]  }
0xe7: {  	s17 =	sadd.s32 $0x80, s17;
	[tilespmem:s8+$0x12010] =	vst v7;
	v7 =	vadd.f32 v9, v0;
	v6 =	vld [tilespmem:s8+$0x18400]  }
0xe8: {  	[tilespmem:s8+$0x13900] =	vst v8;
	v3 =	vadd.f32 v3, v1;
	v59 =	vld [tilespmem:s8+$0x18410]  }
0xe9: {  	[tilespmem:s8+$0x13910] =	vst v7;
	v2 =	vadd.f32 v2, v0  }
0xea: {  	[tilespmem:s8+$0x15200] =	vst v3;
	v60 =	vadd.f32 v4, v1  }
0xeb: {  	[tilespmem:s8+$0x15210] =	vst v2;
	v61 =	vadd.f32 v5, v0  }
.Ltmp4:
0xec: {  	s13 =	sadd.s32 s13, s11;
	[tilespmem:s8+$0x16B00] =	vst v60;
	v62 =	vadd.f32 v6, v1;
	(pc) =	sbr.rel @p0 .LBB2_8-.Ltmp4, $4  }
0xed: {  	s13 =	sshll.u32 s13, $0x2;
	[tilespmem:s8+$0x16B10] =	vst v61;
	v63 =	vadd.f32 v59, v0  }
0xee: {  	s13 =	sand.u32 $0x1FFFFF00, s13;
	[tilespmem:s8+$0x18400] =	vst v62  }
0xef: {  	s18 =	sadd.s32 s2, s13;
	[tilespmem:s8+$0x18410] =	vst v63  }
0xf0: {  	[hbm4b:s18+s3] =	stream.linear.scatter [tilespmem:s14], [sflag:$0x4], $0xC800, $0x38;
	[tilespmem:$0x1B600] =	vst v63  }
0xf1: {  	s8 =	sadd.s32 s9, s12  }
0xf2: {  	_ =	swait.ge [sflag:s0], $0xC800;
	s8 =	smul.u32 $0xD, s8  }
0xf3: {  	[sflag:s0] =	ssyncset.done $0x0  }
0xf4: {  	[sflag:s0] =	ssyncadd.s32 $0xFFFF3800;
	s8 =	sadd.s32 s4, s8  }
0xf5: {  	[tilespmem:s1], [sflag:$0x5] =	stream.linear.gather [hbm4b:s8+s3], $0x680, $0x38;
	[tilespmem:$0x1B600] =	vst v63  }
0xf6: {  	_ =	swait.ge [sflag:s15], $0x680  }
0xf7: {  	[sflag:s15] =	ssyncset.done $0x0  }
0xf8: {  	[sflag:s15] =	ssyncadd.s32 $0xFFFFF980  }
0xf9: {  	[tilespmem:s14], [sflag:$0x2] =	stream.indirect.gather [hbm4b:s5+s16], $0x20, s1, s16, $0xb8;
	[tilespmem:$0x1B600] =	vst v63  }
0xfa: {  	s9 =	simm.s32 $0x6E8;
	s13 =	simm.s32 $0xE180  }
0xfb: {  	[tilespmem:s13], [sflag:$0x2] =	stream.indirect.gather [hbm4b:s5+s16], $0x20, s9, s16, $0xb8;
	[tilespmem:$0x1B600] =	vst v63  }
0xfc: {  	s17 =	simm.s32 $0x750;
	s18 =	simm.s32 $0xEE00  }
0xfd: {  	[tilespmem:s18], [sflag:$0x2] =	stream.indirect.gather [hbm4b:s5+s16], $0x20, s17, s16, $0xb8;
	[tilespmem:$0x1B600] =	vst v63  }
0xfe: {  	s9 =	simm.s32 $0x7B8;
	s13 =	simm.s32 $0xFA80  }
0xff: {  	[tilespmem:s13], [sflag:$0x2] =	stream.indirect.gather [hbm4b:s5+s16], $0x20, s9, s16, $0xb8;
	[tilespmem:$0x1B600] =	vst v63  }
0x100: {  	s17 =	simm.s32 $0x820;
	s18 =	simm.s32 $0x10700  }
0x101: {  	[tilespmem:s18], [sflag:$0x2] =	stream.indirect.gather [hbm4b:s5+s16], $0x20, s17, s16, $0xb8;
	[tilespmem:$0x1B600] =	vst v63  }
0x102: {  	s9 =	simm.s32 $0x888;
	s13 =	simm.s32 $0x11380  }
0x103: {  	[tilespmem:s13], [sflag:$0x2] =	stream.indirect.gather [hbm4b:s5+s16], $0x20, s9, s16, $0xb8;
	[tilespmem:$0x1B600] =	vst v63  }
0x104: {  	s17 =	simm.s32 $0x8F0;
	s18 =	simm.s32 $0x12000  }
0x105: {  	[tilespmem:s18], [sflag:$0x2] =	stream.indirect.gather [hbm4b:s5+s16], $0x20, s17, s16, $0xb8;
	[tilespmem:$0x1B600] =	vst v63  }
0x106: {  	s9 =	simm.s32 $0x958;
	s13 =	simm.s32 $0x12C80  }
0x107: {  	[tilespmem:s13], [sflag:$0x2] =	stream.indirect.gather [hbm4b:s5+s16], $0x20, s9, s16, $0xb8;
	[tilespmem:$0x1B600] =	vst v63  }
0x108: {  	s17 =	simm.s32 $0x9C0;
	s18 =	simm.s32 $0x13900  }
0x109: {  	[tilespmem:s18], [sflag:$0x2] =	stream.indirect.gather [hbm4b:s5+s16], $0x20, s17, s16, $0xb8;
	[tilespmem:$0x1B600] =	vst v63  }
0x10a: {  	s9 =	simm.s32 $0xA28;
	s13 =	simm.s32 $0x14580  }
0x10b: {  	[tilespmem:s13], [sflag:$0x2] =	stream.indirect.gather [hbm4b:s5+s16], $0x20, s9, s16, $0xb8;
	[tilespmem:$0x1B600] =	vst v63  }
0x10c: {  	s17 =	simm.s32 $0xA90;
	s18 =	simm.s32 $0x15200  }
0x10d: {  	[tilespmem:s18], [sflag:$0x2] =	stream.indirect.gather [hbm4b:s5+s16], $0x20, s17, s16, $0xb8;
	[tilespmem:$0x1B600] =	vst v63  }
0x10e: {  	_ = 	snop  }
0x10f: {  	[tilespmem:s20], [sflag:$0x2] =	stream.indirect.gather [hbm4b:s5+s16], $0x20, s19, s16, $0xb8;
	[tilespmem:$0x1B600] =	vst v63  }
0x110: {  	_ = 	snop  }
0x111: {  	[tilespmem:s22], [sflag:$0x2] =	stream.indirect.gather [hbm4b:s5+s16], $0x20, s21, s16, $0xb8;
	[tilespmem:$0x1B600] =	vst v63  }
0x112: {  	_ = 	snop  }
0x113: {  	[tilespmem:s24], [sflag:$0x2] =	stream.indirect.gather [hbm4b:s5+s16], $0x20, s23, s16, $0xb8;
	[tilespmem:$0x1B600] =	vst v63  }
.Ltmp5:
0x114: {  	_ = 	snop;
	(pc) =	sbr.rel .LBB2_2-.Ltmp5, $4  }
0x115: {  	_ = 	snop  }
0x116: {  	[tilespmem:s26], [sflag:$0x2] =	stream.indirect.gather [hbm4b:s5+s16], $0x20, s25, s16, $0xb8;
	[tilespmem:$0x1B600] =	vst v63  }
0x117: {  	s6 =	sadd.s32 $0x1, s6  }
0x118: {  	[tilespmem:s29], [sflag:$0x2] =	stream.indirect.gather [hbm4b:s5+s16], $0x20, s28, s16, $0xb8;
	[tilespmem:$0x1B600] =	vst v63  }
.LBB2_9:
0x119: {  	_ =	sfence.sel $0x180000  }
0x11a: {  	[bflag:$0x0] =	sbarrier.arrive $0xFFFF  }
0x11b: {  	_ =	strace $0x90000047  }
0x11c: {  	s0 =	stileid.u32;
	[bflag:$0x2] =	sbarrier.arrive $0xFFFF  }
0x11d: {  	p0 =	sne.s32 s0, $0x0;
	s0 =	rddreg [dreg:$0x2]  }
0x11e: {  	s0 =	sadd.s32 @!p0 $0x100000, s0  }
0x11f: {  	[sflag:s0] =	ssyncadd.tile.s32 @!p0 $0x1;
	_ =	shalt  }
.Lfunc_end2:
_tile_overlayer_lowered:
.L_overlay_start_2:
0x120: {  	(tag) =	ssettag $0x2  }
0x121: {  	s0 =	rddreg [dreg:$0x0];
	s2 =	stileid.u32  }
0x122: {  	s1 =	rddreg [dreg:$0x1];
	p0 =	sne.s32 s2, $0x0  }
0x123: {  	s3 =	rddreg [dreg:$0x2];
	[bflag:$0x3] =	sbarrier.arrive $0xFFFF;
	s2 =	simm.s32 @!p0 $0x1C05  }
0x124: {  	[timem:s3], [sflag:s2] =	dma.local @!p0 [hbm:s0], s1  }
0x125: {  	s0 =	simm.s32 @!p0 $0x5  }
0x126: {  	_ =	swait.ge @!p0 [sflag:s0], s1  }
0x127: {  	s1 =	ssub.s32 @!p0 $0x0, s1;
	[sflag:s0] =	ssyncset.done @!p0 $0x0  }
0x128: {  	[sflag:s0] =	ssyncadd.s32 @!p0 s1  }
0x129: {  	[bflag:$0x3] =	sbarrier.arrive $0xFFFF  }
0x12a: {  	_ =	shalt  }

// kernel: sparse-core-data-format-call.cloned.1.call-start
scs
called_computation_lowered:
.L_overlay_start_0:
0x0: {  	s2 =	sld [smem:$0x3FD9]  }
0x1: {  	s3 =	sld [smem:$0x3FFE];
	_ =	sdelay $0x1  }
0x2: {  	s1 =	srdreg.scid  }
0x3: {  	s0 =	sand.u32 $0x1, s1  }
0x4: {  	s18 =	sshll.u32 s0, $0xA;
	s2 =	sadd.s32 s3, s2  }
0x5: {  	s2 =	sadd.s32 s2, s18  }
0x6: {  	[smem:$0x3FC5] =	sst s2  }
0x7: {  	_ = 	snop  }
0x8: {  	s2 =	sld [smem:$0x3FD0];
	(tm) =	ssettm $0x1  }
0x9: {  	s19 =	sld [smem:$0x3FFB];
	_ =	sdelay $0x3  }
0xa: {  	_ =	strace s19  }
0xb: {  	s3 =	sld [smem:$0x3FFC];
	_ =	sdelay $0x3  }
0xc: {  	_ =	strace s3  }
0xd: {  	s3 =	sld [smem:$0x3FFD];
	_ =	sdelay $0x3  }
0xe: {  	_ =	strace s3  }
0xf: {  	_ =	strace $0x8FFFFFFF  }
0x10: {  	s20 =	sld [smem:$0x3FDB];
	_ =	sdelay $0x1  }
0x11: {  	s4 =	simm.s32 $_scs_section_size  }
0x12: {  	s5 =	simm.s32 $_size__tile_overlayer_lowered;
	s6 =	simm.s32 $_tile_overlayer_lowered  }
0x13: {  	s23 =	simm.s32 $0x1BFF;
	s22 =	sshll.u32 s6, $0x1;
	s3 =	sadd.s32 s4, s20  }
0x14: {  	s7 =	simm.s32 $0x0;
	s21 =	sshll.u32 s5, $0x1;
	s5 =	sadd.s32 s22, s3  }
0x15: {  	[timem:s7], [sflag:s23] =	dma.local [hbm:s5], s21  }
0x16: {  	_ =	swait.ge [sflag:s23], s21  }
0x17: {  	s4 =	ssub.s32 $0x0, s21;
	[sflag:s23] =	ssyncset.done $0x0  }
0x18: {  	[sflag:s23] =	ssyncadd.s32 s4;
	_ =	sdelay $0x1  }
0x19: {  	s24 =	simm.s32 $0x1B8B  }
0x1a: {  	_ =	swait.ge [sflag:s24], $0x1  }
0x1b: {  	[sflag:s24] =	ssyncset.done $0x0  }
0x1c: {  	s26 =	simm.s32 $0x1B8E;
	s25 =	sld [smem:$0x3FFE];
	[sflag:s24] =	ssyncadd.s32 $0xFFFFFFFF  }
0x1d: {  	s27 =	simm.s32 $execute0_lowered;
	[smem:$0x3FD2] =	sst s26  }
0x1e: {  	s5 =	sshll.u32 s27, $0x1;
	_ =	strace $0x80000049;
	[dreg:$0x1] =	wrdreg $0xFFFFFFFF  }
0x1f: {  	s28 =	simm.s32 $_size_execute0_lowered;
	s3 =	sadd.s32 s3, s5;
	[dreg:$0x0] =	wrdreg $0x0  }
0x20: {  	s5 =	sshll.u32 s28, $0x1;
	[dreg:$0x2] =	wrdreg s3  }
0x21: {  	[dreg:$0x3] =	wrdreg s5  }
0x22: {  	[dreg:$0x4] =	wrdreg $0xC0  }
0x23: {  	_ =	task [dreg:s7], $0x5FFFF  }
0x24: {  	[dreg:$0x1] =	wrdreg $0xFFFFFFFF  }
0x25: {  	[dreg:$0x0] =	wrdreg $0x60  }
0x26: {  	[dreg:$0x2] =	wrdreg s25  }
0x27: {  	[dreg:$0x3] =	wrdreg s2  }
0x28: {  	[dreg:$0x4] =	wrdreg $0x9  }
0x29: {  	_ =	task.clear_ibuf [dreg:s7], $0x5FFFF;
	_ =	strace $0x90000049  }
0x2a: {  	s29 =	simm.s32 $0x9;
	_ =	strace $0x8000004B  }
0x2b: {  	_ =	swait.ge [sflag:s29], $0x1  }
0x2c: {  	[sflag:s29] =	ssyncadd.s32 $0xFFFFFFFF  }
0x2d: {  	_ =	strace $0x9000004B  }
0x2e: {  	_ =	sfence  }
0x2f: {  	s30 =	sld [smem:$0x0];
	_ =	sdelay $0x2  }
0x30: {  	s31 =	sshll.u32 s1, $0xD;
	s1 =	sshrl.u32 s1, $0x2  }
0x31: {  	s3 =	sand.u32 $0x4000, s31;
	s1 =	sadd.s32 s1, s30  }
0x32: {  	s0 =	sor.u32 s3, s0;
	s1 =	sshll.u32 s1, $0x11  }
0x33: {  	s0 =	sor.u32 s1, s0  }
0x34: {  	s0 =	sadd.s32 $0x8F2B, s0  }
0x35: {  	[sflag:s0] =	ssyncadd.remote.s32 $0x1  }
0x36: {  	_ =	sfence.sel $0xFFFF  }
0x37: {  	[dreg:$0x0] =	wrdreg $0xFFFFFFFF;
	(pc) =	sbr.abs _section_cstart, $3  }
0x38: {  	[dreg:$0x1] =	wrdreg $0xFFFFFFFF  }
0x39: {  	_ =	task.clear_ibuf [dreg:s7], $0x2FFFF;
	_ =	strace $0x9FFFFFFF  }
0x3a: {  	(tm) =	ssettm $0x7FFFFFFF  }
0x3b: {  	_ =	shalt  }
tec
execute0_lowered:
.L_overlay_start_1:
0x0: {  	(tag) =	ssettag $0x1  }
0x1: {  	s0 =	srdreg.scid  }
0x2: {  	s1 =	sshll.u32 s0, $0x4  }
0x3: {  	s0 =	stileid.u32;
	s1 =	sand.u32 $0x10, s1  }
0x4: {  	s1 =	sor.u32 s0, s1  }
0x5: {  	s6 =	rddreg [dreg:$0x0];
	s4 =	simm.s32 $0x1;
	s2 =	sshll.u32 s1, $0x7  }
0x6: {  	s7 =	simm.s32 $0x2;
	s12 =	simm.s32 $0x0;
	s1 =	ssub.s32 $0x4000, s2  }
0x7: {  	s8 =	simm.s32 $0x20000;
	s13 =	simm.s32 $0x0;
	s3 =	sand.u32 $0xF80, s1  }
0x8: {  	s9 =	simm.s32 $0x0;
	s5 =	sshrl.u32 s1, $0xC;
	p0 =	sne.s32 s3, $0x0  }
.Ltmp0:
0x9: {  	s1 =	rddreg [dreg:$0x2];
	s4 =	simm.s32 @!p0 $0x0;
	(pc) =	sbr.rel .LBB1_1-.Ltmp0, $4  }
0xa: {  	s11 =	simm.s32 $0x0;
	s3 =	rddreg [dreg:$0x1];
	s5 =	sadd.s32 s4, s5  }
0xb: {  	_ =	strace $0x8000004A;
	s4 =	simm.s32 $0x1;
	s5 =	smul.u32 $0xC8, s5  }
0xc: {  	s6 =	sadd.s32 $0x1800, s6;
	s10 =	smov.u32 s2;
	[sflag:s4] =	ssyncpa.u1 $0x0  }
0xd: {  	p0 =	por $0x0, $0x0;
	[sflag:s7] =	ssyncpa.u1 $0x0;
	s7 =	sor.u32 $0x1, s5  }
.LBB1_4:
0xe: {  	s16 =	sshll.u32 s13, $0x3;
	s17 =	sand.u32 $0x78, s13  }
0xf: {  	s30 =	sand.u32 $0xF800, s13;
	s12 =	sshll.u32 s12, $0x10;
	s16 =	sand.u32 $0x3C00, s16  }
0x10: {  	s31 =	sand.u32 $0x7, s13;
	s16 =	sor.u32 s17, s16;
	s17 =	sadd.s32 s3, s30  }
0x11: {  	s13 =	sshll.u32 s31, $0x12;
	s16 =	sshrl.u32 s16, $0x3;
	s12 =	sadd.s32 s12, s17  }
0x12: {  	[tilespmem:s15+$0x0 ss:$0x81] =	vst.msk $0xffff, v0;
	s13 =	sor.u32 $0x400, s13;
	s12 =	sadd.s32 s16, s12  }
0x13: {  	[hbm4b:s12+s13] =	stream.strided.scatter [tilespmem:s14], [sflag:$0x2], $0x1000, s8, s13, $0x20;
	[tilespmem:$0x4040] =	vst v63  }
.LBB1_5:
0x14: {  	s14 =	sadd.s32 $0x1, s9  }
0x15: {  	s12 =	sadd.s32 $0x1000, s10;
	s16 =	smov.u32 s10;
	p2 =	sgt.s32 s14, $0xC7  }
0x16: {  	s16 =	smov.u32 @p2 s12  }
0x17: {  	s14 =	simm.s32 @p2 $0x0;
	p2 =	sgt.s32 s16, $0x3FFF  }
0x18: {  	s16 =	smov.u32 @p2 s2;
	p2 =	sne.s32 s11, s7  }
.Ltmp1:
0x19: {  	p1 =	slt.u32 s11, $0x2;
	(pc) =	sbr.rel @!p2 .LBB1_6-.Ltmp1, $4  }
0x1a: {  	s15 =	simm.s32 @!p1 $0x2  }
0x1b: {  	s13 =	smov.u32 s10;
	p0 =	por !p0, !p0;
	_ =	swait.ge @!p1 [sflag:s15], $0x1000  }
0x1c: {  	s12 =	smov.u32 s9;
	[sflag:s15] =	ssyncset.done @!p1 $0x0;
	s9 =	smov.u32 s14  }
0x1d: {  	s11 =	sadd.s32 $0x1, s11;
	[sflag:s15] =	ssyncadd.s32 @!p1 $0xFFFFF000;
	s10 =	smov.u32 s16  }
.LBB1_1:
0x1e: {  	p1 =	sge.u32 s11, s5  }
0x1f: {  	s14 =	sand.u32 @!p1 $0x1FFFFFF, s9  }
0x20: {  	s15 =	smulhi.u32 @!p1 $0x147AE15, s14;
	_ =	sdelay $0x1  }
0x21: {  	s15 =	smul.u32 @!p1 $0xC8, s15  }
0x22: {  	s16 =	sxor.u32 @!p1 $0xFFFFFFFF, s11;
	s17 =	smul.u32 @!p1 $0xC80, s10  }
0x23: {  	s31 =	sadd.s32 $0xFFFFFFFF, s11;
	s16 =	sshll.u32 @!p1 s16, $0xC;
	s14 =	ssub.s32 @!p1 s14, s15  }
0x24: {  	s15 =	sand.u32 @!p1 $0x1000, s16;
	s16 =	sadd.s32 @!p1 s6, s17;
	s14 =	sshll.u32 @!p1 s14, $0x4  }
0x25: {  	s17 =	simm.s32 @!p1 $0x6400;
	s14 =	sadd.s32 @!p1 s14, s16;
	s16 =	simm.s32 @!p1 $0x20  }
0x26: {  	[tilespmem:s15], [sflag:$0x1] =	stream.strided.gather @!p1 [hbm4b:s14+s16], $0x1000, s17, s16, $0x38;
	[tilespmem:$0x4040] =	vst v63  }
0x27: {  	p1 =	sge.u32 s31, s5  }
.Ltmp2:
0x28: {  	_ = 	snop;
	(pc) =	sbr.rel @p1 .LBB1_5-.Ltmp2, $1  }
0x29: {  	_ =	sdelay $0x3  }
0x2a: {  	s14 =	simm.s32 $0x1  }
0x2b: {  	_ =	swait.ge [sflag:s4], $0x1000;
	s14 =	simm.s32 @!p0 $0x0  }
0x2c: {  	[sflag:s4] =	ssyncset.done $0x0;
	s15 =	sshll.u32 s14, $0xC  }
0x2d: {  	[sflag:s4] =	ssyncadd.s32 $0xFFFFF000;
	s18 =	sor.u32 $0x10, s15  }
0x2e: {  	s14 =	smul.u32 $0x4080, s14;
	v1 =	vld [tilespmem:s18+$0x0]  }
0x2f: {  	s30 =	sand.u32 $0x1, s11;
	v0 =	vld [tilespmem:s18+$0xFFFFFFF0]  }
0x30: {  	s15 =	smul.u32 $0x4080, s30;
	s14 =	sshrl.u32 s14, $0x2  }
0x31: {  	s16 =	sor.u32 $0x2000, s14  }
0x32: {  	s31 =	sshrl.u32 s15, $0x2;
	s15 =	sadd.s32 $0x0, s16  }
0x33: {  	s17 =	simm.s32 $0x4;
	s18 =	sadd.s32 $0x20, s18;
	s14 =	sor.u32 $0x2000, s31;
	[tilespmem:s15+$0x810 ss:$0x81] =	vst.msk $0xffff, v1  }
.LBB1_3:
0x34: {  	v1 =	vld [tilespmem:s18+$0x0];
	p1 =	sne.s32 s17, $0x1FC;
	[tilespmem:s15+$0x0 ss:$0x81] =	vst.msk $0xffff, v0;
	s15 =	smov.u32 s17;
	s17 =	sadd.s32 $0x4, s17  }
.Ltmp3:
0x35: {  	v0 =	vld [tilespmem:s18+$0xFFFFFFF0];
	(pc) =	sbr.rel @p1 .LBB1_3-.Ltmp3, $4  }
0x36: {  	_ = 	snop  }
0x37: {  	s15 =	sshra.s32 s15, $0x2  }
0x38: {  	s15 =	sadd.s32 s15, s16  }
0x39: {  	s18 =	sadd.s32 $0x20, s18;
	[tilespmem:s15+$0x810 ss:$0x81] =	vst.msk $0xffff, v1  }
.Ltmp4:
0x3a: {  	_ = 	snop;
	(pc) =	sbr.rel .LBB1_4-.Ltmp4, $1  }
0x3b: {  	_ =	sdelay $0x3  }
.LBB1_6:
0x3c: {  	_ =	sfence.sel $0x180000  }
0x3d: {  	s2 =	simm.s32 $0x1;
	[bflag:$0x0] =	sbarrier.arrive $0xFFFF  }
0x3e: {  	s31 =	simm.s32 $0x2;
	[sflag:s2] =	ssyncpa.u1 $0x1  }
0x3f: {  	[sflag:s31] =	ssyncpa.u1 $0x1  }
0x40: {  	p0 =	sne.s32 s0, $0x0;
	_ =	strace $0x9000004A  }
0x41: {  	s0 =	sadd.s32 @!p0 $0x100000, s1;
	[bflag:$0x2] =	sbarrier.arrive $0xFFFF  }
0x42: {  	[sflag:s0] =	ssyncadd.tile.s32 @!p0 $0x1;
	_ =	shalt  }
.Lfunc_end1:
_tile_overlayer_lowered:
.L_overlay_start_2:
0x43: {  	(tag) =	ssettag $0x2  }
0x44: {  	s0 =	rddreg [dreg:$0x0];
	s2 =	stileid.u32  }
0x45: {  	s1 =	rddreg [dreg:$0x1];
	p0 =	sne.s32 s2, $0x0  }
0x46: {  	s3 =	rddreg [dreg:$0x2];
	[bflag:$0x3] =	sbarrier.arrive $0xFFFF;
	s2 =	simm.s32 @!p0 $0x1C01  }
0x47: {  	[timem:s3], [sflag:s2] =	dma.local @!p0 [hbm:s0], s1  }
0x48: {  	s0 =	simm.s32 @!p0 $0x1  }
0x49: {  	_ =	swait.ge @!p0 [sflag:s0], s1  }
0x4a: {  	s1 =	ssub.s32 @!p0 $0x0, s1;
	[sflag:s0] =	ssyncset.done @!p0 $0x0  }
0x4b: {  	[sflag:s0] =	ssyncadd.s32 @!p0 s1  }
0x4c: {  	[bflag:$0x3] =	sbarrier.arrive $0xFFFF  }
0x4d: {  	_ =	shalt  }

</sc_bundles>
